<compile_context>
chip_gen: v7x
topology: tpu7x:2x2x1
jax: 0.10.2.dev20260603
libtpu: 0.0.44.dev20260713+nightly
codegen_flags: <defaults>
</compile_context>

<pallas_src>
import jax
import jax.numpy as jnp
from jax import lax
from jax.experimental import pallas as pl
from jax.experimental.pallas import tpu as pltpu
from jax.experimental.pallas import tpu_sc as plsc

N = 64
B = 16
D = 512
NC = 2
NS = 16
NW = NC * NS
RPW = (B * D) // NW
G = 4
NBUF = 2
NG = RPW // G


def _row_ops(bufs, x_v, v, r, gg, iota):
    vs = jnp.full((16,), v, jnp.int32)
    gs = jnp.full((16,), gg, jnp.int32)

    def xload(off):
        return x_v[r, pl.ds(off, 16)]

    def gat(iv, jv, mask):
        return plsc.load_gather(bufs, [vs, gs, iv, jv], mask=mask)

    def sct(iv, jv, val, mask):
        plsc.store_scatter(bufs, [vs, gs, iv, jv], val, mask=mask)

    i1 = [iota + 16 * c for c in range(4)]
    w = [xload(16 * c) for c in range(4)]
    xlast = w[3]
    for c in range(4):
        sct(i1[c], i1[c], w[c], None)
    for m in range(1, 16):
        for c in range(3):
            i = i1[c]
            w[c] = jnp.maximum(w[c], xload(16 * c + m))
            sct(i, i + m, w[c], None)
        mask = iota <= 15 - m
        xs = xlast.at[jnp.minimum(iota + m, 15)].get(
            mode="promise_in_bounds"
        )
        w[3] = jnp.maximum(w[3], xs)
        sct(i1[3], i1[3] + m, w[3], mask)
    i2 = [2 * iota, 2 * iota + 32]
    w2 = []
    for c in range(2):
        i = i2[c]
        mask = None if c == 0 else (iota <= 7)
        a = gat(i, i + 15, mask)
        bq = gat(i + 1, i + 16, mask)
        cc = gat(i + 2, i + 17, mask)
        w2.append(jnp.maximum(jnp.maximum(a, bq), cc))
        sct(i, i + 17, w2[c], mask)
    for m in range(19, 32, 2):
        for c in range(2):
            i = i2[c]
            mask = None if c == 0 else (iota <= (31 - m) // 2)
            p2 = gat(i + 2, i + m, mask)
            w2[c] = jnp.maximum(w2[c], p2)
            sct(i, i + m, w2[c], mask)
    i4 = 4 * iota
    mask = iota <= 7
    a = gat(i4, i4 + 31, mask)
    bq = gat(i4 + 2, i4 + 33, mask)
    cc = gat(i4 + 4, i4 + 35, mask)
    w4 = jnp.maximum(jnp.maximum(a, bq), cc)
    sct(i4, i4 + 35, w4, mask)
    for m in range(39, 64, 4):
        mask = iota <= (63 - m) // 4
        p2 = gat(i4 + 4, i4 + m, mask)
        w4 = jnp.maximum(w4, p2)
        sct(i4, i4 + m, w4, mask)


def _sc_body(x_hbm, zeros_hbm, out_hbm, bufs, x_v, sems):
    cid = lax.axis_index("c")
    sid = lax.axis_index("s")
    wid = sid * NC + cid
    bw = wid // NC
    d0 = (wid % NC) * RPW
    pltpu.sync_copy(zeros_hbm, bufs)
    pltpu.sync_copy(x_hbm.at[bw].at[pl.ds(d0, RPW)], x_v)
    iota = lax.broadcasted_iota(jnp.int32, (16,), 0)

    def outer(it, carry):
        for v in range(NBUF):
            g = it * NBUF + v
            dd = d0 + g * G
            dst = out_hbm.at[bw].at[pl.ds(dd, G)]

            @pl.when(g >= NBUF)
            def _wait():
                pltpu.make_async_copy(bufs.at[v], dst, sems.at[v]).wait()

            def row(gg, c2):
                _row_ops(bufs, x_v, v, g * G + gg, gg, iota)
                return c2

            lax.fori_loop(0, G, row, 0)
            pltpu.make_async_copy(bufs.at[v], dst, sems.at[v]).start()
        return carry

    lax.fori_loop(0, NG // NBUF, outer, 0)
    for v in range(NBUF):
        dst = out_hbm.at[bw].at[pl.ds(d0, G)]
        pltpu.make_async_copy(bufs.at[v], dst, sems.at[v]).wait()


@jax.jit
def _run(x, zeros):
    mesh = plsc.VectorSubcoreMesh(
        core_axis_name="c", subcore_axis_name="s", num_cores=NC,
        num_subcores=NS,
    )
    fn = pl.kernel(
        _sc_body,
        out_type=jax.ShapeDtypeStruct((B, D, N, N), jnp.float32),
        mesh=mesh,
        scratch_types=[
            pltpu.VMEM((NBUF, G, N, N), jnp.float32),
            pltpu.VMEM((RPW, N), jnp.float32),
            pltpu.SemaphoreType.DMA((NBUF,)),
        ],
        compiler_params=pltpu.CompilerParams(needs_layout_passes=False),
    )
    return fn(x, zeros)


def kernel(x):
    zeros = jnp.zeros((NBUF, G, N, N), jnp.float32)
    return _run(x, zeros)

# --- scband reference (transcript-rebuilt; emitter-appended) ---
"""Pipeline reference for scband-sparse-max-pool-2061584302476 (READ-ONLY COPY).

The authoritative reference and input builder live on the scoring server;
editing this copy changes nothing except your own understanding.
"""

import jax, jax.numpy as jnp
import numpy as np

POOLING_COUNTS = [15, 8, 8]
N = 64


def _build_config():
    maskij = []
    stride, offset = 1, 0
    for c in POOLING_COUNTS:
        for _ in range(c):
            offset += stride
            i = jnp.asarray(np.arange(0, N - offset, stride), dtype=jnp.int32)
            j = jnp.asarray(np.arange(offset, N, stride), dtype=jnp.int32)
            maskij.append((i, j))
        stride *= 2
    poolers = [(2, 1)] * POOLING_COUNTS[0]
    for c in POOLING_COUNTS[1:]:
        poolers.append((3, 2))
        poolers.extend([(2, 1)] * (c - 1))
    return maskij, poolers


def _maxpool1d(x, k, s):
    L = x.shape[-1]
    out_len = (L - k) // s + 1
    parts = [x[..., t : t + s * (out_len - 1) + 1 : s] for t in range(k)]
    out = parts[0]
    for p in parts[1:]:
        out = jnp.maximum(out, p)
    return out


def setup_inputs(seed: int = 0) -> dict:
    key = jax.random.key(seed)
    x = jax.random.normal(key, (16, 512, 64), dtype=jnp.float32)
    return {"x": x}


def reference(x):
    maskij, poolers = _build_config()
    B, D, n = x.shape
    map2d = jnp.zeros((B, D, n, n), dtype=x.dtype)
    diag = jnp.arange(n)
    map2d = map2d.at[:, :, diag, diag].set(x)
    cur = x
    for (k, s), (i, j) in zip(poolers, maskij):
        cur = _maxpool1d(cur, k, s)
        map2d = map2d.at[:, :, i, j].set(cur)
    return map2d

if __name__ == "__main__":
    import jax
    _d = setup_inputs()
    print(jax.jit(kernel)(*tuple(_d.values())))

</pallas_src>

<mosaic_0001>
#map = affine_map<(d0, d1) -> (0, 0, 0)>
#map1 = affine_map<(d0, d1) -> (0, 0, 0, 0)>
module attributes {stable_mosaic.version = 14 : i64} {
  func.func @_sc_body(%arg0: i32, %arg1: i32, %arg2: memref<16x512x64xf32, #tpu.memory_space<hbm>>, %arg3: memref<2x4x64x64xf32, #tpu.memory_space<hbm>>, %arg4: memref<16x512x64x64xf32, #tpu.memory_space<hbm>>, %arg5: memref<2x4x64x64xf32, #tpu.memory_space<vmem>>, %arg6: memref<256x64xf32, #tpu.memory_space<vmem>>, %arg7: memref<2x!tpu.dma_semaphore, #tpu.memory_space<semaphore_mem>>) attributes {dimension_semantics = [#tpu.dimension_semantics<core_parallel>, #tpu.dimension_semantics<subcore_parallel>], iteration_bounds = array<i64: 2, 16>, scalar_prefetch = 0 : i64, scratch_operands = 3 : i64, tpu.core_type = #tpu.core_type<sc_vector_subcore>, window_params = [{transform_indices = #map}, {transform_indices = #map1}, {transform_indices = #map1}]} {
    %mul3A = arith.constant 2 : i32
    %mul3A_0 = arith.muli %arg1, %mul3A : i32
    %add3A = arith.addi %mul3A_0, %arg0 : i32
    %jit3A = arith.constant 2 : i32
    %div3A = arith.divsi %add3A, %jit3A : i32
    %sign3A = arith.constant 0 : i32
    %sign3A_1 = arith.cmpi sgt, %add3A, %sign3A : i32
    %sign3A_2 = arith.extui %sign3A_1 : i1 to i32
    %sign3A_3 = arith.constant 0 : i32
    %sign3A_4 = arith.cmpi slt, %add3A, %sign3A_3 : i32
    %sign3A_5 = arith.extui %sign3A_4 : i1 to i32
    %sign3A_6 = arith.subi %sign3A_2, %sign3A_5 : i32
    %sign3A_7 = arith.constant 0 : i32
    %sign3A_8 = arith.cmpi sgt, %jit3A, %sign3A_7 : i32
    %sign3A_9 = arith.extui %sign3A_8 : i1 to i32
    %sign3A_10 = arith.constant 0 : i32
    %sign3A_11 = arith.cmpi slt, %jit3A, %sign3A_10 : i32
    %sign3A_12 = arith.extui %sign3A_11 : i1 to i32
    %sign3A_13 = arith.subi %sign3A_9, %sign3A_12 : i32
    %ne3A = arith.cmpi ne, %sign3A_6, %sign3A_13 : i32
    %rem3A = arith.remsi %add3A, %jit3A : i32
    %ne3A_14 = arith.constant 0 : i32
    %ne3A_15 = arith.cmpi ne, %rem3A, %ne3A_14 : i32
    %and3A = arith.andi %ne3A, %ne3A_15 : i1
    %sub3A = arith.constant 1 : i32
    %sub3A_16 = arith.subi %div3A, %sub3A : i32
    %select_n3A = arith.select %and3A, %sub3A_16, %div3A : i32
    %jit3A_17 = arith.constant 2 : i32
    %eq3A = arith.constant 0 : i32
    %eq3A_18 = arith.cmpi eq, %jit3A_17, %eq3A : i32
    %jit3A_19 = arith.constant 1 : i32
    %select_n3A_20 = arith.select %eq3A_18, %jit3A_19, %jit3A_17 : i32
    %rem3A_21 = arith.remsi %add3A, %select_n3A_20 : i32
    %ne3A_22 = arith.constant 0 : i32
    %ne3A_23 = arith.cmpi ne, %rem3A_21, %ne3A_22 : i32
    %lt3A = arith.constant 0 : i32
    %lt3A_24 = arith.cmpi slt, %rem3A_21, %lt3A : i32
    %lt3A_25 = arith.constant 0 : i32
    %lt3A_26 = arith.cmpi slt, %select_n3A_20, %lt3A_25 : i32
    %ne3A_27 = arith.xori %lt3A_24, %lt3A_26 : i1
    %and3A_28 = arith.andi %ne3A_27, %ne3A_23 : i1
    %add3A_29 = arith.addi %rem3A_21, %select_n3A_20 : i32
    %select_n3A_30 = arith.select %and3A_28, %add3A_29, %rem3A_21 : i32
    %mul3A_31 = arith.constant 256 : i32
    %mul3A_32 = arith.muli %select_n3A_30, %mul3A_31 : i32
    "tpu.region"() ({
      %run_scoped3A = tpu.sem_alloc : memref<!tpu.dma_semaphore, #tpu.memory_space<semaphore_mem>>
      tpu.enqueue_dma source(%arg3 : memref<2x4x64x64xf32, #tpu.memory_space<hbm>>) target(%arg5 : memref<2x4x64x64xf32, #tpu.memory_space<vmem>>) target_semaphore(%run_scoped3A : memref<!tpu.dma_semaphore, #tpu.memory_space<semaphore_mem>>)
      tpu.wait_dma2 semaphore(%run_scoped3A : memref<!tpu.dma_semaphore, #tpu.memory_space<semaphore_mem>>) src(%arg3 : memref<2x4x64x64xf32, #tpu.memory_space<hbm>>) dst(%arg5 : memref<2x4x64x64xf32, #tpu.memory_space<vmem>>)
      tpu.yield
    }) : () -> ()
    "tpu.region"() ({
      %run_scoped3A = tpu.sem_alloc : memref<!tpu.dma_semaphore, #tpu.memory_space<semaphore_mem>>
      %dma_start3A = arith.constant 0 : i32
      %dma_start3A_97 = arith.constant 0 : i32
      %dma_start3A_98 = tpu.memref_slice %arg2[%select_n3A, %dma_start3A, %dma_start3A_97] : memref<16x512x64xf32, #tpu.memory_space<hbm>> -> memref<1x512x64xf32, #tpu.memory_space<hbm>>
      %dma_start3A_99 = tpu.memref_squeeze %dma_start3A_98 : memref<1x512x64xf32, #tpu.memory_space<hbm>> -> memref<512x64xf32, #tpu.memory_space<hbm>>
      %dma_start3A_100 = arith.constant 0 : i32
      %dma_start3A_101 = tpu.memref_slice %dma_start3A_99[%mul3A_32, %dma_start3A_100] : memref<512x64xf32, #tpu.memory_space<hbm>> -> memref<256x64xf32, #tpu.memory_space<hbm>>
      %dma_start3A_102 = arith.constant 0 : i32
      %dma_start3A_103 = arith.constant 0 : i32
      %dma_start3A_104 = tpu.memref_slice %arg2[%select_n3A, %dma_start3A_102, %dma_start3A_103] : memref<16x512x64xf32, #tpu.memory_space<hbm>> -> memref<1x512x64xf32, #tpu.memory_space<hbm>>
      %dma_start3A_105 = tpu.memref_squeeze %dma_start3A_104 : memref<1x512x64xf32, #tpu.memory_space<hbm>> -> memref<512x64xf32, #tpu.memory_space<hbm>>
      %dma_start3A_106 = arith.constant 0 : i32
      %dma_start3A_107 = tpu.memref_slice %dma_start3A_105[%mul3A_32, %dma_start3A_106] : memref<512x64xf32, #tpu.memory_space<hbm>> -> memref<256x64xf32, #tpu.memory_space<hbm>>
      tpu.enqueue_dma source(%dma_start3A_107 : memref<256x64xf32, #tpu.memory_space<hbm>>) target(%arg6 : memref<256x64xf32, #tpu.memory_space<vmem>>) target_semaphore(%run_scoped3A : memref<!tpu.dma_semaphore, #tpu.memory_space<semaphore_mem>>)
      %dma_wait3A_108 = arith.constant 0 : i32
      %dma_wait3A_109 = arith.constant 0 : i32
      %dma_wait3A_110 = tpu.memref_slice %arg2[%select_n3A, %dma_wait3A_108, %dma_wait3A_109] : memref<16x512x64xf32, #tpu.memory_space<hbm>> -> memref<1x512x64xf32, #tpu.memory_space<hbm>>
      %dma_wait3A_111 = tpu.memref_squeeze %dma_wait3A_110 : memref<1x512x64xf32, #tpu.memory_space<hbm>> -> memref<512x64xf32, #tpu.memory_space<hbm>>
      %dma_wait3A_112 = arith.constant 0 : i32
      %dma_wait3A_113 = tpu.memref_slice %dma_wait3A_111[%mul3A_32, %dma_wait3A_112] : memref<512x64xf32, #tpu.memory_space<hbm>> -> memref<256x64xf32, #tpu.memory_space<hbm>>
      %dma_wait3A_114 = arith.constant 0 : i32
      %dma_wait3A_115 = arith.constant 0 : i32
      %dma_wait3A_116 = tpu.memref_slice %arg2[%select_n3A, %dma_wait3A_114, %dma_wait3A_115] : memref<16x512x64xf32, #tpu.memory_space<hbm>> -> memref<1x512x64xf32, #tpu.memory_space<hbm>>
      %dma_wait3A_117 = tpu.memref_squeeze %dma_wait3A_116 : memref<1x512x64xf32, #tpu.memory_space<hbm>> -> memref<512x64xf32, #tpu.memory_space<hbm>>
      %dma_wait3A_118 = arith.constant 0 : i32
      %dma_wait3A_119 = tpu.memref_slice %dma_wait3A_117[%mul3A_32, %dma_wait3A_118] : memref<512x64xf32, #tpu.memory_space<hbm>> -> memref<256x64xf32, #tpu.memory_space<hbm>>
      tpu.wait_dma2 semaphore(%run_scoped3A : memref<!tpu.dma_semaphore, #tpu.memory_space<semaphore_mem>>) src(%dma_wait3A_119 : memref<256x64xf32, #tpu.memory_space<hbm>>) dst(%arg6 : memref<256x64xf32, #tpu.memory_space<vmem>>)
      tpu.yield
    }) : () -> ()
    %iota3A = tpu.iota {dimensions = array<i32: 0>} : vector<16xi32>
    %scan3A = arith.constant 0 : i32
    %scan3A_33 = arith.constant 0 : i32
    %scan3A_34 = arith.constant 32 : i32
    %scan3A_35 = arith.addi %scan3A_33, %scan3A_34 : i32
    %scan3A_36 = arith.constant 1 : i32
    scf.for %scan3A_97 = %scan3A_33 to %scan3A_35 step %scan3A_36  : i32 {
      %mul3A_98 = arith.constant 2 : i32
      %mul3A_99 = arith.muli %scan3A_97, %mul3A_98 : i32
      %add3A_100 = arith.constant 0 : i32
      %add3A_101 = arith.addi %mul3A_99, %add3A_100 : i32
      %mul3A_102 = arith.constant 4 : i32
      %mul3A_103 = arith.muli %add3A_101, %mul3A_102 : i32
      %add3A_104 = arith.addi %mul3A_32, %mul3A_103 : i32
      %ge3A = arith.constant 2 : i32
      %ge3A_105 = arith.cmpi sge, %add3A_101, %ge3A : i32
      %convert_element_type3A = arith.extui %ge3A_105 : i1 to i32
      %cond3A = arith.constant 0 : i32
      %cond3A_106 = arith.cmpi ne, %convert_element_type3A, %cond3A : i32
      scf.if %cond3A_106 {
        %dma_wait3A_190 = arith.constant 0 : i32
        %dma_wait3A_191 = arith.constant 0 : i32
        %dma_wait3A_192 = arith.constant 0 : i32
        %dma_wait3A_193 = arith.constant 0 : i32
        %dma_wait3A_194 = arith.constant 0 : i32
        %dma_wait3A_195 = tpu.memref_slice %arg5[%dma_wait3A_190, %dma_wait3A_192, %dma_wait3A_193, %dma_wait3A_194] : memref<2x4x64x64xf32, #tpu.memory_space<vmem>> -> memref<1x4x64x64xf32, #tpu.memory_space<vmem>>
        %dma_wait3A_196 = tpu.memref_squeeze %dma_wait3A_195 : memref<1x4x64x64xf32, #tpu.memory_space<vmem>> -> memref<4x64x64xf32, #tpu.memory_space<vmem>>
        %dma_wait3A_197 = arith.constant 0 : i32
        %dma_wait3A_198 = arith.constant 0 : i32
        %dma_wait3A_199 = arith.constant 0 : i32
        %dma_wait3A_200 = tpu.memref_slice %arg4[%select_n3A, %dma_wait3A_197, %dma_wait3A_198, %dma_wait3A_199] : memref<16x512x64x64xf32, #tpu.memory_space<hbm>> -> memref<1x512x64x64xf32, #tpu.memory_space<hbm>>
        %dma_wait3A_201 = tpu.memref_squeeze %dma_wait3A_200 : memref<1x512x64x64xf32, #tpu.memory_space<hbm>> -> memref<512x64x64xf32, #tpu.memory_space<hbm>>
        %dma_wait3A_202 = arith.constant 0 : i32
        %dma_wait3A_203 = arith.constant 0 : i32
        %dma_wait3A_204 = tpu.memref_slice %dma_wait3A_201[%add3A_104, %dma_wait3A_202, %dma_wait3A_203] : memref<512x64x64xf32, #tpu.memory_space<hbm>> -> memref<4x64x64xf32, #tpu.memory_space<hbm>>
        %dma_wait3A_205 = tpu.memref_slice %arg7[%dma_wait3A_191] : memref<2x!tpu.dma_semaphore, #tpu.memory_space<semaphore_mem>> -> memref<1x!tpu.dma_semaphore, #tpu.memory_space<semaphore_mem>>
        %dma_wait3A_206 = tpu.memref_squeeze %dma_wait3A_205 : memref<1x!tpu.dma_semaphore, #tpu.memory_space<semaphore_mem>> -> memref<!tpu.dma_semaphore, #tpu.memory_space<semaphore_mem>>
        %dma_wait3A_207 = arith.constant 0 : i32
        %dma_wait3A_208 = arith.constant 0 : i32
        %dma_wait3A_209 = arith.constant 0 : i32
        %dma_wait3A_210 = tpu.memref_slice %arg4[%select_n3A, %dma_wait3A_207, %dma_wait3A_208, %dma_wait3A_209] : memref<16x512x64x64xf32, #tpu.memory_space<hbm>> -> memref<1x512x64x64xf32, #tpu.memory_space<hbm>>
        %dma_wait3A_211 = tpu.memref_squeeze %dma_wait3A_210 : memref<1x512x64x64xf32, #tpu.memory_space<hbm>> -> memref<512x64x64xf32, #tpu.memory_space<hbm>>
        %dma_wait3A_212 = arith.constant 0 : i32
        %dma_wait3A_213 = arith.constant 0 : i32
        %dma_wait3A_214 = tpu.memref_slice %dma_wait3A_211[%add3A_104, %dma_wait3A_212, %dma_wait3A_213] : memref<512x64x64xf32, #tpu.memory_space<hbm>> -> memref<4x64x64xf32, #tpu.memory_space<hbm>>
        %dma_wait3A_215 = arith.constant 0 : i32
        %dma_wait3A_216 = arith.constant 0 : i32
        %dma_wait3A_217 = arith.constant 0 : i32
        %dma_wait3A_218 = tpu.memref_slice %arg5[%dma_wait3A_190, %dma_wait3A_215, %dma_wait3A_216, %dma_wait3A_217] : memref<2x4x64x64xf32, #tpu.memory_space<vmem>> -> memref<1x4x64x64xf32, #tpu.memory_space<vmem>>
        %dma_wait3A_219 = tpu.memref_squeeze %dma_wait3A_218 : memref<1x4x64x64xf32, #tpu.memory_space<vmem>> -> memref<4x64x64xf32, #tpu.memory_space<vmem>>
        tpu.wait_dma2 semaphore(%dma_wait3A_206 : memref<!tpu.dma_semaphore, #tpu.memory_space<semaphore_mem>>) src(%dma_wait3A_219 : memref<4x64x64xf32, #tpu.memory_space<vmem>>) dst(%dma_wait3A_214 : memref<4x64x64xf32, #tpu.memory_space<hbm>>)
      } else {
      }
      %scan3A_107 = arith.constant 0 : i32
      %scan3A_108 = arith.constant 0 : i32
      %scan3A_109 = arith.constant 4 : i32
      %scan3A_110 = arith.addi %scan3A_108, %scan3A_109 : i32
      %scan3A_111 = arith.constant 1 : i32
      scf.for %scan3A_190 = %scan3A_108 to %scan3A_110 step %scan3A_111  : i32 {
        %mul3A_191 = arith.constant 4 : i32
        %mul3A_192 = arith.muli %add3A_101, %mul3A_191 : i32
        %add3A_193 = arith.addi %mul3A_192, %scan3A_190 : i32
        %broadcast_in_dim3A = arith.constant 0 : i32
        %broadcast_in_dim3A_194 = vector.broadcast %broadcast_in_dim3A : i32 to vector<16xi32>
        %broadcast_in_dim3A_195 = vector.broadcast %scan3A_190 : i32 to vector<16xi32>
        %add3A_196 = arith.constant 0 : i32
        %add3A_197 = vector.broadcast %add3A_196 : i32 to vector<16xi32>
        %add3A_198 = arith.addi %iota3A, %add3A_197 : vector<16xi32>
        %add3A_199 = arith.constant 16 : i32
        %add3A_200 = vector.broadcast %add3A_199 : i32 to vector<16xi32>
        %add3A_201 = arith.addi %iota3A, %add3A_200 : vector<16xi32>
        %add3A_202 = arith.constant 32 : i32
        %add3A_203 = vector.broadcast %add3A_202 : i32 to vector<16xi32>
        %add3A_204 = arith.addi %iota3A, %add3A_203 : vector<16xi32>
        %add3A_205 = arith.constant 48 : i32
        %add3A_206 = vector.broadcast %add3A_205 : i32 to vector<16xi32>
        %add3A_207 = arith.addi %iota3A, %add3A_206 : vector<16xi32>
        %get3A = arith.index_cast %add3A_193 : i32 to index
        %get3A_208 = arith.constant 0 : index
        %get3A_209 = tpu.vector_load %arg6[%get3A, %get3A_208] {strides = array<i32>} : memref<256x64xf32, #tpu.memory_space<vmem>>, vector<16xf32>,
        %get3A_210 = arith.index_cast %add3A_193 : i32 to index
        %get3A_211 = arith.constant 16 : index
        %get3A_212 = tpu.vector_load %arg6[%get3A_210, %get3A_211] {strides = array<i32>} : memref<256x64xf32, #tpu.memory_space<vmem>>, vector<16xf32>,
        %get3A_213 = arith.index_cast %add3A_193 : i32 to index
        %get3A_214 = arith.constant 32 : index
        %get3A_215 = tpu.vector_load %arg6[%get3A_213, %get3A_214] {strides = array<i32>} : memref<256x64xf32, #tpu.memory_space<vmem>>, vector<16xf32>,
        %get3A_216 = arith.index_cast %add3A_193 : i32 to index
        %get3A_217 = arith.constant 48 : index
        %get3A_218 = tpu.vector_load %arg6[%get3A_216, %get3A_217] {strides = array<i32>} : memref<256x64xf32, #tpu.memory_space<vmem>>, vector<16xf32>,
        tpu.vector_store_idx %arg5[%broadcast_in_dim3A_194, %broadcast_in_dim3A_195, %add3A_198, %add3A_198], %get3A_209 : memref<2x4x64x64xf32, #tpu.memory_space<vmem>>[vector<16xi32>, vector<16xi32>, vector<16xi32>, vector<16xi32>], vector<16xf32>,
        tpu.vector_store_idx %arg5[%broadcast_in_dim3A_194, %broadcast_in_dim3A_195, %add3A_201, %add3A_201], %get3A_212 : memref<2x4x64x64xf32, #tpu.memory_space<vmem>>[vector<16xi32>, vector<16xi32>, vector<16xi32>, vector<16xi32>], vector<16xf32>,
        tpu.vector_store_idx %arg5[%broadcast_in_dim3A_194, %broadcast_in_dim3A_195, %add3A_204, %add3A_204], %get3A_215 : memref<2x4x64x64xf32, #tpu.memory_space<vmem>>[vector<16xi32>, vector<16xi32>, vector<16xi32>, vector<16xi32>], vector<16xf32>,
        tpu.vector_store_idx %arg5[%broadcast_in_dim3A_194, %broadcast_in_dim3A_195, %add3A_207, %add3A_207], %get3A_218 : memref<2x4x64x64xf32, #tpu.memory_space<vmem>>[vector<16xi32>, vector<16xi32>, vector<16xi32>, vector<16xi32>], vector<16xf32>,
        %get3A_219 = arith.index_cast %add3A_193 : i32 to index
        %get3A_220 = arith.constant 1 : index
        %get3A_221 = tpu.vector_load %arg6[%get3A_219, %get3A_220] {strides = array<i32>} : memref<256x64xf32, #tpu.memory_space<vmem>>, vector<16xf32>,
        %max3A = arith.maximumf %get3A_209, %get3A_221 : vector<16xf32>
        %add3A_222 = arith.constant 1 : i32
        %add3A_223 = vector.broadcast %add3A_222 : i32 to vector<16xi32>
        %add3A_224 = arith.addi %add3A_198, %add3A_223 : vector<16xi32>
        tpu.vector_store_idx %arg5[%broadcast_in_dim3A_194, %broadcast_in_dim3A_195, %add3A_198, %add3A_224], %max3A : memref<2x4x64x64xf32, #tpu.memory_space<vmem>>[vector<16xi32>, vector<16xi32>, vector<16xi32>, vector<16xi32>], vector<16xf32>,
        %get3A_225 = arith.index_cast %add3A_193 : i32 to index
        %get3A_226 = arith.constant 17 : index
        %get3A_227 = tpu.vector_load %arg6[%get3A_225, %get3A_226] {strides = array<i32>} : memref<256x64xf32, #tpu.memory_space<vmem>>, vector<16xf32>,
        %max3A_228 = arith.maximumf %get3A_212, %get3A_227 : vector<16xf32>
        %add3A_229 = arith.constant 1 : i32
        %add3A_230 = vector.broadcast %add3A_229 : i32 to vector<16xi32>
        %add3A_231 = arith.addi %add3A_201, %add3A_230 : vector<16xi32>
        tpu.vector_store_idx %arg5[%broadcast_in_dim3A_194, %broadcast_in_dim3A_195, %add3A_201, %add3A_231], %max3A_228 : memref<2x4x64x64xf32, #tpu.memory_space<vmem>>[vector<16xi32>, vector<16xi32>, vector<16xi32>, vector<16xi32>], vector<16xf32>,
        %get3A_232 = arith.index_cast %add3A_193 : i32 to index
        %get3A_233 = arith.constant 33 : index
        %get3A_234 = tpu.vector_load %arg6[%get3A_232, %get3A_233] {strides = array<i32>} : memref<256x64xf32, #tpu.memory_space<vmem>>, vector<16xf32>,
        %max3A_235 = arith.maximumf %get3A_215, %get3A_234 : vector<16xf32>
        %add3A_236 = arith.constant 1 : i32
        %add3A_237 = vector.broadcast %add3A_236 : i32 to vector<16xi32>
        %add3A_238 = arith.addi %add3A_204, %add3A_237 : vector<16xi32>
        tpu.vector_store_idx %arg5[%broadcast_in_dim3A_194, %broadcast_in_dim3A_195, %add3A_204, %add3A_238], %max3A_235 : memref<2x4x64x64xf32, #tpu.memory_space<vmem>>[vector<16xi32>, vector<16xi32>, vector<16xi32>, vector<16xi32>], vector<16xf32>,
        %le3A = arith.constant 14 : i32
        %le3A_239 = vector.broadcast %le3A : i32 to vector<16xi32>
        %le3A_240 = arith.cmpi sle, %iota3A, %le3A_239 : vector<16xi32>
        %add3A_241 = arith.constant 1 : i32
        %add3A_242 = vector.broadcast %add3A_241 : i32 to vector<16xi32>
        %add3A_243 = arith.addi %iota3A, %add3A_242 : vector<16xi32>
        %min3A = arith.constant 15 : i32
        %min3A_244 = vector.broadcast %min3A : i32 to vector<16xi32>
        %min3A_245 = arith.minsi %add3A_243, %min3A_244 : vector<16xi32>
        %lt3A_246 = arith.constant 0 : i32
        %lt3A_247 = vector.broadcast %lt3A_246 : i32 to vector<16xi32>
        %lt3A_248 = arith.cmpi slt, %min3A_245, %lt3A_247 : vector<16xi32>
        %add3A_249 = arith.constant 16 : i32
        %add3A_250 = vector.broadcast %add3A_249 : i32 to vector<16xi32>
        %add3A_251 = arith.addi %min3A_245, %add3A_250 : vector<16xi32>
        %select_n3A_252 = arith.select %lt3A_248, %add3A_251, %min3A_245 : vector<16xi1>, vector<16xi32>
        %broadcast_in_dim3A_253 = vector.shape_cast %select_n3A_252 : vector<16xi32> to vector<16x1xi32>
        %gather3A = vector.shape_cast %broadcast_in_dim3A_253 : vector<16x1xi32> to vector<16xi32>
        %gather3A_254 = tpu.dynamic_gather %get3A_218[%gather3A] in [0] : vector<16xf32>, vector<16xi32> -> vector<16xf32>
        %max3A_255 = arith.maximumf %get3A_218, %gather3A_254 : vector<16xf32>
        %add3A_256 = arith.constant 1 : i32
        %add3A_257 = vector.broadcast %add3A_256 : i32 to vector<16xi32>
        %add3A_258 = arith.addi %add3A_207, %add3A_257 : vector<16xi32>
        tpu.vector_store_idx %arg5[%broadcast_in_dim3A_194, %broadcast_in_dim3A_195, %add3A_207, %add3A_258], %max3A_255 masked %le3A_240 : memref<2x4x64x64xf32, #tpu.memory_space<vmem>>[vector<16xi32>, vector<16xi32>, vector<16xi32>, vector<16xi32>], vector<16xf32>, vector<16xi1>
        %get3A_259 = arith.index_cast %add3A_193 : i32 to index
        %get3A_260 = arith.constant 2 : index
        %get3A_261 = tpu.vector_load %arg6[%get3A_259, %get3A_260] {strides = array<i32>} : memref<256x64xf32, #tpu.memory_space<vmem>>, vector<16xf32>,
        %max3A_262 = arith.maximumf %max3A, %get3A_261 : vector<16xf32>
        %add3A_263 = arith.constant 2 : i32
        %add3A_264 = vector.broadcast %add3A_263 : i32 to vector<16xi32>
        %add3A_265 = arith.addi %add3A_198, %add3A_264 : vector<16xi32>
        tpu.vector_store_idx %arg5[%broadcast_in_dim3A_194, %broadcast_in_dim3A_195, %add3A_198, %add3A_265], %max3A_262 : memref<2x4x64x64xf32, #tpu.memory_space<vmem>>[vector<16xi32>, vector<16xi32>, vector<16xi32>, vector<16xi32>], vector<16xf32>,
        %get3A_266 = arith.index_cast %add3A_193 : i32 to index
        %get3A_267 = arith.constant 18 : index
        %get3A_268 = tpu.vector_load %arg6[%get3A_266, %get3A_267] {strides = array<i32>} : memref<256x64xf32, #tpu.memory_space<vmem>>, vector<16xf32>,
        %max3A_269 = arith.maximumf %max3A_228, %get3A_268 : vector<16xf32>
        %add3A_270 = arith.constant 2 : i32
        %add3A_271 = vector.broadcast %add3A_270 : i32 to vector<16xi32>
        %add3A_272 = arith.addi %add3A_201, %add3A_271 : vector<16xi32>
        tpu.vector_store_idx %arg5[%broadcast_in_dim3A_194, %broadcast_in_dim3A_195, %add3A_201, %add3A_272], %max3A_269 : memref<2x4x64x64xf32, #tpu.memory_space<vmem>>[vector<16xi32>, vector<16xi32>, vector<16xi32>, vector<16xi32>], vector<16xf32>,
        %get3A_273 = arith.index_cast %add3A_193 : i32 to index
        %get3A_274 = arith.constant 34 : index
        %get3A_275 = tpu.vector_load %arg6[%get3A_273, %get3A_274] {strides = array<i32>} : memref<256x64xf32, #tpu.memory_space<vmem>>, vector<16xf32>,
        %max3A_276 = arith.maximumf %max3A_235, %get3A_275 : vector<16xf32>
        %add3A_277 = arith.constant 2 : i32
        %add3A_278 = vector.broadcast %add3A_277 : i32 to vector<16xi32>
        %add3A_279 = arith.addi %add3A_204, %add3A_278 : vector<16xi32>
        tpu.vector_store_idx %arg5[%broadcast_in_dim3A_194, %broadcast_in_dim3A_195, %add3A_204, %add3A_279], %max3A_276 : memref<2x4x64x64xf32, #tpu.memory_space<vmem>>[vector<16xi32>, vector<16xi32>, vector<16xi32>, vector<16xi32>], vector<16xf32>,
        %le3A_280 = arith.constant 13 : i32
        %le3A_281 = vector.broadcast %le3A_280 : i32 to vector<16xi32>
        %le3A_282 = arith.cmpi sle, %iota3A, %le3A_281 : vector<16xi32>
        %add3A_283 = arith.constant 2 : i32
        %add3A_284 = vector.broadcast %add3A_283 : i32 to vector<16xi32>
        %add3A_285 = arith.addi %iota3A, %add3A_284 : vector<16xi32>
        %min3A_286 = arith.constant 15 : i32
        %min3A_287 = vector.broadcast %min3A_286 : i32 to vector<16xi32>
        %min3A_288 = arith.minsi %add3A_285, %min3A_287 : vector<16xi32>
        %lt3A_289 = arith.constant 0 : i32
        %lt3A_290 = vector.broadcast %lt3A_289 : i32 to vector<16xi32>
        %lt3A_291 = arith.cmpi slt, %min3A_288, %lt3A_290 : vector<16xi32>
        %add3A_292 = arith.constant 16 : i32
        %add3A_293 = vector.broadcast %add3A_292 : i32 to vector<16xi32>
        %add3A_294 = arith.addi %min3A_288, %add3A_293 : vector<16xi32>
        %select_n3A_295 = arith.select %lt3A_291, %add3A_294, %min3A_288 : vector<16xi1>, vector<16xi32>
        %broadcast_in_dim3A_296 = vector.shape_cast %select_n3A_295 : vector<16xi32> to vector<16x1xi32>
        %gather3A_297 = vector.shape_cast %broadcast_in_dim3A_296 : vector<16x1xi32> to vector<16xi32>
        %gather3A_298 = tpu.dynamic_gather %get3A_218[%gather3A_297] in [0] : vector<16xf32>, vector<16xi32> -> vector<16xf32>
        %max3A_299 = arith.maximumf %max3A_255, %gather3A_298 : vector<16xf32>
        %add3A_300 = arith.constant 2 : i32
        %add3A_301 = vector.broadcast %add3A_300 : i32 to vector<16xi32>
        %add3A_302 = arith.addi %add3A_207, %add3A_301 : vector<16xi32>
        tpu.vector_store_idx %arg5[%broadcast_in_dim3A_194, %broadcast_in_dim3A_195, %add3A_207, %add3A_302], %max3A_299 masked %le3A_282 : memref<2x4x64x64xf32, #tpu.memory_space<vmem>>[vector<16xi32>, vector<16xi32>, vector<16xi32>, vector<16xi32>], vector<16xf32>, vector<16xi1>
        %get3A_303 = arith.index_cast %add3A_193 : i32 to index
        %get3A_304 = arith.constant 3 : index
        %get3A_305 = tpu.vector_load %arg6[%get3A_303, %get3A_304] {strides = array<i32>} : memref<256x64xf32, #tpu.memory_space<vmem>>, vector<16xf32>,
        %max3A_306 = arith.maximumf %max3A_262, %get3A_305 : vector<16xf32>
        %add3A_307 = arith.constant 3 : i32
        %add3A_308 = vector.broadcast %add3A_307 : i32 to vector<16xi32>
        %add3A_309 = arith.addi %add3A_198, %add3A_308 : vector<16xi32>
        tpu.vector_store_idx %arg5[%broadcast_in_dim3A_194, %broadcast_in_dim3A_195, %add3A_198, %add3A_309], %max3A_306 : memref<2x4x64x64xf32, #tpu.memory_space<vmem>>[vector<16xi32>, vector<16xi32>, vector<16xi32>, vector<16xi32>], vector<16xf32>,
        %get3A_310 = arith.index_cast %add3A_193 : i32 to index
        %get3A_311 = arith.constant 19 : index
        %get3A_312 = tpu.vector_load %arg6[%get3A_310, %get3A_311] {strides = array<i32>} : memref<256x64xf32, #tpu.memory_space<vmem>>, vector<16xf32>,
        %max3A_313 = arith.maximumf %max3A_269, %get3A_312 : vector<16xf32>
        %add3A_314 = arith.constant 3 : i32
        %add3A_315 = vector.broadcast %add3A_314 : i32 to vector<16xi32>
        %add3A_316 = arith.addi %add3A_201, %add3A_315 : vector<16xi32>
        tpu.vector_store_idx %arg5[%broadcast_in_dim3A_194, %broadcast_in_dim3A_195, %add3A_201, %add3A_316], %max3A_313 : memref<2x4x64x64xf32, #tpu.memory_space<vmem>>[vector<16xi32>, vector<16xi32>, vector<16xi32>, vector<16xi32>], vector<16xf32>,
        %get3A_317 = arith.index_cast %add3A_193 : i32 to index
        %get3A_318 = arith.constant 35 : index
        %get3A_319 = tpu.vector_load %arg6[%get3A_317, %get3A_318] {strides = array<i32>} : memref<256x64xf32, #tpu.memory_space<vmem>>, vector<16xf32>,
        %max3A_320 = arith.maximumf %max3A_276, %get3A_319 : vector<16xf32>
        %add3A_321 = arith.constant 3 : i32
        %add3A_322 = vector.broadcast %add3A_321 : i32 to vector<16xi32>
        %add3A_323 = arith.addi %add3A_204, %add3A_322 : vector<16xi32>
        tpu.vector_store_idx %arg5[%broadcast_in_dim3A_194, %broadcast_in_dim3A_195, %add3A_204, %add3A_323], %max3A_320 : memref<2x4x64x64xf32, #tpu.memory_space<vmem>>[vector<16xi32>, vector<16xi32>, vector<16xi32>, vector<16xi32>], vector<16xf32>,
        %le3A_324 = arith.constant 12 : i32
        %le3A_325 = vector.broadcast %le3A_324 : i32 to vector<16xi32>
        %le3A_326 = arith.cmpi sle, %iota3A, %le3A_325 : vector<16xi32>
        %add3A_327 = arith.constant 3 : i32
        %add3A_328 = vector.broadcast %add3A_327 : i32 to vector<16xi32>
        %add3A_329 = arith.addi %iota3A, %add3A_328 : vector<16xi32>
        %min3A_330 = arith.constant 15 : i32
        %min3A_331 = vector.broadcast %min3A_330 : i32 to vector<16xi32>
        %min3A_332 = arith.minsi %add3A_329, %min3A_331 : vector<16xi32>
        %lt3A_333 = arith.constant 0 : i32
        %lt3A_334 = vector.broadcast %lt3A_333 : i32 to vector<16xi32>
        %lt3A_335 = arith.cmpi slt, %min3A_332, %lt3A_334 : vector<16xi32>
        %add3A_336 = arith.constant 16 : i32
        %add3A_337 = vector.broadcast %add3A_336 : i32 to vector<16xi32>
        %add3A_338 = arith.addi %min3A_332, %add3A_337 : vector<16xi32>
        %select_n3A_339 = arith.select %lt3A_335, %add3A_338, %min3A_332 : vector<16xi1>, vector<16xi32>
        %broadcast_in_dim3A_340 = vector.shape_cast %select_n3A_339 : vector<16xi32> to vector<16x1xi32>
        %gather3A_341 = vector.shape_cast %broadcast_in_dim3A_340 : vector<16x1xi32> to vector<16xi32>
        %gather3A_342 = tpu.dynamic_gather %get3A_218[%gather3A_341] in [0] : vector<16xf32>, vector<16xi32> -> vector<16xf32>
        %max3A_343 = arith.maximumf %max3A_299, %gather3A_342 : vector<16xf32>
        %add3A_344 = arith.constant 3 : i32
        %add3A_345 = vector.broadcast %add3A_344 : i32 to vector<16xi32>
        %add3A_346 = arith.addi %add3A_207, %add3A_345 : vector<16xi32>
        tpu.vector_store_idx %arg5[%broadcast_in_dim3A_194, %broadcast_in_dim3A_195, %add3A_207, %add3A_346], %max3A_343 masked %le3A_326 : memref<2x4x64x64xf32, #tpu.memory_space<vmem>>[vector<16xi32>, vector<16xi32>, vector<16xi32>, vector<16xi32>], vector<16xf32>, vector<16xi1>
        %get3A_347 = arith.index_cast %add3A_193 : i32 to index
        %get3A_348 = arith.constant 4 : index
        %get3A_349 = tpu.vector_load %arg6[%get3A_347, %get3A_348] {strides = array<i32>} : memref<256x64xf32, #tpu.memory_space<vmem>>, vector<16xf32>,
        %max3A_350 = arith.maximumf %max3A_306, %get3A_349 : vector<16xf32>
        %add3A_351 = arith.constant 4 : i32
        %add3A_352 = vector.broadcast %add3A_351 : i32 to vector<16xi32>
        %add3A_353 = arith.addi %add3A_198, %add3A_352 : vector<16xi32>
        tpu.vector_store_idx %arg5[%broadcast_in_dim3A_194, %broadcast_in_dim3A_195, %add3A_198, %add3A_353], %max3A_350 : memref<2x4x64x64xf32, #tpu.memory_space<vmem>>[vector<16xi32>, vector<16xi32>, vector<16xi32>, vector<16xi32>], vector<16xf32>,
        %get3A_354 = arith.index_cast %add3A_193 : i32 to index
        %get3A_355 = arith.constant 20 : index
        %get3A_356 = tpu.vector_load %arg6[%get3A_354, %get3A_355] {strides = array<i32>} : memref<256x64xf32, #tpu.memory_space<vmem>>, vector<16xf32>,
        %max3A_357 = arith.maximumf %max3A_313, %get3A_356 : vector<16xf32>
        %add3A_358 = arith.constant 4 : i32
        %add3A_359 = vector.broadcast %add3A_358 : i32 to vector<16xi32>
        %add3A_360 = arith.addi %add3A_201, %add3A_359 : vector<16xi32>
        tpu.vector_store_idx %arg5[%broadcast_in_dim3A_194, %broadcast_in_dim3A_195, %add3A_201, %add3A_360], %max3A_357 : memref<2x4x64x64xf32, #tpu.memory_space<vmem>>[vector<16xi32>, vector<16xi32>, vector<16xi32>, vector<16xi32>], vector<16xf32>,
        %get3A_361 = arith.index_cast %add3A_193 : i32 to index
        %get3A_362 = arith.constant 36 : index
        %get3A_363 = tpu.vector_load %arg6[%get3A_361, %get3A_362] {strides = array<i32>} : memref<256x64xf32, #tpu.memory_space<vmem>>, vector<16xf32>,
        %max3A_364 = arith.maximumf %max3A_320, %get3A_363 : vector<16xf32>
        %add3A_365 = arith.constant 4 : i32
        %add3A_366 = vector.broadcast %add3A_365 : i32 to vector<16xi32>
        %add3A_367 = arith.addi %add3A_204, %add3A_366 : vector<16xi32>
        tpu.vector_store_idx %arg5[%broadcast_in_dim3A_194, %broadcast_in_dim3A_195, %add3A_204, %add3A_367], %max3A_364 : memref<2x4x64x64xf32, #tpu.memory_space<vmem>>[vector<16xi32>, vector<16xi32>, vector<16xi32>, vector<16xi32>], vector<16xf32>,
        %le3A_368 = arith.constant 11 : i32
        %le3A_369 = vector.broadcast %le3A_368 : i32 to vector<16xi32>
        %le3A_370 = arith.cmpi sle, %iota3A, %le3A_369 : vector<16xi32>
        %add3A_371 = arith.constant 4 : i32
        %add3A_372 = vector.broadcast %add3A_371 : i32 to vector<16xi32>
        %add3A_373 = arith.addi %iota3A, %add3A_372 : vector<16xi32>
        %min3A_374 = arith.constant 15 : i32
        %min3A_375 = vector.broadcast %min3A_374 : i32 to vector<16xi32>
        %min3A_376 = arith.minsi %add3A_373, %min3A_375 : vector<16xi32>
        %lt3A_377 = arith.constant 0 : i32
        %lt3A_378 = vector.broadcast %lt3A_377 : i32 to vector<16xi32>
        %lt3A_379 = arith.cmpi slt, %min3A_376, %lt3A_378 : vector<16xi32>
        %add3A_380 = arith.constant 16 : i32
        %add3A_381 = vector.broadcast %add3A_380 : i32 to vector<16xi32>
        %add3A_382 = arith.addi %min3A_376, %add3A_381 : vector<16xi32>
        %select_n3A_383 = arith.select %lt3A_379, %add3A_382, %min3A_376 : vector<16xi1>, vector<16xi32>
        %broadcast_in_dim3A_384 = vector.shape_cast %select_n3A_383 : vector<16xi32> to vector<16x1xi32>
        %gather3A_385 = vector.shape_cast %broadcast_in_dim3A_384 : vector<16x1xi32> to vector<16xi32>
        %gather3A_386 = tpu.dynamic_gather %get3A_218[%gather3A_385] in [0] : vector<16xf32>, vector<16xi32> -> vector<16xf32>
        %max3A_387 = arith.maximumf %max3A_343, %gather3A_386 : vector<16xf32>
        %add3A_388 = arith.constant 4 : i32
        %add3A_389 = vector.broadcast %add3A_388 : i32 to vector<16xi32>
        %add3A_390 = arith.addi %add3A_207, %add3A_389 : vector<16xi32>
        tpu.vector_store_idx %arg5[%broadcast_in_dim3A_194, %broadcast_in_dim3A_195, %add3A_207, %add3A_390], %max3A_387 masked %le3A_370 : memref<2x4x64x64xf32, #tpu.memory_space<vmem>>[vector<16xi32>, vector<16xi32>, vector<16xi32>, vector<16xi32>], vector<16xf32>, vector<16xi1>
        %get3A_391 = arith.index_cast %add3A_193 : i32 to index
        %get3A_392 = arith.constant 5 : index
        %get3A_393 = tpu.vector_load %arg6[%get3A_391, %get3A_392] {strides = array<i32>} : memref<256x64xf32, #tpu.memory_space<vmem>>, vector<16xf32>,
        %max3A_394 = arith.maximumf %max3A_350, %get3A_393 : vector<16xf32>
        %add3A_395 = arith.constant 5 : i32
        %add3A_396 = vector.broadcast %add3A_395 : i32 to vector<16xi32>
        %add3A_397 = arith.addi %add3A_198, %add3A_396 : vector<16xi32>
        tpu.vector_store_idx %arg5[%broadcast_in_dim3A_194, %broadcast_in_dim3A_195, %add3A_198, %add3A_397], %max3A_394 : memref<2x4x64x64xf32, #tpu.memory_space<vmem>>[vector<16xi32>, vector<16xi32>, vector<16xi32>, vector<16xi32>], vector<16xf32>,
        %get3A_398 = arith.index_cast %add3A_193 : i32 to index
        %get3A_399 = arith.constant 21 : index
        %get3A_400 = tpu.vector_load %arg6[%get3A_398, %get3A_399] {strides = array<i32>} : memref<256x64xf32, #tpu.memory_space<vmem>>, vector<16xf32>,
        %max3A_401 = arith.maximumf %max3A_357, %get3A_400 : vector<16xf32>
        %add3A_402 = arith.constant 5 : i32
        %add3A_403 = vector.broadcast %add3A_402 : i32 to vector<16xi32>
        %add3A_404 = arith.addi %add3A_201, %add3A_403 : vector<16xi32>
        tpu.vector_store_idx %arg5[%broadcast_in_dim3A_194, %broadcast_in_dim3A_195, %add3A_201, %add3A_404], %max3A_401 : memref<2x4x64x64xf32, #tpu.memory_space<vmem>>[vector<16xi32>, vector<16xi32>, vector<16xi32>, vector<16xi32>], vector<16xf32>,
        %get3A_405 = arith.index_cast %add3A_193 : i32 to index
        %get3A_406 = arith.constant 37 : index
        %get3A_407 = tpu.vector_load %arg6[%get3A_405, %get3A_406] {strides = array<i32>} : memref<256x64xf32, #tpu.memory_space<vmem>>, vector<16xf32>,
        %max3A_408 = arith.maximumf %max3A_364, %get3A_407 : vector<16xf32>
        %add3A_409 = arith.constant 5 : i32
        %add3A_410 = vector.broadcast %add3A_409 : i32 to vector<16xi32>
        %add3A_411 = arith.addi %add3A_204, %add3A_410 : vector<16xi32>
        tpu.vector_store_idx %arg5[%broadcast_in_dim3A_194, %broadcast_in_dim3A_195, %add3A_204, %add3A_411], %max3A_408 : memref<2x4x64x64xf32, #tpu.memory_space<vmem>>[vector<16xi32>, vector<16xi32>, vector<16xi32>, vector<16xi32>], vector<16xf32>,
        %le3A_412 = arith.constant 10 : i32
        %le3A_413 = vector.broadcast %le3A_412 : i32 to vector<16xi32>
        %le3A_414 = arith.cmpi sle, %iota3A, %le3A_413 : vector<16xi32>
        %add3A_415 = arith.constant 5 : i32
        %add3A_416 = vector.broadcast %add3A_415 : i32 to vector<16xi32>
        %add3A_417 = arith.addi %iota3A, %add3A_416 : vector<16xi32>
        %min3A_418 = arith.constant 15 : i32
        %min3A_419 = vector.broadcast %min3A_418 : i32 to vector<16xi32>
        %min3A_420 = arith.minsi %add3A_417, %min3A_419 : vector<16xi32>
        %lt3A_421 = arith.constant 0 : i32
        %lt3A_422 = vector.broadcast %lt3A_421 : i32 to vector<16xi32>
        %lt3A_423 = arith.cmpi slt, %min3A_420, %lt3A_422 : vector<16xi32>
        %add3A_424 = arith.constant 16 : i32
        %add3A_425 = vector.broadcast %add3A_424 : i32 to vector<16xi32>
        %add3A_426 = arith.addi %min3A_420, %add3A_425 : vector<16xi32>
        %select_n3A_427 = arith.select %lt3A_423, %add3A_426, %min3A_420 : vector<16xi1>, vector<16xi32>
        %broadcast_in_dim3A_428 = vector.shape_cast %select_n3A_427 : vector<16xi32> to vector<16x1xi32>
        %gather3A_429 = vector.shape_cast %broadcast_in_dim3A_428 : vector<16x1xi32> to vector<16xi32>
        %gather3A_430 = tpu.dynamic_gather %get3A_218[%gather3A_429] in [0] : vector<16xf32>, vector<16xi32> -> vector<16xf32>
        %max3A_431 = arith.maximumf %max3A_387, %gather3A_430 : vector<16xf32>
        %add3A_432 = arith.constant 5 : i32
        %add3A_433 = vector.broadcast %add3A_432 : i32 to vector<16xi32>
        %add3A_434 = arith.addi %add3A_207, %add3A_433 : vector<16xi32>
        tpu.vector_store_idx %arg5[%broadcast_in_dim3A_194, %broadcast_in_dim3A_195, %add3A_207, %add3A_434], %max3A_431 masked %le3A_414 : memref<2x4x64x64xf32, #tpu.memory_space<vmem>>[vector<16xi32>, vector<16xi32>, vector<16xi32>, vector<16xi32>], vector<16xf32>, vector<16xi1>
        %get3A_435 = arith.index_cast %add3A_193 : i32 to index
        %get3A_436 = arith.constant 6 : index
        %get3A_437 = tpu.vector_load %arg6[%get3A_435, %get3A_436] {strides = array<i32>} : memref<256x64xf32, #tpu.memory_space<vmem>>, vector<16xf32>,
        %max3A_438 = arith.maximumf %max3A_394, %get3A_437 : vector<16xf32>
        %add3A_439 = arith.constant 6 : i32
        %add3A_440 = vector.broadcast %add3A_439 : i32 to vector<16xi32>
        %add3A_441 = arith.addi %add3A_198, %add3A_440 : vector<16xi32>
        tpu.vector_store_idx %arg5[%broadcast_in_dim3A_194, %broadcast_in_dim3A_195, %add3A_198, %add3A_441], %max3A_438 : memref<2x4x64x64xf32, #tpu.memory_space<vmem>>[vector<16xi32>, vector<16xi32>, vector<16xi32>, vector<16xi32>], vector<16xf32>,
        %get3A_442 = arith.index_cast %add3A_193 : i32 to index
        %get3A_443 = arith.constant 22 : index
        %get3A_444 = tpu.vector_load %arg6[%get3A_442, %get3A_443] {strides = array<i32>} : memref<256x64xf32, #tpu.memory_space<vmem>>, vector<16xf32>,
        %max3A_445 = arith.maximumf %max3A_401, %get3A_444 : vector<16xf32>
        %add3A_446 = arith.constant 6 : i32
        %add3A_447 = vector.broadcast %add3A_446 : i32 to vector<16xi32>
        %add3A_448 = arith.addi %add3A_201, %add3A_447 : vector<16xi32>
        tpu.vector_store_idx %arg5[%broadcast_in_dim3A_194, %broadcast_in_dim3A_195, %add3A_201, %add3A_448], %max3A_445 : memref<2x4x64x64xf32, #tpu.memory_space<vmem>>[vector<16xi32>, vector<16xi32>, vector<16xi32>, vector<16xi32>], vector<16xf32>,
        %get3A_449 = arith.index_cast %add3A_193 : i32 to index
        %get3A_450 = arith.constant 38 : index
        %get3A_451 = tpu.vector_load %arg6[%get3A_449, %get3A_450] {strides = array<i32>} : memref<256x64xf32, #tpu.memory_space<vmem>>, vector<16xf32>,
        %max3A_452 = arith.maximumf %max3A_408, %get3A_451 : vector<16xf32>
        %add3A_453 = arith.constant 6 : i32
        %add3A_454 = vector.broadcast %add3A_453 : i32 to vector<16xi32>
        %add3A_455 = arith.addi %add3A_204, %add3A_454 : vector<16xi32>
        tpu.vector_store_idx %arg5[%broadcast_in_dim3A_194, %broadcast_in_dim3A_195, %add3A_204, %add3A_455], %max3A_452 : memref<2x4x64x64xf32, #tpu.memory_space<vmem>>[vector<16xi32>, vector<16xi32>, vector<16xi32>, vector<16xi32>], vector<16xf32>,
        %le3A_456 = arith.constant 9 : i32
        %le3A_457 = vector.broadcast %le3A_456 : i32 to vector<16xi32>
        %le3A_458 = arith.cmpi sle, %iota3A, %le3A_457 : vector<16xi32>
        %add3A_459 = arith.constant 6 : i32
        %add3A_460 = vector.broadcast %add3A_459 : i32 to vector<16xi32>
        %add3A_461 = arith.addi %iota3A, %add3A_460 : vector<16xi32>
        %min3A_462 = arith.constant 15 : i32
        %min3A_463 = vector.broadcast %min3A_462 : i32 to vector<16xi32>
        %min3A_464 = arith.minsi %add3A_461, %min3A_463 : vector<16xi32>
        %lt3A_465 = arith.constant 0 : i32
        %lt3A_466 = vector.broadcast %lt3A_465 : i32 to vector<16xi32>
        %lt3A_467 = arith.cmpi slt, %min3A_464, %lt3A_466 : vector<16xi32>
        %add3A_468 = arith.constant 16 : i32
        %add3A_469 = vector.broadcast %add3A_468 : i32 to vector<16xi32>
        %add3A_470 = arith.addi %min3A_464, %add3A_469 : vector<16xi32>
        %select_n3A_471 = arith.select %lt3A_467, %add3A_470, %min3A_464 : vector<16xi1>, vector<16xi32>
        %broadcast_in_dim3A_472 = vector.shape_cast %select_n3A_471 : vector<16xi32> to vector<16x1xi32>
        %gather3A_473 = vector.shape_cast %broadcast_in_dim3A_472 : vector<16x1xi32> to vector<16xi32>
        %gather3A_474 = tpu.dynamic_gather %get3A_218[%gather3A_473] in [0] : vector<16xf32>, vector<16xi32> -> vector<16xf32>
        %max3A_475 = arith.maximumf %max3A_431, %gather3A_474 : vector<16xf32>
        %add3A_476 = arith.constant 6 : i32
        %add3A_477 = vector.broadcast %add3A_476 : i32 to vector<16xi32>
        %add3A_478 = arith.addi %add3A_207, %add3A_477 : vector<16xi32>
        tpu.vector_store_idx %arg5[%broadcast_in_dim3A_194, %broadcast_in_dim3A_195, %add3A_207, %add3A_478], %max3A_475 masked %le3A_458 : memref<2x4x64x64xf32, #tpu.memory_space<vmem>>[vector<16xi32>, vector<16xi32>, vector<16xi32>, vector<16xi32>], vector<16xf32>, vector<16xi1>
        %get3A_479 = arith.index_cast %add3A_193 : i32 to index
        %get3A_480 = arith.constant 7 : index
        %get3A_481 = tpu.vector_load %arg6[%get3A_479, %get3A_480] {strides = array<i32>} : memref<256x64xf32, #tpu.memory_space<vmem>>, vector<16xf32>,
        %max3A_482 = arith.maximumf %max3A_438, %get3A_481 : vector<16xf32>
        %add3A_483 = arith.constant 7 : i32
        %add3A_484 = vector.broadcast %add3A_483 : i32 to vector<16xi32>
        %add3A_485 = arith.addi %add3A_198, %add3A_484 : vector<16xi32>
        tpu.vector_store_idx %arg5[%broadcast_in_dim3A_194, %broadcast_in_dim3A_195, %add3A_198, %add3A_485], %max3A_482 : memref<2x4x64x64xf32, #tpu.memory_space<vmem>>[vector<16xi32>, vector<16xi32>, vector<16xi32>, vector<16xi32>], vector<16xf32>,
        %get3A_486 = arith.index_cast %add3A_193 : i32 to index
        %get3A_487 = arith.constant 23 : index
        %get3A_488 = tpu.vector_load %arg6[%get3A_486, %get3A_487] {strides = array<i32>} : memref<256x64xf32, #tpu.memory_space<vmem>>, vector<16xf32>,
        %max3A_489 = arith.maximumf %max3A_445, %get3A_488 : vector<16xf32>
        %add3A_490 = arith.constant 7 : i32
        %add3A_491 = vector.broadcast %add3A_490 : i32 to vector<16xi32>
        %add3A_492 = arith.addi %add3A_201, %add3A_491 : vector<16xi32>
        tpu.vector_store_idx %arg5[%broadcast_in_dim3A_194, %broadcast_in_dim3A_195, %add3A_201, %add3A_492], %max3A_489 : memref<2x4x64x64xf32, #tpu.memory_space<vmem>>[vector<16xi32>, vector<16xi32>, vector<16xi32>, vector<16xi32>], vector<16xf32>,
        %get3A_493 = arith.index_cast %add3A_193 : i32 to index
        %get3A_494 = arith.constant 39 : index
        %get3A_495 = tpu.vector_load %arg6[%get3A_493, %get3A_494] {strides = array<i32>} : memref<256x64xf32, #tpu.memory_space<vmem>>, vector<16xf32>,
        %max3A_496 = arith.maximumf %max3A_452, %get3A_495 : vector<16xf32>
        %add3A_497 = arith.constant 7 : i32
        %add3A_498 = vector.broadcast %add3A_497 : i32 to vector<16xi32>
        %add3A_499 = arith.addi %add3A_204, %add3A_498 : vector<16xi32>
        tpu.vector_store_idx %arg5[%broadcast_in_dim3A_194, %broadcast_in_dim3A_195, %add3A_204, %add3A_499], %max3A_496 : memref<2x4x64x64xf32, #tpu.memory_space<vmem>>[vector<16xi32>, vector<16xi32>, vector<16xi32>, vector<16xi32>], vector<16xf32>,
        %le3A_500 = arith.constant 8 : i32
        %le3A_501 = vector.broadcast %le3A_500 : i32 to vector<16xi32>
        %le3A_502 = arith.cmpi sle, %iota3A, %le3A_501 : vector<16xi32>
        %add3A_503 = arith.constant 7 : i32
        %add3A_504 = vector.broadcast %add3A_503 : i32 to vector<16xi32>
        %add3A_505 = arith.addi %iota3A, %add3A_504 : vector<16xi32>
        %min3A_506 = arith.constant 15 : i32
        %min3A_507 = vector.broadcast %min3A_506 : i32 to vector<16xi32>
        %min3A_508 = arith.minsi %add3A_505, %min3A_507 : vector<16xi32>
        %lt3A_509 = arith.constant 0 : i32
        %lt3A_510 = vector.broadcast %lt3A_509 : i32 to vector<16xi32>
        %lt3A_511 = arith.cmpi slt, %min3A_508, %lt3A_510 : vector<16xi32>
        %add3A_512 = arith.constant 16 : i32
        %add3A_513 = vector.broadcast %add3A_512 : i32 to vector<16xi32>
        %add3A_514 = arith.addi %min3A_508, %add3A_513 : vector<16xi32>
        %select_n3A_515 = arith.select %lt3A_511, %add3A_514, %min3A_508 : vector<16xi1>, vector<16xi32>
        %broadcast_in_dim3A_516 = vector.shape_cast %select_n3A_515 : vector<16xi32> to vector<16x1xi32>
        %gather3A_517 = vector.shape_cast %broadcast_in_dim3A_516 : vector<16x1xi32> to vector<16xi32>
        %gather3A_518 = tpu.dynamic_gather %get3A_218[%gather3A_517] in [0] : vector<16xf32>, vector<16xi32> -> vector<16xf32>
        %max3A_519 = arith.maximumf %max3A_475, %gather3A_518 : vector<16xf32>
        %add3A_520 = arith.constant 7 : i32
        %add3A_521 = vector.broadcast %add3A_520 : i32 to vector<16xi32>
        %add3A_522 = arith.addi %add3A_207, %add3A_521 : vector<16xi32>
        tpu.vector_store_idx %arg5[%broadcast_in_dim3A_194, %broadcast_in_dim3A_195, %add3A_207, %add3A_522], %max3A_519 masked %le3A_502 : memref<2x4x64x64xf32, #tpu.memory_space<vmem>>[vector<16xi32>, vector<16xi32>, vector<16xi32>, vector<16xi32>], vector<16xf32>, vector<16xi1>
        %get3A_523 = arith.index_cast %add3A_193 : i32 to index
        %get3A_524 = arith.constant 8 : index
        %get3A_525 = tpu.vector_load %arg6[%get3A_523, %get3A_524] {strides = array<i32>} : memref<256x64xf32, #tpu.memory_space<vmem>>, vector<16xf32>,
        %max3A_526 = arith.maximumf %max3A_482, %get3A_525 : vector<16xf32>
        %add3A_527 = arith.constant 8 : i32
        %add3A_528 = vector.broadcast %add3A_527 : i32 to vector<16xi32>
        %add3A_529 = arith.addi %add3A_198, %add3A_528 : vector<16xi32>
        tpu.vector_store_idx %arg5[%broadcast_in_dim3A_194, %broadcast_in_dim3A_195, %add3A_198, %add3A_529], %max3A_526 : memref<2x4x64x64xf32, #tpu.memory_space<vmem>>[vector<16xi32>, vector<16xi32>, vector<16xi32>, vector<16xi32>], vector<16xf32>,
        %get3A_530 = arith.index_cast %add3A_193 : i32 to index
        %get3A_531 = arith.constant 24 : index
        %get3A_532 = tpu.vector_load %arg6[%get3A_530, %get3A_531] {strides = array<i32>} : memref<256x64xf32, #tpu.memory_space<vmem>>, vector<16xf32>,
        %max3A_533 = arith.maximumf %max3A_489, %get3A_532 : vector<16xf32>
        %add3A_534 = arith.constant 8 : i32
        %add3A_535 = vector.broadcast %add3A_534 : i32 to vector<16xi32>
        %add3A_536 = arith.addi %add3A_201, %add3A_535 : vector<16xi32>
        tpu.vector_store_idx %arg5[%broadcast_in_dim3A_194, %broadcast_in_dim3A_195, %add3A_201, %add3A_536], %max3A_533 : memref<2x4x64x64xf32, #tpu.memory_space<vmem>>[vector<16xi32>, vector<16xi32>, vector<16xi32>, vector<16xi32>], vector<16xf32>,
        %get3A_537 = arith.index_cast %add3A_193 : i32 to index
        %get3A_538 = arith.constant 40 : index
        %get3A_539 = tpu.vector_load %arg6[%get3A_537, %get3A_538] {strides = array<i32>} : memref<256x64xf32, #tpu.memory_space<vmem>>, vector<16xf32>,
        %max3A_540 = arith.maximumf %max3A_496, %get3A_539 : vector<16xf32>
        %add3A_541 = arith.constant 8 : i32
        %add3A_542 = vector.broadcast %add3A_541 : i32 to vector<16xi32>
        %add3A_543 = arith.addi %add3A_204, %add3A_542 : vector<16xi32>
        tpu.vector_store_idx %arg5[%broadcast_in_dim3A_194, %broadcast_in_dim3A_195, %add3A_204, %add3A_543], %max3A_540 : memref<2x4x64x64xf32, #tpu.memory_space<vmem>>[vector<16xi32>, vector<16xi32>, vector<16xi32>, vector<16xi32>], vector<16xf32>,
        %le3A_544 = arith.constant 7 : i32
        %le3A_545 = vector.broadcast %le3A_544 : i32 to vector<16xi32>
        %le3A_546 = arith.cmpi sle, %iota3A, %le3A_545 : vector<16xi32>
        %add3A_547 = arith.constant 8 : i32
        %add3A_548 = vector.broadcast %add3A_547 : i32 to vector<16xi32>
        %add3A_549 = arith.addi %iota3A, %add3A_548 : vector<16xi32>
        %min3A_550 = arith.constant 15 : i32
        %min3A_551 = vector.broadcast %min3A_550 : i32 to vector<16xi32>
        %min3A_552 = arith.minsi %add3A_549, %min3A_551 : vector<16xi32>
        %lt3A_553 = arith.constant 0 : i32
        %lt3A_554 = vector.broadcast %lt3A_553 : i32 to vector<16xi32>
        %lt3A_555 = arith.cmpi slt, %min3A_552, %lt3A_554 : vector<16xi32>
        %add3A_556 = arith.constant 16 : i32
        %add3A_557 = vector.broadcast %add3A_556 : i32 to vector<16xi32>
        %add3A_558 = arith.addi %min3A_552, %add3A_557 : vector<16xi32>
        %select_n3A_559 = arith.select %lt3A_555, %add3A_558, %min3A_552 : vector<16xi1>, vector<16xi32>
        %broadcast_in_dim3A_560 = vector.shape_cast %select_n3A_559 : vector<16xi32> to vector<16x1xi32>
        %gather3A_561 = vector.shape_cast %broadcast_in_dim3A_560 : vector<16x1xi32> to vector<16xi32>
        %gather3A_562 = tpu.dynamic_gather %get3A_218[%gather3A_561] in [0] : vector<16xf32>, vector<16xi32> -> vector<16xf32>
        %max3A_563 = arith.maximumf %max3A_519, %gather3A_562 : vector<16xf32>
        %add3A_564 = arith.constant 8 : i32
        %add3A_565 = vector.broadcast %add3A_564 : i32 to vector<16xi32>
        %add3A_566 = arith.addi %add3A_207, %add3A_565 : vector<16xi32>
        tpu.vector_store_idx %arg5[%broadcast_in_dim3A_194, %broadcast_in_dim3A_195, %add3A_207, %add3A_566], %max3A_563 masked %le3A_546 : memref<2x4x64x64xf32, #tpu.memory_space<vmem>>[vector<16xi32>, vector<16xi32>, vector<16xi32>, vector<16xi32>], vector<16xf32>, vector<16xi1>
        %get3A_567 = arith.index_cast %add3A_193 : i32 to index
        %get3A_568 = arith.constant 9 : index
        %get3A_569 = tpu.vector_load %arg6[%get3A_567, %get3A_568] {strides = array<i32>} : memref<256x64xf32, #tpu.memory_space<vmem>>, vector<16xf32>,
        %max3A_570 = arith.maximumf %max3A_526, %get3A_569 : vector<16xf32>
        %add3A_571 = arith.constant 9 : i32
        %add3A_572 = vector.broadcast %add3A_571 : i32 to vector<16xi32>
        %add3A_573 = arith.addi %add3A_198, %add3A_572 : vector<16xi32>
        tpu.vector_store_idx %arg5[%broadcast_in_dim3A_194, %broadcast_in_dim3A_195, %add3A_198, %add3A_573], %max3A_570 : memref<2x4x64x64xf32, #tpu.memory_space<vmem>>[vector<16xi32>, vector<16xi32>, vector<16xi32>, vector<16xi32>], vector<16xf32>,
        %get3A_574 = arith.index_cast %add3A_193 : i32 to index
        %get3A_575 = arith.constant 25 : index
        %get3A_576 = tpu.vector_load %arg6[%get3A_574, %get3A_575] {strides = array<i32>} : memref<256x64xf32, #tpu.memory_space<vmem>>, vector<16xf32>,
        %max3A_577 = arith.maximumf %max3A_533, %get3A_576 : vector<16xf32>
        %add3A_578 = arith.constant 9 : i32
        %add3A_579 = vector.broadcast %add3A_578 : i32 to vector<16xi32>
        %add3A_580 = arith.addi %add3A_201, %add3A_579 : vector<16xi32>
        tpu.vector_store_idx %arg5[%broadcast_in_dim3A_194, %broadcast_in_dim3A_195, %add3A_201, %add3A_580], %max3A_577 : memref<2x4x64x64xf32, #tpu.memory_space<vmem>>[vector<16xi32>, vector<16xi32>, vector<16xi32>, vector<16xi32>], vector<16xf32>,
        %get3A_581 = arith.index_cast %add3A_193 : i32 to index
        %get3A_582 = arith.constant 41 : index
        %get3A_583 = tpu.vector_load %arg6[%get3A_581, %get3A_582] {strides = array<i32>} : memref<256x64xf32, #tpu.memory_space<vmem>>, vector<16xf32>,
        %max3A_584 = arith.maximumf %max3A_540, %get3A_583 : vector<16xf32>
        %add3A_585 = arith.constant 9 : i32
        %add3A_586 = vector.broadcast %add3A_585 : i32 to vector<16xi32>
        %add3A_587 = arith.addi %add3A_204, %add3A_586 : vector<16xi32>
        tpu.vector_store_idx %arg5[%broadcast_in_dim3A_194, %broadcast_in_dim3A_195, %add3A_204, %add3A_587], %max3A_584 : memref<2x4x64x64xf32, #tpu.memory_space<vmem>>[vector<16xi32>, vector<16xi32>, vector<16xi32>, vector<16xi32>], vector<16xf32>,
        %le3A_588 = arith.constant 6 : i32
        %le3A_589 = vector.broadcast %le3A_588 : i32 to vector<16xi32>
        %le3A_590 = arith.cmpi sle, %iota3A, %le3A_589 : vector<16xi32>
        %add3A_591 = arith.constant 9 : i32
        %add3A_592 = vector.broadcast %add3A_591 : i32 to vector<16xi32>
        %add3A_593 = arith.addi %iota3A, %add3A_592 : vector<16xi32>
        %min3A_594 = arith.constant 15 : i32
        %min3A_595 = vector.broadcast %min3A_594 : i32 to vector<16xi32>
        %min3A_596 = arith.minsi %add3A_593, %min3A_595 : vector<16xi32>
        %lt3A_597 = arith.constant 0 : i32
        %lt3A_598 = vector.broadcast %lt3A_597 : i32 to vector<16xi32>
        %lt3A_599 = arith.cmpi slt, %min3A_596, %lt3A_598 : vector<16xi32>
        %add3A_600 = arith.constant 16 : i32
        %add3A_601 = vector.broadcast %add3A_600 : i32 to vector<16xi32>
        %add3A_602 = arith.addi %min3A_596, %add3A_601 : vector<16xi32>
        %select_n3A_603 = arith.select %lt3A_599, %add3A_602, %min3A_596 : vector<16xi1>, vector<16xi32>
        %broadcast_in_dim3A_604 = vector.shape_cast %select_n3A_603 : vector<16xi32> to vector<16x1xi32>
        %gather3A_605 = vector.shape_cast %broadcast_in_dim3A_604 : vector<16x1xi32> to vector<16xi32>
        %gather3A_606 = tpu.dynamic_gather %get3A_218[%gather3A_605] in [0] : vector<16xf32>, vector<16xi32> -> vector<16xf32>
        %max3A_607 = arith.maximumf %max3A_563, %gather3A_606 : vector<16xf32>
        %add3A_608 = arith.constant 9 : i32
        %add3A_609 = vector.broadcast %add3A_608 : i32 to vector<16xi32>
        %add3A_610 = arith.addi %add3A_207, %add3A_609 : vector<16xi32>
        tpu.vector_store_idx %arg5[%broadcast_in_dim3A_194, %broadcast_in_dim3A_195, %add3A_207, %add3A_610], %max3A_607 masked %le3A_590 : memref<2x4x64x64xf32, #tpu.memory_space<vmem>>[vector<16xi32>, vector<16xi32>, vector<16xi32>, vector<16xi32>], vector<16xf32>, vector<16xi1>
        %get3A_611 = arith.index_cast %add3A_193 : i32 to index
        %get3A_612 = arith.constant 10 : index
        %get3A_613 = tpu.vector_load %arg6[%get3A_611, %get3A_612] {strides = array<i32>} : memref<256x64xf32, #tpu.memory_space<vmem>>, vector<16xf32>,
        %max3A_614 = arith.maximumf %max3A_570, %get3A_613 : vector<16xf32>
        %add3A_615 = arith.constant 10 : i32
        %add3A_616 = vector.broadcast %add3A_615 : i32 to vector<16xi32>
        %add3A_617 = arith.addi %add3A_198, %add3A_616 : vector<16xi32>
        tpu.vector_store_idx %arg5[%broadcast_in_dim3A_194, %broadcast_in_dim3A_195, %add3A_198, %add3A_617], %max3A_614 : memref<2x4x64x64xf32, #tpu.memory_space<vmem>>[vector<16xi32>, vector<16xi32>, vector<16xi32>, vector<16xi32>], vector<16xf32>,
        %get3A_618 = arith.index_cast %add3A_193 : i32 to index
        %get3A_619 = arith.constant 26 : index
        %get3A_620 = tpu.vector_load %arg6[%get3A_618, %get3A_619] {strides = array<i32>} : memref<256x64xf32, #tpu.memory_space<vmem>>, vector<16xf32>,
        %max3A_621 = arith.maximumf %max3A_577, %get3A_620 : vector<16xf32>
        %add3A_622 = arith.constant 10 : i32
        %add3A_623 = vector.broadcast %add3A_622 : i32 to vector<16xi32>
        %add3A_624 = arith.addi %add3A_201, %add3A_623 : vector<16xi32>
        tpu.vector_store_idx %arg5[%broadcast_in_dim3A_194, %broadcast_in_dim3A_195, %add3A_201, %add3A_624], %max3A_621 : memref<2x4x64x64xf32, #tpu.memory_space<vmem>>[vector<16xi32>, vector<16xi32>, vector<16xi32>, vector<16xi32>], vector<16xf32>,
        %get3A_625 = arith.index_cast %add3A_193 : i32 to index
        %get3A_626 = arith.constant 42 : index
        %get3A_627 = tpu.vector_load %arg6[%get3A_625, %get3A_626] {strides = array<i32>} : memref<256x64xf32, #tpu.memory_space<vmem>>, vector<16xf32>,
        %max3A_628 = arith.maximumf %max3A_584, %get3A_627 : vector<16xf32>
        %add3A_629 = arith.constant 10 : i32
        %add3A_630 = vector.broadcast %add3A_629 : i32 to vector<16xi32>
        %add3A_631 = arith.addi %add3A_204, %add3A_630 : vector<16xi32>
        tpu.vector_store_idx %arg5[%broadcast_in_dim3A_194, %broadcast_in_dim3A_195, %add3A_204, %add3A_631], %max3A_628 : memref<2x4x64x64xf32, #tpu.memory_space<vmem>>[vector<16xi32>, vector<16xi32>, vector<16xi32>, vector<16xi32>], vector<16xf32>,
        %le3A_632 = arith.constant 5 : i32
        %le3A_633 = vector.broadcast %le3A_632 : i32 to vector<16xi32>
        %le3A_634 = arith.cmpi sle, %iota3A, %le3A_633 : vector<16xi32>
        %add3A_635 = arith.constant 10 : i32
        %add3A_636 = vector.broadcast %add3A_635 : i32 to vector<16xi32>
        %add3A_637 = arith.addi %iota3A, %add3A_636 : vector<16xi32>
        %min3A_638 = arith.constant 15 : i32
        %min3A_639 = vector.broadcast %min3A_638 : i32 to vector<16xi32>
        %min3A_640 = arith.minsi %add3A_637, %min3A_639 : vector<16xi32>
        %lt3A_641 = arith.constant 0 : i32
        %lt3A_642 = vector.broadcast %lt3A_641 : i32 to vector<16xi32>
        %lt3A_643 = arith.cmpi slt, %min3A_640, %lt3A_642 : vector<16xi32>
        %add3A_644 = arith.constant 16 : i32
        %add3A_645 = vector.broadcast %add3A_644 : i32 to vector<16xi32>
        %add3A_646 = arith.addi %min3A_640, %add3A_645 : vector<16xi32>
        %select_n3A_647 = arith.select %lt3A_643, %add3A_646, %min3A_640 : vector<16xi1>, vector<16xi32>
        %broadcast_in_dim3A_648 = vector.shape_cast %select_n3A_647 : vector<16xi32> to vector<16x1xi32>
        %gather3A_649 = vector.shape_cast %broadcast_in_dim3A_648 : vector<16x1xi32> to vector<16xi32>
        %gather3A_650 = tpu.dynamic_gather %get3A_218[%gather3A_649] in [0] : vector<16xf32>, vector<16xi32> -> vector<16xf32>
        %max3A_651 = arith.maximumf %max3A_607, %gather3A_650 : vector<16xf32>
        %add3A_652 = arith.constant 10 : i32
        %add3A_653 = vector.broadcast %add3A_652 : i32 to vector<16xi32>
        %add3A_654 = arith.addi %add3A_207, %add3A_653 : vector<16xi32>
        tpu.vector_store_idx %arg5[%broadcast_in_dim3A_194, %broadcast_in_dim3A_195, %add3A_207, %add3A_654], %max3A_651 masked %le3A_634 : memref<2x4x64x64xf32, #tpu.memory_space<vmem>>[vector<16xi32>, vector<16xi32>, vector<16xi32>, vector<16xi32>], vector<16xf32>, vector<16xi1>
        %get3A_655 = arith.index_cast %add3A_193 : i32 to index
        %get3A_656 = arith.constant 11 : index
        %get3A_657 = tpu.vector_load %arg6[%get3A_655, %get3A_656] {strides = array<i32>} : memref<256x64xf32, #tpu.memory_space<vmem>>, vector<16xf32>,
        %max3A_658 = arith.maximumf %max3A_614, %get3A_657 : vector<16xf32>
        %add3A_659 = arith.constant 11 : i32
        %add3A_660 = vector.broadcast %add3A_659 : i32 to vector<16xi32>
        %add3A_661 = arith.addi %add3A_198, %add3A_660 : vector<16xi32>
        tpu.vector_store_idx %arg5[%broadcast_in_dim3A_194, %broadcast_in_dim3A_195, %add3A_198, %add3A_661], %max3A_658 : memref<2x4x64x64xf32, #tpu.memory_space<vmem>>[vector<16xi32>, vector<16xi32>, vector<16xi32>, vector<16xi32>], vector<16xf32>,
        %get3A_662 = arith.index_cast %add3A_193 : i32 to index
        %get3A_663 = arith.constant 27 : index
        %get3A_664 = tpu.vector_load %arg6[%get3A_662, %get3A_663] {strides = array<i32>} : memref<256x64xf32, #tpu.memory_space<vmem>>, vector<16xf32>,
        %max3A_665 = arith.maximumf %max3A_621, %get3A_664 : vector<16xf32>
        %add3A_666 = arith.constant 11 : i32
        %add3A_667 = vector.broadcast %add3A_666 : i32 to vector<16xi32>
        %add3A_668 = arith.addi %add3A_201, %add3A_667 : vector<16xi32>
        tpu.vector_store_idx %arg5[%broadcast_in_dim3A_194, %broadcast_in_dim3A_195, %add3A_201, %add3A_668], %max3A_665 : memref<2x4x64x64xf32, #tpu.memory_space<vmem>>[vector<16xi32>, vector<16xi32>, vector<16xi32>, vector<16xi32>], vector<16xf32>,
        %get3A_669 = arith.index_cast %add3A_193 : i32 to index
        %get3A_670 = arith.constant 43 : index
        %get3A_671 = tpu.vector_load %arg6[%get3A_669, %get3A_670] {strides = array<i32>} : memref<256x64xf32, #tpu.memory_space<vmem>>, vector<16xf32>,
        %max3A_672 = arith.maximumf %max3A_628, %get3A_671 : vector<16xf32>
        %add3A_673 = arith.constant 11 : i32
        %add3A_674 = vector.broadcast %add3A_673 : i32 to vector<16xi32>
        %add3A_675 = arith.addi %add3A_204, %add3A_674 : vector<16xi32>
        tpu.vector_store_idx %arg5[%broadcast_in_dim3A_194, %broadcast_in_dim3A_195, %add3A_204, %add3A_675], %max3A_672 : memref<2x4x64x64xf32, #tpu.memory_space<vmem>>[vector<16xi32>, vector<16xi32>, vector<16xi32>, vector<16xi32>], vector<16xf32>,
        %le3A_676 = arith.constant 4 : i32
        %le3A_677 = vector.broadcast %le3A_676 : i32 to vector<16xi32>
        %le3A_678 = arith.cmpi sle, %iota3A, %le3A_677 : vector<16xi32>
        %add3A_679 = arith.constant 11 : i32
        %add3A_680 = vector.broadcast %add3A_679 : i32 to vector<16xi32>
        %add3A_681 = arith.addi %iota3A, %add3A_680 : vector<16xi32>
        %min3A_682 = arith.constant 15 : i32
        %min3A_683 = vector.broadcast %min3A_682 : i32 to vector<16xi32>
        %min3A_684 = arith.minsi %add3A_681, %min3A_683 : vector<16xi32>
        %lt3A_685 = arith.constant 0 : i32
        %lt3A_686 = vector.broadcast %lt3A_685 : i32 to vector<16xi32>
        %lt3A_687 = arith.cmpi slt, %min3A_684, %lt3A_686 : vector<16xi32>
        %add3A_688 = arith.constant 16 : i32
        %add3A_689 = vector.broadcast %add3A_688 : i32 to vector<16xi32>
        %add3A_690 = arith.addi %min3A_684, %add3A_689 : vector<16xi32>
        %select_n3A_691 = arith.select %lt3A_687, %add3A_690, %min3A_684 : vector<16xi1>, vector<16xi32>
        %broadcast_in_dim3A_692 = vector.shape_cast %select_n3A_691 : vector<16xi32> to vector<16x1xi32>
        %gather3A_693 = vector.shape_cast %broadcast_in_dim3A_692 : vector<16x1xi32> to vector<16xi32>
        %gather3A_694 = tpu.dynamic_gather %get3A_218[%gather3A_693] in [0] : vector<16xf32>, vector<16xi32> -> vector<16xf32>
        %max3A_695 = arith.maximumf %max3A_651, %gather3A_694 : vector<16xf32>
        %add3A_696 = arith.constant 11 : i32
        %add3A_697 = vector.broadcast %add3A_696 : i32 to vector<16xi32>
        %add3A_698 = arith.addi %add3A_207, %add3A_697 : vector<16xi32>
        tpu.vector_store_idx %arg5[%broadcast_in_dim3A_194, %broadcast_in_dim3A_195, %add3A_207, %add3A_698], %max3A_695 masked %le3A_678 : memref<2x4x64x64xf32, #tpu.memory_space<vmem>>[vector<16xi32>, vector<16xi32>, vector<16xi32>, vector<16xi32>], vector<16xf32>, vector<16xi1>
        %get3A_699 = arith.index_cast %add3A_193 : i32 to index
        %get3A_700 = arith.constant 12 : index
        %get3A_701 = tpu.vector_load %arg6[%get3A_699, %get3A_700] {strides = array<i32>} : memref<256x64xf32, #tpu.memory_space<vmem>>, vector<16xf32>,
        %max3A_702 = arith.maximumf %max3A_658, %get3A_701 : vector<16xf32>
        %add3A_703 = arith.constant 12 : i32
        %add3A_704 = vector.broadcast %add3A_703 : i32 to vector<16xi32>
        %add3A_705 = arith.addi %add3A_198, %add3A_704 : vector<16xi32>
        tpu.vector_store_idx %arg5[%broadcast_in_dim3A_194, %broadcast_in_dim3A_195, %add3A_198, %add3A_705], %max3A_702 : memref<2x4x64x64xf32, #tpu.memory_space<vmem>>[vector<16xi32>, vector<16xi32>, vector<16xi32>, vector<16xi32>], vector<16xf32>,
        %get3A_706 = arith.index_cast %add3A_193 : i32 to index
        %get3A_707 = arith.constant 28 : index
        %get3A_708 = tpu.vector_load %arg6[%get3A_706, %get3A_707] {strides = array<i32>} : memref<256x64xf32, #tpu.memory_space<vmem>>, vector<16xf32>,
        %max3A_709 = arith.maximumf %max3A_665, %get3A_708 : vector<16xf32>
        %add3A_710 = arith.constant 12 : i32
        %add3A_711 = vector.broadcast %add3A_710 : i32 to vector<16xi32>
        %add3A_712 = arith.addi %add3A_201, %add3A_711 : vector<16xi32>
        tpu.vector_store_idx %arg5[%broadcast_in_dim3A_194, %broadcast_in_dim3A_195, %add3A_201, %add3A_712], %max3A_709 : memref<2x4x64x64xf32, #tpu.memory_space<vmem>>[vector<16xi32>, vector<16xi32>, vector<16xi32>, vector<16xi32>], vector<16xf32>,
        %get3A_713 = arith.index_cast %add3A_193 : i32 to index
        %get3A_714 = arith.constant 44 : index
        %get3A_715 = tpu.vector_load %arg6[%get3A_713, %get3A_714] {strides = array<i32>} : memref<256x64xf32, #tpu.memory_space<vmem>>, vector<16xf32>,
        %max3A_716 = arith.maximumf %max3A_672, %get3A_715 : vector<16xf32>
        %add3A_717 = arith.constant 12 : i32
        %add3A_718 = vector.broadcast %add3A_717 : i32 to vector<16xi32>
        %add3A_719 = arith.addi %add3A_204, %add3A_718 : vector<16xi32>
        tpu.vector_store_idx %arg5[%broadcast_in_dim3A_194, %broadcast_in_dim3A_195, %add3A_204, %add3A_719], %max3A_716 : memref<2x4x64x64xf32, #tpu.memory_space<vmem>>[vector<16xi32>, vector<16xi32>, vector<16xi32>, vector<16xi32>], vector<16xf32>,
        %le3A_720 = arith.constant 3 : i32
        %le3A_721 = vector.broadcast %le3A_720 : i32 to vector<16xi32>
        %le3A_722 = arith.cmpi sle, %iota3A, %le3A_721 : vector<16xi32>
        %add3A_723 = arith.constant 12 : i32
        %add3A_724 = vector.broadcast %add3A_723 : i32 to vector<16xi32>
        %add3A_725 = arith.addi %iota3A, %add3A_724 : vector<16xi32>
        %min3A_726 = arith.constant 15 : i32
        %min3A_727 = vector.broadcast %min3A_726 : i32 to vector<16xi32>
        %min3A_728 = arith.minsi %add3A_725, %min3A_727 : vector<16xi32>
        %lt3A_729 = arith.constant 0 : i32
        %lt3A_730 = vector.broadcast %lt3A_729 : i32 to vector<16xi32>
        %lt3A_731 = arith.cmpi slt, %min3A_728, %lt3A_730 : vector<16xi32>
        %add3A_732 = arith.constant 16 : i32
        %add3A_733 = vector.broadcast %add3A_732 : i32 to vector<16xi32>
        %add3A_734 = arith.addi %min3A_728, %add3A_733 : vector<16xi32>
        %select_n3A_735 = arith.select %lt3A_731, %add3A_734, %min3A_728 : vector<16xi1>, vector<16xi32>
        %broadcast_in_dim3A_736 = vector.shape_cast %select_n3A_735 : vector<16xi32> to vector<16x1xi32>
        %gather3A_737 = vector.shape_cast %broadcast_in_dim3A_736 : vector<16x1xi32> to vector<16xi32>
        %gather3A_738 = tpu.dynamic_gather %get3A_218[%gather3A_737] in [0] : vector<16xf32>, vector<16xi32> -> vector<16xf32>
        %max3A_739 = arith.maximumf %max3A_695, %gather3A_738 : vector<16xf32>
        %add3A_740 = arith.constant 12 : i32
        %add3A_741 = vector.broadcast %add3A_740 : i32 to vector<16xi32>
        %add3A_742 = arith.addi %add3A_207, %add3A_741 : vector<16xi32>
        tpu.vector_store_idx %arg5[%broadcast_in_dim3A_194, %broadcast_in_dim3A_195, %add3A_207, %add3A_742], %max3A_739 masked %le3A_722 : memref<2x4x64x64xf32, #tpu.memory_space<vmem>>[vector<16xi32>, vector<16xi32>, vector<16xi32>, vector<16xi32>], vector<16xf32>, vector<16xi1>
        %get3A_743 = arith.index_cast %add3A_193 : i32 to index
        %get3A_744 = arith.constant 13 : index
        %get3A_745 = tpu.vector_load %arg6[%get3A_743, %get3A_744] {strides = array<i32>} : memref<256x64xf32, #tpu.memory_space<vmem>>, vector<16xf32>,
        %max3A_746 = arith.maximumf %max3A_702, %get3A_745 : vector<16xf32>
        %add3A_747 = arith.constant 13 : i32
        %add3A_748 = vector.broadcast %add3A_747 : i32 to vector<16xi32>
        %add3A_749 = arith.addi %add3A_198, %add3A_748 : vector<16xi32>
        tpu.vector_store_idx %arg5[%broadcast_in_dim3A_194, %broadcast_in_dim3A_195, %add3A_198, %add3A_749], %max3A_746 : memref<2x4x64x64xf32, #tpu.memory_space<vmem>>[vector<16xi32>, vector<16xi32>, vector<16xi32>, vector<16xi32>], vector<16xf32>,
        %get3A_750 = arith.index_cast %add3A_193 : i32 to index
        %get3A_751 = arith.constant 29 : index
        %get3A_752 = tpu.vector_load %arg6[%get3A_750, %get3A_751] {strides = array<i32>} : memref<256x64xf32, #tpu.memory_space<vmem>>, vector<16xf32>,
        %max3A_753 = arith.maximumf %max3A_709, %get3A_752 : vector<16xf32>
        %add3A_754 = arith.constant 13 : i32
        %add3A_755 = vector.broadcast %add3A_754 : i32 to vector<16xi32>
        %add3A_756 = arith.addi %add3A_201, %add3A_755 : vector<16xi32>
        tpu.vector_store_idx %arg5[%broadcast_in_dim3A_194, %broadcast_in_dim3A_195, %add3A_201, %add3A_756], %max3A_753 : memref<2x4x64x64xf32, #tpu.memory_space<vmem>>[vector<16xi32>, vector<16xi32>, vector<16xi32>, vector<16xi32>], vector<16xf32>,
        %get3A_757 = arith.index_cast %add3A_193 : i32 to index
        %get3A_758 = arith.constant 45 : index
        %get3A_759 = tpu.vector_load %arg6[%get3A_757, %get3A_758] {strides = array<i32>} : memref<256x64xf32, #tpu.memory_space<vmem>>, vector<16xf32>,
        %max3A_760 = arith.maximumf %max3A_716, %get3A_759 : vector<16xf32>
        %add3A_761 = arith.constant 13 : i32
        %add3A_762 = vector.broadcast %add3A_761 : i32 to vector<16xi32>
        %add3A_763 = arith.addi %add3A_204, %add3A_762 : vector<16xi32>
        tpu.vector_store_idx %arg5[%broadcast_in_dim3A_194, %broadcast_in_dim3A_195, %add3A_204, %add3A_763], %max3A_760 : memref<2x4x64x64xf32, #tpu.memory_space<vmem>>[vector<16xi32>, vector<16xi32>, vector<16xi32>, vector<16xi32>], vector<16xf32>,
        %le3A_764 = arith.constant 2 : i32
        %le3A_765 = vector.broadcast %le3A_764 : i32 to vector<16xi32>
        %le3A_766 = arith.cmpi sle, %iota3A, %le3A_765 : vector<16xi32>
        %add3A_767 = arith.constant 13 : i32
        %add3A_768 = vector.broadcast %add3A_767 : i32 to vector<16xi32>
        %add3A_769 = arith.addi %iota3A, %add3A_768 : vector<16xi32>
        %min3A_770 = arith.constant 15 : i32
        %min3A_771 = vector.broadcast %min3A_770 : i32 to vector<16xi32>
        %min3A_772 = arith.minsi %add3A_769, %min3A_771 : vector<16xi32>
        %lt3A_773 = arith.constant 0 : i32
        %lt3A_774 = vector.broadcast %lt3A_773 : i32 to vector<16xi32>
        %lt3A_775 = arith.cmpi slt, %min3A_772, %lt3A_774 : vector<16xi32>
        %add3A_776 = arith.constant 16 : i32
        %add3A_777 = vector.broadcast %add3A_776 : i32 to vector<16xi32>
        %add3A_778 = arith.addi %min3A_772, %add3A_777 : vector<16xi32>
        %select_n3A_779 = arith.select %lt3A_775, %add3A_778, %min3A_772 : vector<16xi1>, vector<16xi32>
        %broadcast_in_dim3A_780 = vector.shape_cast %select_n3A_779 : vector<16xi32> to vector<16x1xi32>
        %gather3A_781 = vector.shape_cast %broadcast_in_dim3A_780 : vector<16x1xi32> to vector<16xi32>
        %gather3A_782 = tpu.dynamic_gather %get3A_218[%gather3A_781] in [0] : vector<16xf32>, vector<16xi32> -> vector<16xf32>
        %max3A_783 = arith.maximumf %max3A_739, %gather3A_782 : vector<16xf32>
        %add3A_784 = arith.constant 13 : i32
        %add3A_785 = vector.broadcast %add3A_784 : i32 to vector<16xi32>
        %add3A_786 = arith.addi %add3A_207, %add3A_785 : vector<16xi32>
        tpu.vector_store_idx %arg5[%broadcast_in_dim3A_194, %broadcast_in_dim3A_195, %add3A_207, %add3A_786], %max3A_783 masked %le3A_766 : memref<2x4x64x64xf32, #tpu.memory_space<vmem>>[vector<16xi32>, vector<16xi32>, vector<16xi32>, vector<16xi32>], vector<16xf32>, vector<16xi1>
        %get3A_787 = arith.index_cast %add3A_193 : i32 to index
        %get3A_788 = arith.constant 14 : index
        %get3A_789 = tpu.vector_load %arg6[%get3A_787, %get3A_788] {strides = array<i32>} : memref<256x64xf32, #tpu.memory_space<vmem>>, vector<16xf32>,
        %max3A_790 = arith.maximumf %max3A_746, %get3A_789 : vector<16xf32>
        %add3A_791 = arith.constant 14 : i32
        %add3A_792 = vector.broadcast %add3A_791 : i32 to vector<16xi32>
        %add3A_793 = arith.addi %add3A_198, %add3A_792 : vector<16xi32>
        tpu.vector_store_idx %arg5[%broadcast_in_dim3A_194, %broadcast_in_dim3A_195, %add3A_198, %add3A_793], %max3A_790 : memref<2x4x64x64xf32, #tpu.memory_space<vmem>>[vector<16xi32>, vector<16xi32>, vector<16xi32>, vector<16xi32>], vector<16xf32>,
        %get3A_794 = arith.index_cast %add3A_193 : i32 to index
        %get3A_795 = arith.constant 30 : index
        %get3A_796 = tpu.vector_load %arg6[%get3A_794, %get3A_795] {strides = array<i32>} : memref<256x64xf32, #tpu.memory_space<vmem>>, vector<16xf32>,
        %max3A_797 = arith.maximumf %max3A_753, %get3A_796 : vector<16xf32>
        %add3A_798 = arith.constant 14 : i32
        %add3A_799 = vector.broadcast %add3A_798 : i32 to vector<16xi32>
        %add3A_800 = arith.addi %add3A_201, %add3A_799 : vector<16xi32>
        tpu.vector_store_idx %arg5[%broadcast_in_dim3A_194, %broadcast_in_dim3A_195, %add3A_201, %add3A_800], %max3A_797 : memref<2x4x64x64xf32, #tpu.memory_space<vmem>>[vector<16xi32>, vector<16xi32>, vector<16xi32>, vector<16xi32>], vector<16xf32>,
        %get3A_801 = arith.index_cast %add3A_193 : i32 to index
        %get3A_802 = arith.constant 46 : index
        %get3A_803 = tpu.vector_load %arg6[%get3A_801, %get3A_802] {strides = array<i32>} : memref<256x64xf32, #tpu.memory_space<vmem>>, vector<16xf32>,
        %max3A_804 = arith.maximumf %max3A_760, %get3A_803 : vector<16xf32>
        %add3A_805 = arith.constant 14 : i32
        %add3A_806 = vector.broadcast %add3A_805 : i32 to vector<16xi32>
        %add3A_807 = arith.addi %add3A_204, %add3A_806 : vector<16xi32>
        tpu.vector_store_idx %arg5[%broadcast_in_dim3A_194, %broadcast_in_dim3A_195, %add3A_204, %add3A_807], %max3A_804 : memref<2x4x64x64xf32, #tpu.memory_space<vmem>>[vector<16xi32>, vector<16xi32>, vector<16xi32>, vector<16xi32>], vector<16xf32>,
        %le3A_808 = arith.constant 1 : i32
        %le3A_809 = vector.broadcast %le3A_808 : i32 to vector<16xi32>
        %le3A_810 = arith.cmpi sle, %iota3A, %le3A_809 : vector<16xi32>
        %add3A_811 = arith.constant 14 : i32
        %add3A_812 = vector.broadcast %add3A_811 : i32 to vector<16xi32>
        %add3A_813 = arith.addi %iota3A, %add3A_812 : vector<16xi32>
        %min3A_814 = arith.constant 15 : i32
        %min3A_815 = vector.broadcast %min3A_814 : i32 to vector<16xi32>
        %min3A_816 = arith.minsi %add3A_813, %min3A_815 : vector<16xi32>
        %lt3A_817 = arith.constant 0 : i32
        %lt3A_818 = vector.broadcast %lt3A_817 : i32 to vector<16xi32>
        %lt3A_819 = arith.cmpi slt, %min3A_816, %lt3A_818 : vector<16xi32>
        %add3A_820 = arith.constant 16 : i32
        %add3A_821 = vector.broadcast %add3A_820 : i32 to vector<16xi32>
        %add3A_822 = arith.addi %min3A_816, %add3A_821 : vector<16xi32>
        %select_n3A_823 = arith.select %lt3A_819, %add3A_822, %min3A_816 : vector<16xi1>, vector<16xi32>
        %broadcast_in_dim3A_824 = vector.shape_cast %select_n3A_823 : vector<16xi32> to vector<16x1xi32>
        %gather3A_825 = vector.shape_cast %broadcast_in_dim3A_824 : vector<16x1xi32> to vector<16xi32>
        %gather3A_826 = tpu.dynamic_gather %get3A_218[%gather3A_825] in [0] : vector<16xf32>, vector<16xi32> -> vector<16xf32>
        %max3A_827 = arith.maximumf %max3A_783, %gather3A_826 : vector<16xf32>
        %add3A_828 = arith.constant 14 : i32
        %add3A_829 = vector.broadcast %add3A_828 : i32 to vector<16xi32>
        %add3A_830 = arith.addi %add3A_207, %add3A_829 : vector<16xi32>
        tpu.vector_store_idx %arg5[%broadcast_in_dim3A_194, %broadcast_in_dim3A_195, %add3A_207, %add3A_830], %max3A_827 masked %le3A_810 : memref<2x4x64x64xf32, #tpu.memory_space<vmem>>[vector<16xi32>, vector<16xi32>, vector<16xi32>, vector<16xi32>], vector<16xf32>, vector<16xi1>
        %get3A_831 = arith.index_cast %add3A_193 : i32 to index
        %get3A_832 = arith.constant 15 : index
        %get3A_833 = tpu.vector_load %arg6[%get3A_831, %get3A_832] {strides = array<i32>} : memref<256x64xf32, #tpu.memory_space<vmem>>, vector<16xf32>,
        %max3A_834 = arith.maximumf %max3A_790, %get3A_833 : vector<16xf32>
        %add3A_835 = arith.constant 15 : i32
        %add3A_836 = vector.broadcast %add3A_835 : i32 to vector<16xi32>
        %add3A_837 = arith.addi %add3A_198, %add3A_836 : vector<16xi32>
        tpu.vector_store_idx %arg5[%broadcast_in_dim3A_194, %broadcast_in_dim3A_195, %add3A_198, %add3A_837], %max3A_834 : memref<2x4x64x64xf32, #tpu.memory_space<vmem>>[vector<16xi32>, vector<16xi32>, vector<16xi32>, vector<16xi32>], vector<16xf32>,
        %get3A_838 = arith.index_cast %add3A_193 : i32 to index
        %get3A_839 = arith.constant 31 : index
        %get3A_840 = tpu.vector_load %arg6[%get3A_838, %get3A_839] {strides = array<i32>} : memref<256x64xf32, #tpu.memory_space<vmem>>, vector<16xf32>,
        %max3A_841 = arith.maximumf %max3A_797, %get3A_840 : vector<16xf32>
        %add3A_842 = arith.constant 15 : i32
        %add3A_843 = vector.broadcast %add3A_842 : i32 to vector<16xi32>
        %add3A_844 = arith.addi %add3A_201, %add3A_843 : vector<16xi32>
        tpu.vector_store_idx %arg5[%broadcast_in_dim3A_194, %broadcast_in_dim3A_195, %add3A_201, %add3A_844], %max3A_841 : memref<2x4x64x64xf32, #tpu.memory_space<vmem>>[vector<16xi32>, vector<16xi32>, vector<16xi32>, vector<16xi32>], vector<16xf32>,
        %get3A_845 = arith.index_cast %add3A_193 : i32 to index
        %get3A_846 = arith.constant 47 : index
        %get3A_847 = tpu.vector_load %arg6[%get3A_845, %get3A_846] {strides = array<i32>} : memref<256x64xf32, #tpu.memory_space<vmem>>, vector<16xf32>,
        %max3A_848 = arith.maximumf %max3A_804, %get3A_847 : vector<16xf32>
        %add3A_849 = arith.constant 15 : i32
        %add3A_850 = vector.broadcast %add3A_849 : i32 to vector<16xi32>
        %add3A_851 = arith.addi %add3A_204, %add3A_850 : vector<16xi32>
        tpu.vector_store_idx %arg5[%broadcast_in_dim3A_194, %broadcast_in_dim3A_195, %add3A_204, %add3A_851], %max3A_848 : memref<2x4x64x64xf32, #tpu.memory_space<vmem>>[vector<16xi32>, vector<16xi32>, vector<16xi32>, vector<16xi32>], vector<16xf32>,
        %le3A_852 = arith.constant 0 : i32
        %le3A_853 = vector.broadcast %le3A_852 : i32 to vector<16xi32>
        %le3A_854 = arith.cmpi sle, %iota3A, %le3A_853 : vector<16xi32>
        %add3A_855 = arith.constant 15 : i32
        %add3A_856 = vector.broadcast %add3A_855 : i32 to vector<16xi32>
        %add3A_857 = arith.addi %iota3A, %add3A_856 : vector<16xi32>
        %min3A_858 = arith.constant 15 : i32
        %min3A_859 = vector.broadcast %min3A_858 : i32 to vector<16xi32>
        %min3A_860 = arith.minsi %add3A_857, %min3A_859 : vector<16xi32>
        %lt3A_861 = arith.constant 0 : i32
        %lt3A_862 = vector.broadcast %lt3A_861 : i32 to vector<16xi32>
        %lt3A_863 = arith.cmpi slt, %min3A_860, %lt3A_862 : vector<16xi32>
        %add3A_864 = arith.constant 16 : i32
        %add3A_865 = vector.broadcast %add3A_864 : i32 to vector<16xi32>
        %add3A_866 = arith.addi %min3A_860, %add3A_865 : vector<16xi32>
        %select_n3A_867 = arith.select %lt3A_863, %add3A_866, %min3A_860 : vector<16xi1>, vector<16xi32>
        %broadcast_in_dim3A_868 = vector.shape_cast %select_n3A_867 : vector<16xi32> to vector<16x1xi32>
        %gather3A_869 = vector.shape_cast %broadcast_in_dim3A_868 : vector<16x1xi32> to vector<16xi32>
        %gather3A_870 = tpu.dynamic_gather %get3A_218[%gather3A_869] in [0] : vector<16xf32>, vector<16xi32> -> vector<16xf32>
        %max3A_871 = arith.maximumf %max3A_827, %gather3A_870 : vector<16xf32>
        %add3A_872 = arith.constant 15 : i32
        %add3A_873 = vector.broadcast %add3A_872 : i32 to vector<16xi32>
        %add3A_874 = arith.addi %add3A_207, %add3A_873 : vector<16xi32>
        tpu.vector_store_idx %arg5[%broadcast_in_dim3A_194, %broadcast_in_dim3A_195, %add3A_207, %add3A_874], %max3A_871 masked %le3A_854 : memref<2x4x64x64xf32, #tpu.memory_space<vmem>>[vector<16xi32>, vector<16xi32>, vector<16xi32>, vector<16xi32>], vector<16xf32>, vector<16xi1>
        %mul3A_875 = arith.constant 2 : i32
        %mul3A_876 = vector.broadcast %mul3A_875 : i32 to vector<16xi32>
        %mul3A_877 = arith.muli %mul3A_876, %iota3A : vector<16xi32>
        %mul3A_878 = arith.constant 2 : i32
        %mul3A_879 = vector.broadcast %mul3A_878 : i32 to vector<16xi32>
        %mul3A_880 = arith.muli %mul3A_879, %iota3A : vector<16xi32>
        %add3A_881 = arith.constant 32 : i32
        %add3A_882 = vector.broadcast %add3A_881 : i32 to vector<16xi32>
        %add3A_883 = arith.addi %mul3A_880, %add3A_882 : vector<16xi32>
        %add3A_884 = arith.constant 15 : i32
        %add3A_885 = vector.broadcast %add3A_884 : i32 to vector<16xi32>
        %add3A_886 = arith.addi %mul3A_877, %add3A_885 : vector<16xi32>
        %gather3A_887 = tpu.vector_load_idx %arg5[%broadcast_in_dim3A_194, %broadcast_in_dim3A_195, %mul3A_877, %add3A_886] : memref<2x4x64x64xf32, #tpu.memory_space<vmem>>[vector<16xi32>, vector<16xi32>, vector<16xi32>, vector<16xi32>], vector<16xf32>,
        %add3A_888 = arith.constant 1 : i32
        %add3A_889 = vector.broadcast %add3A_888 : i32 to vector<16xi32>
        %add3A_890 = arith.addi %mul3A_877, %add3A_889 : vector<16xi32>
        %add3A_891 = arith.constant 16 : i32
        %add3A_892 = vector.broadcast %add3A_891 : i32 to vector<16xi32>
        %add3A_893 = arith.addi %mul3A_877, %add3A_892 : vector<16xi32>
        %gather3A_894 = tpu.vector_load_idx %arg5[%broadcast_in_dim3A_194, %broadcast_in_dim3A_195, %add3A_890, %add3A_893] : memref<2x4x64x64xf32, #tpu.memory_space<vmem>>[vector<16xi32>, vector<16xi32>, vector<16xi32>, vector<16xi32>], vector<16xf32>,
        %add3A_895 = arith.constant 2 : i32
        %add3A_896 = vector.broadcast %add3A_895 : i32 to vector<16xi32>
        %add3A_897 = arith.addi %mul3A_877, %add3A_896 : vector<16xi32>
        %add3A_898 = arith.constant 17 : i32
        %add3A_899 = vector.broadcast %add3A_898 : i32 to vector<16xi32>
        %add3A_900 = arith.addi %mul3A_877, %add3A_899 : vector<16xi32>
        %gather3A_901 = tpu.vector_load_idx %arg5[%broadcast_in_dim3A_194, %broadcast_in_dim3A_195, %add3A_897, %add3A_900] : memref<2x4x64x64xf32, #tpu.memory_space<vmem>>[vector<16xi32>, vector<16xi32>, vector<16xi32>, vector<16xi32>], vector<16xf32>,
        %max3A_902 = arith.maximumf %gather3A_887, %gather3A_894 : vector<16xf32>
        %max3A_903 = arith.maximumf %max3A_902, %gather3A_901 : vector<16xf32>
        %add3A_904 = arith.constant 17 : i32
        %add3A_905 = vector.broadcast %add3A_904 : i32 to vector<16xi32>
        %add3A_906 = arith.addi %mul3A_877, %add3A_905 : vector<16xi32>
        tpu.vector_store_idx %arg5[%broadcast_in_dim3A_194, %broadcast_in_dim3A_195, %mul3A_877, %add3A_906], %max3A_903 : memref<2x4x64x64xf32, #tpu.memory_space<vmem>>[vector<16xi32>, vector<16xi32>, vector<16xi32>, vector<16xi32>], vector<16xf32>,
        %le3A_907 = arith.constant 7 : i32
        %le3A_908 = vector.broadcast %le3A_907 : i32 to vector<16xi32>
        %le3A_909 = arith.cmpi sle, %iota3A, %le3A_908 : vector<16xi32>
        %add3A_910 = arith.constant 15 : i32
        %add3A_911 = vector.broadcast %add3A_910 : i32 to vector<16xi32>
        %add3A_912 = arith.addi %add3A_883, %add3A_911 : vector<16xi32>
        %gather3A_913 = tpu.vector_load_idx %arg5[%broadcast_in_dim3A_194, %broadcast_in_dim3A_195, %add3A_883, %add3A_912] masked %le3A_909 : memref<2x4x64x64xf32, #tpu.memory_space<vmem>>[vector<16xi32>, vector<16xi32>, vector<16xi32>, vector<16xi32>], vector<16xf32>, vector<16xi1>
        %add3A_914 = arith.constant 1 : i32
        %add3A_915 = vector.broadcast %add3A_914 : i32 to vector<16xi32>
        %add3A_916 = arith.addi %add3A_883, %add3A_915 : vector<16xi32>
        %add3A_917 = arith.constant 16 : i32
        %add3A_918 = vector.broadcast %add3A_917 : i32 to vector<16xi32>
        %add3A_919 = arith.addi %add3A_883, %add3A_918 : vector<16xi32>
        %gather3A_920 = tpu.vector_load_idx %arg5[%broadcast_in_dim3A_194, %broadcast_in_dim3A_195, %add3A_916, %add3A_919] masked %le3A_909 : memref<2x4x64x64xf32, #tpu.memory_space<vmem>>[vector<16xi32>, vector<16xi32>, vector<16xi32>, vector<16xi32>], vector<16xf32>, vector<16xi1>
        %add3A_921 = arith.constant 2 : i32
        %add3A_922 = vector.broadcast %add3A_921 : i32 to vector<16xi32>
        %add3A_923 = arith.addi %add3A_883, %add3A_922 : vector<16xi32>
        %add3A_924 = arith.constant 17 : i32
        %add3A_925 = vector.broadcast %add3A_924 : i32 to vector<16xi32>
        %add3A_926 = arith.addi %add3A_883, %add3A_925 : vector<16xi32>
        %gather3A_927 = tpu.vector_load_idx %arg5[%broadcast_in_dim3A_194, %broadcast_in_dim3A_195, %add3A_923, %add3A_926] masked %le3A_909 : memref<2x4x64x64xf32, #tpu.memory_space<vmem>>[vector<16xi32>, vector<16xi32>, vector<16xi32>, vector<16xi32>], vector<16xf32>, vector<16xi1>
        %max3A_928 = arith.maximumf %gather3A_913, %gather3A_920 : vector<16xf32>
        %max3A_929 = arith.maximumf %max3A_928, %gather3A_927 : vector<16xf32>
        %add3A_930 = arith.constant 17 : i32
        %add3A_931 = vector.broadcast %add3A_930 : i32 to vector<16xi32>
        %add3A_932 = arith.addi %add3A_883, %add3A_931 : vector<16xi32>
        tpu.vector_store_idx %arg5[%broadcast_in_dim3A_194, %broadcast_in_dim3A_195, %add3A_883, %add3A_932], %max3A_929 masked %le3A_909 : memref<2x4x64x64xf32, #tpu.memory_space<vmem>>[vector<16xi32>, vector<16xi32>, vector<16xi32>, vector<16xi32>], vector<16xf32>, vector<16xi1>
        %add3A_933 = arith.constant 2 : i32
        %add3A_934 = vector.broadcast %add3A_933 : i32 to vector<16xi32>
        %add3A_935 = arith.addi %mul3A_877, %add3A_934 : vector<16xi32>
        %add3A_936 = arith.constant 19 : i32
        %add3A_937 = vector.broadcast %add3A_936 : i32 to vector<16xi32>
        %add3A_938 = arith.addi %mul3A_877, %add3A_937 : vector<16xi32>
        %gather3A_939 = tpu.vector_load_idx %arg5[%broadcast_in_dim3A_194, %broadcast_in_dim3A_195, %add3A_935, %add3A_938] : memref<2x4x64x64xf32, #tpu.memory_space<vmem>>[vector<16xi32>, vector<16xi32>, vector<16xi32>, vector<16xi32>], vector<16xf32>,
        %max3A_940 = arith.maximumf %max3A_903, %gather3A_939 : vector<16xf32>
        %add3A_941 = arith.constant 19 : i32
        %add3A_942 = vector.broadcast %add3A_941 : i32 to vector<16xi32>
        %add3A_943 = arith.addi %mul3A_877, %add3A_942 : vector<16xi32>
        tpu.vector_store_idx %arg5[%broadcast_in_dim3A_194, %broadcast_in_dim3A_195, %mul3A_877, %add3A_943], %max3A_940 : memref<2x4x64x64xf32, #tpu.memory_space<vmem>>[vector<16xi32>, vector<16xi32>, vector<16xi32>, vector<16xi32>], vector<16xf32>,
        %le3A_944 = arith.constant 6 : i32
        %le3A_945 = vector.broadcast %le3A_944 : i32 to vector<16xi32>
        %le3A_946 = arith.cmpi sle, %iota3A, %le3A_945 : vector<16xi32>
        %add3A_947 = arith.constant 2 : i32
        %add3A_948 = vector.broadcast %add3A_947 : i32 to vector<16xi32>
        %add3A_949 = arith.addi %add3A_883, %add3A_948 : vector<16xi32>
        %add3A_950 = arith.constant 19 : i32
        %add3A_951 = vector.broadcast %add3A_950 : i32 to vector<16xi32>
        %add3A_952 = arith.addi %add3A_883, %add3A_951 : vector<16xi32>
        %gather3A_953 = tpu.vector_load_idx %arg5[%broadcast_in_dim3A_194, %broadcast_in_dim3A_195, %add3A_949, %add3A_952] masked %le3A_946 : memref<2x4x64x64xf32, #tpu.memory_space<vmem>>[vector<16xi32>, vector<16xi32>, vector<16xi32>, vector<16xi32>], vector<16xf32>, vector<16xi1>
        %max3A_954 = arith.maximumf %max3A_929, %gather3A_953 : vector<16xf32>
        %add3A_955 = arith.constant 19 : i32
        %add3A_956 = vector.broadcast %add3A_955 : i32 to vector<16xi32>
        %add3A_957 = arith.addi %add3A_883, %add3A_956 : vector<16xi32>
        tpu.vector_store_idx %arg5[%broadcast_in_dim3A_194, %broadcast_in_dim3A_195, %add3A_883, %add3A_957], %max3A_954 masked %le3A_946 : memref<2x4x64x64xf32, #tpu.memory_space<vmem>>[vector<16xi32>, vector<16xi32>, vector<16xi32>, vector<16xi32>], vector<16xf32>, vector<16xi1>
        %add3A_958 = arith.constant 2 : i32
        %add3A_959 = vector.broadcast %add3A_958 : i32 to vector<16xi32>
        %add3A_960 = arith.addi %mul3A_877, %add3A_959 : vector<16xi32>
        %add3A_961 = arith.constant 21 : i32
        %add3A_962 = vector.broadcast %add3A_961 : i32 to vector<16xi32>
        %add3A_963 = arith.addi %mul3A_877, %add3A_962 : vector<16xi32>
        %gather3A_964 = tpu.vector_load_idx %arg5[%broadcast_in_dim3A_194, %broadcast_in_dim3A_195, %add3A_960, %add3A_963] : memref<2x4x64x64xf32, #tpu.memory_space<vmem>>[vector<16xi32>, vector<16xi32>, vector<16xi32>, vector<16xi32>], vector<16xf32>,
        %max3A_965 = arith.maximumf %max3A_940, %gather3A_964 : vector<16xf32>
        %add3A_966 = arith.constant 21 : i32
        %add3A_967 = vector.broadcast %add3A_966 : i32 to vector<16xi32>
        %add3A_968 = arith.addi %mul3A_877, %add3A_967 : vector<16xi32>
        tpu.vector_store_idx %arg5[%broadcast_in_dim3A_194, %broadcast_in_dim3A_195, %mul3A_877, %add3A_968], %max3A_965 : memref<2x4x64x64xf32, #tpu.memory_space<vmem>>[vector<16xi32>, vector<16xi32>, vector<16xi32>, vector<16xi32>], vector<16xf32>,
        %le3A_969 = arith.constant 5 : i32
        %le3A_970 = vector.broadcast %le3A_969 : i32 to vector<16xi32>
        %le3A_971 = arith.cmpi sle, %iota3A, %le3A_970 : vector<16xi32>
        %add3A_972 = arith.constant 2 : i32
        %add3A_973 = vector.broadcast %add3A_972 : i32 to vector<16xi32>
        %add3A_974 = arith.addi %add3A_883, %add3A_973 : vector<16xi32>
        %add3A_975 = arith.constant 21 : i32
        %add3A_976 = vector.broadcast %add3A_975 : i32 to vector<16xi32>
        %add3A_977 = arith.addi %add3A_883, %add3A_976 : vector<16xi32>
        %gather3A_978 = tpu.vector_load_idx %arg5[%broadcast_in_dim3A_194, %broadcast_in_dim3A_195, %add3A_974, %add3A_977] masked %le3A_971 : memref<2x4x64x64xf32, #tpu.memory_space<vmem>>[vector<16xi32>, vector<16xi32>, vector<16xi32>, vector<16xi32>], vector<16xf32>, vector<16xi1>
        %max3A_979 = arith.maximumf %max3A_954, %gather3A_978 : vector<16xf32>
        %add3A_980 = arith.constant 21 : i32
        %add3A_981 = vector.broadcast %add3A_980 : i32 to vector<16xi32>
        %add3A_982 = arith.addi %add3A_883, %add3A_981 : vector<16xi32>
        tpu.vector_store_idx %arg5[%broadcast_in_dim3A_194, %broadcast_in_dim3A_195, %add3A_883, %add3A_982], %max3A_979 masked %le3A_971 : memref<2x4x64x64xf32, #tpu.memory_space<vmem>>[vector<16xi32>, vector<16xi32>, vector<16xi32>, vector<16xi32>], vector<16xf32>, vector<16xi1>
        %add3A_983 = arith.constant 2 : i32
        %add3A_984 = vector.broadcast %add3A_983 : i32 to vector<16xi32>
        %add3A_985 = arith.addi %mul3A_877, %add3A_984 : vector<16xi32>
        %add3A_986 = arith.constant 23 : i32
        %add3A_987 = vector.broadcast %add3A_986 : i32 to vector<16xi32>
        %add3A_988 = arith.addi %mul3A_877, %add3A_987 : vector<16xi32>
        %gather3A_989 = tpu.vector_load_idx %arg5[%broadcast_in_dim3A_194, %broadcast_in_dim3A_195, %add3A_985, %add3A_988] : memref<2x4x64x64xf32, #tpu.memory_space<vmem>>[vector<16xi32>, vector<16xi32>, vector<16xi32>, vector<16xi32>], vector<16xf32>,
        %max3A_990 = arith.maximumf %max3A_965, %gather3A_989 : vector<16xf32>
        %add3A_991 = arith.constant 23 : i32
        %add3A_992 = vector.broadcast %add3A_991 : i32 to vector<16xi32>
        %add3A_993 = arith.addi %mul3A_877, %add3A_992 : vector<16xi32>
        tpu.vector_store_idx %arg5[%broadcast_in_dim3A_194, %broadcast_in_dim3A_195, %mul3A_877, %add3A_993], %max3A_990 : memref<2x4x64x64xf32, #tpu.memory_space<vmem>>[vector<16xi32>, vector<16xi32>, vector<16xi32>, vector<16xi32>], vector<16xf32>,
        %le3A_994 = arith.constant 4 : i32
        %le3A_995 = vector.broadcast %le3A_994 : i32 to vector<16xi32>
        %le3A_996 = arith.cmpi sle, %iota3A, %le3A_995 : vector<16xi32>
        %add3A_997 = arith.constant 2 : i32
        %add3A_998 = vector.broadcast %add3A_997 : i32 to vector<16xi32>
        %add3A_999 = arith.addi %add3A_883, %add3A_998 : vector<16xi32>
        %add3A_1000 = arith.constant 23 : i32
        %add3A_1001 = vector.broadcast %add3A_1000 : i32 to vector<16xi32>
        %add3A_1002 = arith.addi %add3A_883, %add3A_1001 : vector<16xi32>
        %gather3A_1003 = tpu.vector_load_idx %arg5[%broadcast_in_dim3A_194, %broadcast_in_dim3A_195, %add3A_999, %add3A_1002] masked %le3A_996 : memref<2x4x64x64xf32, #tpu.memory_space<vmem>>[vector<16xi32>, vector<16xi32>, vector<16xi32>, vector<16xi32>], vector<16xf32>, vector<16xi1>
        %max3A_1004 = arith.maximumf %max3A_979, %gather3A_1003 : vector<16xf32>
        %add3A_1005 = arith.constant 23 : i32
        %add3A_1006 = vector.broadcast %add3A_1005 : i32 to vector<16xi32>
        %add3A_1007 = arith.addi %add3A_883, %add3A_1006 : vector<16xi32>
        tpu.vector_store_idx %arg5[%broadcast_in_dim3A_194, %broadcast_in_dim3A_195, %add3A_883, %add3A_1007], %max3A_1004 masked %le3A_996 : memref<2x4x64x64xf32, #tpu.memory_space<vmem>>[vector<16xi32>, vector<16xi32>, vector<16xi32>, vector<16xi32>], vector<16xf32>, vector<16xi1>
        %add3A_1008 = arith.constant 2 : i32
        %add3A_1009 = vector.broadcast %add3A_1008 : i32 to vector<16xi32>
        %add3A_1010 = arith.addi %mul3A_877, %add3A_1009 : vector<16xi32>
        %add3A_1011 = arith.constant 25 : i32
        %add3A_1012 = vector.broadcast %add3A_1011 : i32 to vector<16xi32>
        %add3A_1013 = arith.addi %mul3A_877, %add3A_1012 : vector<16xi32>
        %gather3A_1014 = tpu.vector_load_idx %arg5[%broadcast_in_dim3A_194, %broadcast_in_dim3A_195, %add3A_1010, %add3A_1013] : memref<2x4x64x64xf32, #tpu.memory_space<vmem>>[vector<16xi32>, vector<16xi32>, vector<16xi32>, vector<16xi32>], vector<16xf32>,
        %max3A_1015 = arith.maximumf %max3A_990, %gather3A_1014 : vector<16xf32>
        %add3A_1016 = arith.constant 25 : i32
        %add3A_1017 = vector.broadcast %add3A_1016 : i32 to vector<16xi32>
        %add3A_1018 = arith.addi %mul3A_877, %add3A_1017 : vector<16xi32>
        tpu.vector_store_idx %arg5[%broadcast_in_dim3A_194, %broadcast_in_dim3A_195, %mul3A_877, %add3A_1018], %max3A_1015 : memref<2x4x64x64xf32, #tpu.memory_space<vmem>>[vector<16xi32>, vector<16xi32>, vector<16xi32>, vector<16xi32>], vector<16xf32>,
        %le3A_1019 = arith.constant 3 : i32
        %le3A_1020 = vector.broadcast %le3A_1019 : i32 to vector<16xi32>
        %le3A_1021 = arith.cmpi sle, %iota3A, %le3A_1020 : vector<16xi32>
        %add3A_1022 = arith.constant 2 : i32
        %add3A_1023 = vector.broadcast %add3A_1022 : i32 to vector<16xi32>
        %add3A_1024 = arith.addi %add3A_883, %add3A_1023 : vector<16xi32>
        %add3A_1025 = arith.constant 25 : i32
        %add3A_1026 = vector.broadcast %add3A_1025 : i32 to vector<16xi32>
        %add3A_1027 = arith.addi %add3A_883, %add3A_1026 : vector<16xi32>
        %gather3A_1028 = tpu.vector_load_idx %arg5[%broadcast_in_dim3A_194, %broadcast_in_dim3A_195, %add3A_1024, %add3A_1027] masked %le3A_1021 : memref<2x4x64x64xf32, #tpu.memory_space<vmem>>[vector<16xi32>, vector<16xi32>, vector<16xi32>, vector<16xi32>], vector<16xf32>, vector<16xi1>
        %max3A_1029 = arith.maximumf %max3A_1004, %gather3A_1028 : vector<16xf32>
        %add3A_1030 = arith.constant 25 : i32
        %add3A_1031 = vector.broadcast %add3A_1030 : i32 to vector<16xi32>
        %add3A_1032 = arith.addi %add3A_883, %add3A_1031 : vector<16xi32>
        tpu.vector_store_idx %arg5[%broadcast_in_dim3A_194, %broadcast_in_dim3A_195, %add3A_883, %add3A_1032], %max3A_1029 masked %le3A_1021 : memref<2x4x64x64xf32, #tpu.memory_space<vmem>>[vector<16xi32>, vector<16xi32>, vector<16xi32>, vector<16xi32>], vector<16xf32>, vector<16xi1>
        %add3A_1033 = arith.constant 2 : i32
        %add3A_1034 = vector.broadcast %add3A_1033 : i32 to vector<16xi32>
        %add3A_1035 = arith.addi %mul3A_877, %add3A_1034 : vector<16xi32>
        %add3A_1036 = arith.constant 27 : i32
        %add3A_1037 = vector.broadcast %add3A_1036 : i32 to vector<16xi32>
        %add3A_1038 = arith.addi %mul3A_877, %add3A_1037 : vector<16xi32>
        %gather3A_1039 = tpu.vector_load_idx %arg5[%broadcast_in_dim3A_194, %broadcast_in_dim3A_195, %add3A_1035, %add3A_1038] : memref<2x4x64x64xf32, #tpu.memory_space<vmem>>[vector<16xi32>, vector<16xi32>, vector<16xi32>, vector<16xi32>], vector<16xf32>,
        %max3A_1040 = arith.maximumf %max3A_1015, %gather3A_1039 : vector<16xf32>
        %add3A_1041 = arith.constant 27 : i32
        %add3A_1042 = vector.broadcast %add3A_1041 : i32 to vector<16xi32>
        %add3A_1043 = arith.addi %mul3A_877, %add3A_1042 : vector<16xi32>
        tpu.vector_store_idx %arg5[%broadcast_in_dim3A_194, %broadcast_in_dim3A_195, %mul3A_877, %add3A_1043], %max3A_1040 : memref<2x4x64x64xf32, #tpu.memory_space<vmem>>[vector<16xi32>, vector<16xi32>, vector<16xi32>, vector<16xi32>], vector<16xf32>,
        %le3A_1044 = arith.constant 2 : i32
        %le3A_1045 = vector.broadcast %le3A_1044 : i32 to vector<16xi32>
        %le3A_1046 = arith.cmpi sle, %iota3A, %le3A_1045 : vector<16xi32>
        %add3A_1047 = arith.constant 2 : i32
        %add3A_1048 = vector.broadcast %add3A_1047 : i32 to vector<16xi32>
        %add3A_1049 = arith.addi %add3A_883, %add3A_1048 : vector<16xi32>
        %add3A_1050 = arith.constant 27 : i32
        %add3A_1051 = vector.broadcast %add3A_1050 : i32 to vector<16xi32>
        %add3A_1052 = arith.addi %add3A_883, %add3A_1051 : vector<16xi32>
        %gather3A_1053 = tpu.vector_load_idx %arg5[%broadcast_in_dim3A_194, %broadcast_in_dim3A_195, %add3A_1049, %add3A_1052] masked %le3A_1046 : memref<2x4x64x64xf32, #tpu.memory_space<vmem>>[vector<16xi32>, vector<16xi32>, vector<16xi32>, vector<16xi32>], vector<16xf32>, vector<16xi1>
        %max3A_1054 = arith.maximumf %max3A_1029, %gather3A_1053 : vector<16xf32>
        %add3A_1055 = arith.constant 27 : i32
        %add3A_1056 = vector.broadcast %add3A_1055 : i32 to vector<16xi32>
        %add3A_1057 = arith.addi %add3A_883, %add3A_1056 : vector<16xi32>
        tpu.vector_store_idx %arg5[%broadcast_in_dim3A_194, %broadcast_in_dim3A_195, %add3A_883, %add3A_1057], %max3A_1054 masked %le3A_1046 : memref<2x4x64x64xf32, #tpu.memory_space<vmem>>[vector<16xi32>, vector<16xi32>, vector<16xi32>, vector<16xi32>], vector<16xf32>, vector<16xi1>
        %add3A_1058 = arith.constant 2 : i32
        %add3A_1059 = vector.broadcast %add3A_1058 : i32 to vector<16xi32>
        %add3A_1060 = arith.addi %mul3A_877, %add3A_1059 : vector<16xi32>
        %add3A_1061 = arith.constant 29 : i32
        %add3A_1062 = vector.broadcast %add3A_1061 : i32 to vector<16xi32>
        %add3A_1063 = arith.addi %mul3A_877, %add3A_1062 : vector<16xi32>
        %gather3A_1064 = tpu.vector_load_idx %arg5[%broadcast_in_dim3A_194, %broadcast_in_dim3A_195, %add3A_1060, %add3A_1063] : memref<2x4x64x64xf32, #tpu.memory_space<vmem>>[vector<16xi32>, vector<16xi32>, vector<16xi32>, vector<16xi32>], vector<16xf32>,
        %max3A_1065 = arith.maximumf %max3A_1040, %gather3A_1064 : vector<16xf32>
        %add3A_1066 = arith.constant 29 : i32
        %add3A_1067 = vector.broadcast %add3A_1066 : i32 to vector<16xi32>
        %add3A_1068 = arith.addi %mul3A_877, %add3A_1067 : vector<16xi32>
        tpu.vector_store_idx %arg5[%broadcast_in_dim3A_194, %broadcast_in_dim3A_195, %mul3A_877, %add3A_1068], %max3A_1065 : memref<2x4x64x64xf32, #tpu.memory_space<vmem>>[vector<16xi32>, vector<16xi32>, vector<16xi32>, vector<16xi32>], vector<16xf32>,
        %le3A_1069 = arith.constant 1 : i32
        %le3A_1070 = vector.broadcast %le3A_1069 : i32 to vector<16xi32>
        %le3A_1071 = arith.cmpi sle, %iota3A, %le3A_1070 : vector<16xi32>
        %add3A_1072 = arith.constant 2 : i32
        %add3A_1073 = vector.broadcast %add3A_1072 : i32 to vector<16xi32>
        %add3A_1074 = arith.addi %add3A_883, %add3A_1073 : vector<16xi32>
        %add3A_1075 = arith.constant 29 : i32
        %add3A_1076 = vector.broadcast %add3A_1075 : i32 to vector<16xi32>
        %add3A_1077 = arith.addi %add3A_883, %add3A_1076 : vector<16xi32>
        %gather3A_1078 = tpu.vector_load_idx %arg5[%broadcast_in_dim3A_194, %broadcast_in_dim3A_195, %add3A_1074, %add3A_1077] masked %le3A_1071 : memref<2x4x64x64xf32, #tpu.memory_space<vmem>>[vector<16xi32>, vector<16xi32>, vector<16xi32>, vector<16xi32>], vector<16xf32>, vector<16xi1>
        %max3A_1079 = arith.maximumf %max3A_1054, %gather3A_1078 : vector<16xf32>
        %add3A_1080 = arith.constant 29 : i32
        %add3A_1081 = vector.broadcast %add3A_1080 : i32 to vector<16xi32>
        %add3A_1082 = arith.addi %add3A_883, %add3A_1081 : vector<16xi32>
        tpu.vector_store_idx %arg5[%broadcast_in_dim3A_194, %broadcast_in_dim3A_195, %add3A_883, %add3A_1082], %max3A_1079 masked %le3A_1071 : memref<2x4x64x64xf32, #tpu.memory_space<vmem>>[vector<16xi32>, vector<16xi32>, vector<16xi32>, vector<16xi32>], vector<16xf32>, vector<16xi1>
        %add3A_1083 = arith.constant 2 : i32
        %add3A_1084 = vector.broadcast %add3A_1083 : i32 to vector<16xi32>
        %add3A_1085 = arith.addi %mul3A_877, %add3A_1084 : vector<16xi32>
        %add3A_1086 = arith.constant 31 : i32
        %add3A_1087 = vector.broadcast %add3A_1086 : i32 to vector<16xi32>
        %add3A_1088 = arith.addi %mul3A_877, %add3A_1087 : vector<16xi32>
        %gather3A_1089 = tpu.vector_load_idx %arg5[%broadcast_in_dim3A_194, %broadcast_in_dim3A_195, %add3A_1085, %add3A_1088] : memref<2x4x64x64xf32, #tpu.memory_space<vmem>>[vector<16xi32>, vector<16xi32>, vector<16xi32>, vector<16xi32>], vector<16xf32>,
        %max3A_1090 = arith.maximumf %max3A_1065, %gather3A_1089 : vector<16xf32>
        %add3A_1091 = arith.constant 31 : i32
        %add3A_1092 = vector.broadcast %add3A_1091 : i32 to vector<16xi32>
        %add3A_1093 = arith.addi %mul3A_877, %add3A_1092 : vector<16xi32>
        tpu.vector_store_idx %arg5[%broadcast_in_dim3A_194, %broadcast_in_dim3A_195, %mul3A_877, %add3A_1093], %max3A_1090 : memref<2x4x64x64xf32, #tpu.memory_space<vmem>>[vector<16xi32>, vector<16xi32>, vector<16xi32>, vector<16xi32>], vector<16xf32>,
        %le3A_1094 = arith.constant 0 : i32
        %le3A_1095 = vector.broadcast %le3A_1094 : i32 to vector<16xi32>
        %le3A_1096 = arith.cmpi sle, %iota3A, %le3A_1095 : vector<16xi32>
        %add3A_1097 = arith.constant 2 : i32
        %add3A_1098 = vector.broadcast %add3A_1097 : i32 to vector<16xi32>
        %add3A_1099 = arith.addi %add3A_883, %add3A_1098 : vector<16xi32>
        %add3A_1100 = arith.constant 31 : i32
        %add3A_1101 = vector.broadcast %add3A_1100 : i32 to vector<16xi32>
        %add3A_1102 = arith.addi %add3A_883, %add3A_1101 : vector<16xi32>
        %gather3A_1103 = tpu.vector_load_idx %arg5[%broadcast_in_dim3A_194, %broadcast_in_dim3A_195, %add3A_1099, %add3A_1102] masked %le3A_1096 : memref<2x4x64x64xf32, #tpu.memory_space<vmem>>[vector<16xi32>, vector<16xi32>, vector<16xi32>, vector<16xi32>], vector<16xf32>, vector<16xi1>
        %max3A_1104 = arith.maximumf %max3A_1079, %gather3A_1103 : vector<16xf32>
        %add3A_1105 = arith.constant 31 : i32
        %add3A_1106 = vector.broadcast %add3A_1105 : i32 to vector<16xi32>
        %add3A_1107 = arith.addi %add3A_883, %add3A_1106 : vector<16xi32>
        tpu.vector_store_idx %arg5[%broadcast_in_dim3A_194, %broadcast_in_dim3A_195, %add3A_883, %add3A_1107], %max3A_1104 masked %le3A_1096 : memref<2x4x64x64xf32, #tpu.memory_space<vmem>>[vector<16xi32>, vector<16xi32>, vector<16xi32>, vector<16xi32>], vector<16xf32>, vector<16xi1>
        %mul3A_1108 = arith.constant 4 : i32
        %mul3A_1109 = vector.broadcast %mul3A_1108 : i32 to vector<16xi32>
        %mul3A_1110 = arith.muli %mul3A_1109, %iota3A : vector<16xi32>
        %le3A_1111 = arith.constant 7 : i32
        %le3A_1112 = vector.broadcast %le3A_1111 : i32 to vector<16xi32>
        %le3A_1113 = arith.cmpi sle, %iota3A, %le3A_1112 : vector<16xi32>
        %add3A_1114 = arith.constant 31 : i32
        %add3A_1115 = vector.broadcast %add3A_1114 : i32 to vector<16xi32>
        %add3A_1116 = arith.addi %mul3A_1110, %add3A_1115 : vector<16xi32>
        %gather3A_1117 = tpu.vector_load_idx %arg5[%broadcast_in_dim3A_194, %broadcast_in_dim3A_195, %mul3A_1110, %add3A_1116] masked %le3A_1113 : memref<2x4x64x64xf32, #tpu.memory_space<vmem>>[vector<16xi32>, vector<16xi32>, vector<16xi32>, vector<16xi32>], vector<16xf32>, vector<16xi1>
        %add3A_1118 = arith.constant 2 : i32
        %add3A_1119 = vector.broadcast %add3A_1118 : i32 to vector<16xi32>
        %add3A_1120 = arith.addi %mul3A_1110, %add3A_1119 : vector<16xi32>
        %add3A_1121 = arith.constant 33 : i32
        %add3A_1122 = vector.broadcast %add3A_1121 : i32 to vector<16xi32>
        %add3A_1123 = arith.addi %mul3A_1110, %add3A_1122 : vector<16xi32>
        %gather3A_1124 = tpu.vector_load_idx %arg5[%broadcast_in_dim3A_194, %broadcast_in_dim3A_195, %add3A_1120, %add3A_1123] masked %le3A_1113 : memref<2x4x64x64xf32, #tpu.memory_space<vmem>>[vector<16xi32>, vector<16xi32>, vector<16xi32>, vector<16xi32>], vector<16xf32>, vector<16xi1>
        %add3A_1125 = arith.constant 4 : i32
        %add3A_1126 = vector.broadcast %add3A_1125 : i32 to vector<16xi32>
        %add3A_1127 = arith.addi %mul3A_1110, %add3A_1126 : vector<16xi32>
        %add3A_1128 = arith.constant 35 : i32
        %add3A_1129 = vector.broadcast %add3A_1128 : i32 to vector<16xi32>
        %add3A_1130 = arith.addi %mul3A_1110, %add3A_1129 : vector<16xi32>
        %gather3A_1131 = tpu.vector_load_idx %arg5[%broadcast_in_dim3A_194, %broadcast_in_dim3A_195, %add3A_1127, %add3A_1130] masked %le3A_1113 : memref<2x4x64x64xf32, #tpu.memory_space<vmem>>[vector<16xi32>, vector<16xi32>, vector<16xi32>, vector<16xi32>], vector<16xf32>, vector<16xi1>
        %max3A_1132 = arith.maximumf %gather3A_1117, %gather3A_1124 : vector<16xf32>
        %max3A_1133 = arith.maximumf %max3A_1132, %gather3A_1131 : vector<16xf32>
        %add3A_1134 = arith.constant 35 : i32
        %add3A_1135 = vector.broadcast %add3A_1134 : i32 to vector<16xi32>
        %add3A_1136 = arith.addi %mul3A_1110, %add3A_1135 : vector<16xi32>
        tpu.vector_store_idx %arg5[%broadcast_in_dim3A_194, %broadcast_in_dim3A_195, %mul3A_1110, %add3A_1136], %max3A_1133 masked %le3A_1113 : memref<2x4x64x64xf32, #tpu.memory_space<vmem>>[vector<16xi32>, vector<16xi32>, vector<16xi32>, vector<16xi32>], vector<16xf32>, vector<16xi1>
        %le3A_1137 = arith.constant 6 : i32
        %le3A_1138 = vector.broadcast %le3A_1137 : i32 to vector<16xi32>
        %le3A_1139 = arith.cmpi sle, %iota3A, %le3A_1138 : vector<16xi32>
        %add3A_1140 = arith.constant 4 : i32
        %add3A_1141 = vector.broadcast %add3A_1140 : i32 to vector<16xi32>
        %add3A_1142 = arith.addi %mul3A_1110, %add3A_1141 : vector<16xi32>
        %add3A_1143 = arith.constant 39 : i32
        %add3A_1144 = vector.broadcast %add3A_1143 : i32 to vector<16xi32>
        %add3A_1145 = arith.addi %mul3A_1110, %add3A_1144 : vector<16xi32>
        %gather3A_1146 = tpu.vector_load_idx %arg5[%broadcast_in_dim3A_194, %broadcast_in_dim3A_195, %add3A_1142, %add3A_1145] masked %le3A_1139 : memref<2x4x64x64xf32, #tpu.memory_space<vmem>>[vector<16xi32>, vector<16xi32>, vector<16xi32>, vector<16xi32>], vector<16xf32>, vector<16xi1>
        %max3A_1147 = arith.maximumf %max3A_1133, %gather3A_1146 : vector<16xf32>
        %add3A_1148 = arith.constant 39 : i32
        %add3A_1149 = vector.broadcast %add3A_1148 : i32 to vector<16xi32>
        %add3A_1150 = arith.addi %mul3A_1110, %add3A_1149 : vector<16xi32>
        tpu.vector_store_idx %arg5[%broadcast_in_dim3A_194, %broadcast_in_dim3A_195, %mul3A_1110, %add3A_1150], %max3A_1147 masked %le3A_1139 : memref<2x4x64x64xf32, #tpu.memory_space<vmem>>[vector<16xi32>, vector<16xi32>, vector<16xi32>, vector<16xi32>], vector<16xf32>, vector<16xi1>
        %le3A_1151 = arith.constant 5 : i32
        %le3A_1152 = vector.broadcast %le3A_1151 : i32 to vector<16xi32>
        %le3A_1153 = arith.cmpi sle, %iota3A, %le3A_1152 : vector<16xi32>
        %add3A_1154 = arith.constant 4 : i32
        %add3A_1155 = vector.broadcast %add3A_1154 : i32 to vector<16xi32>
        %add3A_1156 = arith.addi %mul3A_1110, %add3A_1155 : vector<16xi32>
        %add3A_1157 = arith.constant 43 : i32
        %add3A_1158 = vector.broadcast %add3A_1157 : i32 to vector<16xi32>
        %add3A_1159 = arith.addi %mul3A_1110, %add3A_1158 : vector<16xi32>
        %gather3A_1160 = tpu.vector_load_idx %arg5[%broadcast_in_dim3A_194, %broadcast_in_dim3A_195, %add3A_1156, %add3A_1159] masked %le3A_1153 : memref<2x4x64x64xf32, #tpu.memory_space<vmem>>[vector<16xi32>, vector<16xi32>, vector<16xi32>, vector<16xi32>], vector<16xf32>, vector<16xi1>
        %max3A_1161 = arith.maximumf %max3A_1147, %gather3A_1160 : vector<16xf32>
        %add3A_1162 = arith.constant 43 : i32
        %add3A_1163 = vector.broadcast %add3A_1162 : i32 to vector<16xi32>
        %add3A_1164 = arith.addi %mul3A_1110, %add3A_1163 : vector<16xi32>
        tpu.vector_store_idx %arg5[%broadcast_in_dim3A_194, %broadcast_in_dim3A_195, %mul3A_1110, %add3A_1164], %max3A_1161 masked %le3A_1153 : memref<2x4x64x64xf32, #tpu.memory_space<vmem>>[vector<16xi32>, vector<16xi32>, vector<16xi32>, vector<16xi32>], vector<16xf32>, vector<16xi1>
        %le3A_1165 = arith.constant 4 : i32
        %le3A_1166 = vector.broadcast %le3A_1165 : i32 to vector<16xi32>
        %le3A_1167 = arith.cmpi sle, %iota3A, %le3A_1166 : vector<16xi32>
        %add3A_1168 = arith.constant 4 : i32
        %add3A_1169 = vector.broadcast %add3A_1168 : i32 to vector<16xi32>
        %add3A_1170 = arith.addi %mul3A_1110, %add3A_1169 : vector<16xi32>
        %add3A_1171 = arith.constant 47 : i32
        %add3A_1172 = vector.broadcast %add3A_1171 : i32 to vector<16xi32>
        %add3A_1173 = arith.addi %mul3A_1110, %add3A_1172 : vector<16xi32>
        %gather3A_1174 = tpu.vector_load_idx %arg5[%broadcast_in_dim3A_194, %broadcast_in_dim3A_195, %add3A_1170, %add3A_1173] masked %le3A_1167 : memref<2x4x64x64xf32, #tpu.memory_space<vmem>>[vector<16xi32>, vector<16xi32>, vector<16xi32>, vector<16xi32>], vector<16xf32>, vector<16xi1>
        %max3A_1175 = arith.maximumf %max3A_1161, %gather3A_1174 : vector<16xf32>
        %add3A_1176 = arith.constant 47 : i32
        %add3A_1177 = vector.broadcast %add3A_1176 : i32 to vector<16xi32>
        %add3A_1178 = arith.addi %mul3A_1110, %add3A_1177 : vector<16xi32>
        tpu.vector_store_idx %arg5[%broadcast_in_dim3A_194, %broadcast_in_dim3A_195, %mul3A_1110, %add3A_1178], %max3A_1175 masked %le3A_1167 : memref<2x4x64x64xf32, #tpu.memory_space<vmem>>[vector<16xi32>, vector<16xi32>, vector<16xi32>, vector<16xi32>], vector<16xf32>, vector<16xi1>
        %le3A_1179 = arith.constant 3 : i32
        %le3A_1180 = vector.broadcast %le3A_1179 : i32 to vector<16xi32>
        %le3A_1181 = arith.cmpi sle, %iota3A, %le3A_1180 : vector<16xi32>
        %add3A_1182 = arith.constant 4 : i32
        %add3A_1183 = vector.broadcast %add3A_1182 : i32 to vector<16xi32>
        %add3A_1184 = arith.addi %mul3A_1110, %add3A_1183 : vector<16xi32>
        %add3A_1185 = arith.constant 51 : i32
        %add3A_1186 = vector.broadcast %add3A_1185 : i32 to vector<16xi32>
        %add3A_1187 = arith.addi %mul3A_1110, %add3A_1186 : vector<16xi32>
        %gather3A_1188 = tpu.vector_load_idx %arg5[%broadcast_in_dim3A_194, %broadcast_in_dim3A_195, %add3A_1184, %add3A_1187] masked %le3A_1181 : memref<2x4x64x64xf32, #tpu.memory_space<vmem>>[vector<16xi32>, vector<16xi32>, vector<16xi32>, vector<16xi32>], vector<16xf32>, vector<16xi1>
        %max3A_1189 = arith.maximumf %max3A_1175, %gather3A_1188 : vector<16xf32>
        %add3A_1190 = arith.constant 51 : i32
        %add3A_1191 = vector.broadcast %add3A_1190 : i32 to vector<16xi32>
        %add3A_1192 = arith.addi %mul3A_1110, %add3A_1191 : vector<16xi32>
        tpu.vector_store_idx %arg5[%broadcast_in_dim3A_194, %broadcast_in_dim3A_195, %mul3A_1110, %add3A_1192], %max3A_1189 masked %le3A_1181 : memref<2x4x64x64xf32, #tpu.memory_space<vmem>>[vector<16xi32>, vector<16xi32>, vector<16xi32>, vector<16xi32>], vector<16xf32>, vector<16xi1>
        %le3A_1193 = arith.constant 2 : i32
        %le3A_1194 = vector.broadcast %le3A_1193 : i32 to vector<16xi32>
        %le3A_1195 = arith.cmpi sle, %iota3A, %le3A_1194 : vector<16xi32>
        %add3A_1196 = arith.constant 4 : i32
        %add3A_1197 = vector.broadcast %add3A_1196 : i32 to vector<16xi32>
        %add3A_1198 = arith.addi %mul3A_1110, %add3A_1197 : vector<16xi32>
        %add3A_1199 = arith.constant 55 : i32
        %add3A_1200 = vector.broadcast %add3A_1199 : i32 to vector<16xi32>
        %add3A_1201 = arith.addi %mul3A_1110, %add3A_1200 : vector<16xi32>
        %gather3A_1202 = tpu.vector_load_idx %arg5[%broadcast_in_dim3A_194, %broadcast_in_dim3A_195, %add3A_1198, %add3A_1201] masked %le3A_1195 : memref<2x4x64x64xf32, #tpu.memory_space<vmem>>[vector<16xi32>, vector<16xi32>, vector<16xi32>, vector<16xi32>], vector<16xf32>, vector<16xi1>
        %max3A_1203 = arith.maximumf %max3A_1189, %gather3A_1202 : vector<16xf32>
        %add3A_1204 = arith.constant 55 : i32
        %add3A_1205 = vector.broadcast %add3A_1204 : i32 to vector<16xi32>
        %add3A_1206 = arith.addi %mul3A_1110, %add3A_1205 : vector<16xi32>
        tpu.vector_store_idx %arg5[%broadcast_in_dim3A_194, %broadcast_in_dim3A_195, %mul3A_1110, %add3A_1206], %max3A_1203 masked %le3A_1195 : memref<2x4x64x64xf32, #tpu.memory_space<vmem>>[vector<16xi32>, vector<16xi32>, vector<16xi32>, vector<16xi32>], vector<16xf32>, vector<16xi1>
        %le3A_1207 = arith.constant 1 : i32
        %le3A_1208 = vector.broadcast %le3A_1207 : i32 to vector<16xi32>
        %le3A_1209 = arith.cmpi sle, %iota3A, %le3A_1208 : vector<16xi32>
        %add3A_1210 = arith.constant 4 : i32
        %add3A_1211 = vector.broadcast %add3A_1210 : i32 to vector<16xi32>
        %add3A_1212 = arith.addi %mul3A_1110, %add3A_1211 : vector<16xi32>
        %add3A_1213 = arith.constant 59 : i32
        %add3A_1214 = vector.broadcast %add3A_1213 : i32 to vector<16xi32>
        %add3A_1215 = arith.addi %mul3A_1110, %add3A_1214 : vector<16xi32>
        %gather3A_1216 = tpu.vector_load_idx %arg5[%broadcast_in_dim3A_194, %broadcast_in_dim3A_195, %add3A_1212, %add3A_1215] masked %le3A_1209 : memref<2x4x64x64xf32, #tpu.memory_space<vmem>>[vector<16xi32>, vector<16xi32>, vector<16xi32>, vector<16xi32>], vector<16xf32>, vector<16xi1>
        %max3A_1217 = arith.maximumf %max3A_1203, %gather3A_1216 : vector<16xf32>
        %add3A_1218 = arith.constant 59 : i32
        %add3A_1219 = vector.broadcast %add3A_1218 : i32 to vector<16xi32>
        %add3A_1220 = arith.addi %mul3A_1110, %add3A_1219 : vector<16xi32>
        tpu.vector_store_idx %arg5[%broadcast_in_dim3A_194, %broadcast_in_dim3A_195, %mul3A_1110, %add3A_1220], %max3A_1217 masked %le3A_1209 : memref<2x4x64x64xf32, #tpu.memory_space<vmem>>[vector<16xi32>, vector<16xi32>, vector<16xi32>, vector<16xi32>], vector<16xf32>, vector<16xi1>
        %le3A_1221 = arith.constant 0 : i32
        %le3A_1222 = vector.broadcast %le3A_1221 : i32 to vector<16xi32>
        %le3A_1223 = arith.cmpi sle, %iota3A, %le3A_1222 : vector<16xi32>
        %add3A_1224 = arith.constant 4 : i32
        %add3A_1225 = vector.broadcast %add3A_1224 : i32 to vector<16xi32>
        %add3A_1226 = arith.addi %mul3A_1110, %add3A_1225 : vector<16xi32>
        %add3A_1227 = arith.constant 63 : i32
        %add3A_1228 = vector.broadcast %add3A_1227 : i32 to vector<16xi32>
        %add3A_1229 = arith.addi %mul3A_1110, %add3A_1228 : vector<16xi32>
        %gather3A_1230 = tpu.vector_load_idx %arg5[%broadcast_in_dim3A_194, %broadcast_in_dim3A_195, %add3A_1226, %add3A_1229] masked %le3A_1223 : memref<2x4x64x64xf32, #tpu.memory_space<vmem>>[vector<16xi32>, vector<16xi32>, vector<16xi32>, vector<16xi32>], vector<16xf32>, vector<16xi1>
        %max3A_1231 = arith.maximumf %max3A_1217, %gather3A_1230 : vector<16xf32>
        %add3A_1232 = arith.constant 63 : i32
        %add3A_1233 = vector.broadcast %add3A_1232 : i32 to vector<16xi32>
        %add3A_1234 = arith.addi %mul3A_1110, %add3A_1233 : vector<16xi32>
        tpu.vector_store_idx %arg5[%broadcast_in_dim3A_194, %broadcast_in_dim3A_195, %mul3A_1110, %add3A_1234], %max3A_1231 masked %le3A_1223 : memref<2x4x64x64xf32, #tpu.memory_space<vmem>>[vector<16xi32>, vector<16xi32>, vector<16xi32>, vector<16xi32>], vector<16xf32>, vector<16xi1>
      }
      %scan3A_112 = arith.constant 4 : i32
      %dma_start3A = arith.constant 0 : i32
      %dma_start3A_113 = arith.constant 0 : i32
      %dma_start3A_114 = arith.constant 0 : i32
      %dma_start3A_115 = arith.constant 0 : i32
      %dma_start3A_116 = arith.constant 0 : i32
      %dma_start3A_117 = tpu.memref_slice %arg5[%dma_start3A, %dma_start3A_114, %dma_start3A_115, %dma_start3A_116] : memref<2x4x64x64xf32, #tpu.memory_space<vmem>> -> memref<1x4x64x64xf32, #tpu.memory_space<vmem>>
      %dma_start3A_118 = tpu.memref_squeeze %dma_start3A_117 : memref<1x4x64x64xf32, #tpu.memory_space<vmem>> -> memref<4x64x64xf32, #tpu.memory_space<vmem>>
      %dma_start3A_119 = arith.constant 0 : i32
      %dma_start3A_120 = arith.constant 0 : i32
      %dma_start3A_121 = arith.constant 0 : i32
      %dma_start3A_122 = tpu.memref_slice %arg4[%select_n3A, %dma_start3A_119, %dma_start3A_120, %dma_start3A_121] : memref<16x512x64x64xf32, #tpu.memory_space<hbm>> -> memref<1x512x64x64xf32, #tpu.memory_space<hbm>>
      %dma_start3A_123 = tpu.memref_squeeze %dma_start3A_122 : memref<1x512x64x64xf32, #tpu.memory_space<hbm>> -> memref<512x64x64xf32, #tpu.memory_space<hbm>>
      %dma_start3A_124 = arith.constant 0 : i32
      %dma_start3A_125 = arith.constant 0 : i32
      %dma_start3A_126 = tpu.memref_slice %dma_start3A_123[%add3A_104, %dma_start3A_124, %dma_start3A_125] : memref<512x64x64xf32, #tpu.memory_space<hbm>> -> memref<4x64x64xf32, #tpu.memory_space<hbm>>
      %dma_start3A_127 = tpu.memref_slice %arg7[%dma_start3A_113] : memref<2x!tpu.dma_semaphore, #tpu.memory_space<semaphore_mem>> -> memref<1x!tpu.dma_semaphore, #tpu.memory_space<semaphore_mem>>
      %dma_start3A_128 = tpu.memref_squeeze %dma_start3A_127 : memref<1x!tpu.dma_semaphore, #tpu.memory_space<semaphore_mem>> -> memref<!tpu.dma_semaphore, #tpu.memory_space<semaphore_mem>>
      %dma_start3A_129 = arith.constant 0 : i32
      %dma_start3A_130 = arith.constant 0 : i32
      %dma_start3A_131 = arith.constant 0 : i32
      %dma_start3A_132 = tpu.memref_slice %arg4[%select_n3A, %dma_start3A_129, %dma_start3A_130, %dma_start3A_131] : memref<16x512x64x64xf32, #tpu.memory_space<hbm>> -> memref<1x512x64x64xf32, #tpu.memory_space<hbm>>
      %dma_start3A_133 = tpu.memref_squeeze %dma_start3A_132 : memref<1x512x64x64xf32, #tpu.memory_space<hbm>> -> memref<512x64x64xf32, #tpu.memory_space<hbm>>
      %dma_start3A_134 = arith.constant 0 : i32
      %dma_start3A_135 = arith.constant 0 : i32
      %dma_start3A_136 = tpu.memref_slice %dma_start3A_133[%add3A_104, %dma_start3A_134, %dma_start3A_135] : memref<512x64x64xf32, #tpu.memory_space<hbm>> -> memref<4x64x64xf32, #tpu.memory_space<hbm>>
      %dma_start3A_137 = arith.constant 0 : i32
      %dma_start3A_138 = arith.constant 0 : i32
      %dma_start3A_139 = arith.constant 0 : i32
      %dma_start3A_140 = tpu.memref_slice %arg5[%dma_start3A, %dma_start3A_137, %dma_start3A_138, %dma_start3A_139] : memref<2x4x64x64xf32, #tpu.memory_space<vmem>> -> memref<1x4x64x64xf32, #tpu.memory_space<vmem>>
      %dma_start3A_141 = tpu.memref_squeeze %dma_start3A_140 : memref<1x4x64x64xf32, #tpu.memory_space<vmem>> -> memref<4x64x64xf32, #tpu.memory_space<vmem>>
      tpu.enqueue_dma source(%dma_start3A_141 : memref<4x64x64xf32, #tpu.memory_space<vmem>>) target(%dma_start3A_136 : memref<4x64x64xf32, #tpu.memory_space<hbm>>) target_semaphore(%dma_start3A_128 : memref<!tpu.dma_semaphore, #tpu.memory_space<semaphore_mem>>)
      %mul3A_142 = arith.constant 2 : i32
      %mul3A_143 = arith.muli %scan3A_97, %mul3A_142 : i32
      %add3A_144 = arith.constant 1 : i32
      %add3A_145 = arith.addi %mul3A_143, %add3A_144 : i32
      %mul3A_146 = arith.constant 4 : i32
      %mul3A_147 = arith.muli %add3A_145, %mul3A_146 : i32
      %add3A_148 = arith.addi %mul3A_32, %mul3A_147 : i32
      %ge3A_149 = arith.constant 2 : i32
      %ge3A_150 = arith.cmpi sge, %add3A_145, %ge3A_149 : i32
      %convert_element_type3A_151 = arith.extui %ge3A_150 : i1 to i32
      %cond3A_152 = arith.constant 0 : i32
      %cond3A_153 = arith.cmpi ne, %convert_element_type3A_151, %cond3A_152 : i32
      scf.if %cond3A_153 {
        %dma_wait3A_190 = arith.constant 1 : i32
        %dma_wait3A_191 = arith.constant 1 : i32
        %dma_wait3A_192 = arith.constant 0 : i32
        %dma_wait3A_193 = arith.constant 0 : i32
        %dma_wait3A_194 = arith.constant 0 : i32
        %dma_wait3A_195 = tpu.memref_slice %arg5[%dma_wait3A_190, %dma_wait3A_192, %dma_wait3A_193, %dma_wait3A_194] : memref<2x4x64x64xf32, #tpu.memory_space<vmem>> -> memref<1x4x64x64xf32, #tpu.memory_space<vmem>>
        %dma_wait3A_196 = tpu.memref_squeeze %dma_wait3A_195 : memref<1x4x64x64xf32, #tpu.memory_space<vmem>> -> memref<4x64x64xf32, #tpu.memory_space<vmem>>
        %dma_wait3A_197 = arith.constant 0 : i32
        %dma_wait3A_198 = arith.constant 0 : i32
        %dma_wait3A_199 = arith.constant 0 : i32
        %dma_wait3A_200 = tpu.memref_slice %arg4[%select_n3A, %dma_wait3A_197, %dma_wait3A_198, %dma_wait3A_199] : memref<16x512x64x64xf32, #tpu.memory_space<hbm>> -> memref<1x512x64x64xf32, #tpu.memory_space<hbm>>
        %dma_wait3A_201 = tpu.memref_squeeze %dma_wait3A_200 : memref<1x512x64x64xf32, #tpu.memory_space<hbm>> -> memref<512x64x64xf32, #tpu.memory_space<hbm>>
        %dma_wait3A_202 = arith.constant 0 : i32
        %dma_wait3A_203 = arith.constant 0 : i32
        %dma_wait3A_204 = tpu.memref_slice %dma_wait3A_201[%add3A_148, %dma_wait3A_202, %dma_wait3A_203] : memref<512x64x64xf32, #tpu.memory_space<hbm>> -> memref<4x64x64xf32, #tpu.memory_space<hbm>>
        %dma_wait3A_205 = tpu.memref_slice %arg7[%dma_wait3A_191] : memref<2x!tpu.dma_semaphore, #tpu.memory_space<semaphore_mem>> -> memref<1x!tpu.dma_semaphore, #tpu.memory_space<semaphore_mem>>
        %dma_wait3A_206 = tpu.memref_squeeze %dma_wait3A_205 : memref<1x!tpu.dma_semaphore, #tpu.memory_space<semaphore_mem>> -> memref<!tpu.dma_semaphore, #tpu.memory_space<semaphore_mem>>
        %dma_wait3A_207 = arith.constant 0 : i32
        %dma_wait3A_208 = arith.constant 0 : i32
        %dma_wait3A_209 = arith.constant 0 : i32
        %dma_wait3A_210 = tpu.memref_slice %arg4[%select_n3A, %dma_wait3A_207, %dma_wait3A_208, %dma_wait3A_209] : memref<16x512x64x64xf32, #tpu.memory_space<hbm>> -> memref<1x512x64x64xf32, #tpu.memory_space<hbm>>
        %dma_wait3A_211 = tpu.memref_squeeze %dma_wait3A_210 : memref<1x512x64x64xf32, #tpu.memory_space<hbm>> -> memref<512x64x64xf32, #tpu.memory_space<hbm>>
        %dma_wait3A_212 = arith.constant 0 : i32
        %dma_wait3A_213 = arith.constant 0 : i32
        %dma_wait3A_214 = tpu.memref_slice %dma_wait3A_211[%add3A_148, %dma_wait3A_212, %dma_wait3A_213] : memref<512x64x64xf32, #tpu.memory_space<hbm>> -> memref<4x64x64xf32, #tpu.memory_space<hbm>>
        %dma_wait3A_215 = arith.constant 0 : i32
        %dma_wait3A_216 = arith.constant 0 : i32
        %dma_wait3A_217 = arith.constant 0 : i32
        %dma_wait3A_218 = tpu.memref_slice %arg5[%dma_wait3A_190, %dma_wait3A_215, %dma_wait3A_216, %dma_wait3A_217] : memref<2x4x64x64xf32, #tpu.memory_space<vmem>> -> memref<1x4x64x64xf32, #tpu.memory_space<vmem>>
        %dma_wait3A_219 = tpu.memref_squeeze %dma_wait3A_218 : memref<1x4x64x64xf32, #tpu.memory_space<vmem>> -> memref<4x64x64xf32, #tpu.memory_space<vmem>>
        tpu.wait_dma2 semaphore(%dma_wait3A_206 : memref<!tpu.dma_semaphore, #tpu.memory_space<semaphore_mem>>) src(%dma_wait3A_219 : memref<4x64x64xf32, #tpu.memory_space<vmem>>) dst(%dma_wait3A_214 : memref<4x64x64xf32, #tpu.memory_space<hbm>>)
      } else {
      }
      %scan3A_154 = arith.constant 0 : i32
      %scan3A_155 = arith.constant 0 : i32
      %scan3A_156 = arith.constant 4 : i32
      %scan3A_157 = arith.addi %scan3A_155, %scan3A_156 : i32
      %scan3A_158 = arith.constant 1 : i32
      scf.for %scan3A_190 = %scan3A_155 to %scan3A_157 step %scan3A_158  : i32 {
        %mul3A_191 = arith.constant 4 : i32
        %mul3A_192 = arith.muli %add3A_145, %mul3A_191 : i32
        %add3A_193 = arith.addi %mul3A_192, %scan3A_190 : i32
        %broadcast_in_dim3A = arith.constant 1 : i32
        %broadcast_in_dim3A_194 = vector.broadcast %broadcast_in_dim3A : i32 to vector<16xi32>
        %broadcast_in_dim3A_195 = vector.broadcast %scan3A_190 : i32 to vector<16xi32>
        %add3A_196 = arith.constant 0 : i32
        %add3A_197 = vector.broadcast %add3A_196 : i32 to vector<16xi32>
        %add3A_198 = arith.addi %iota3A, %add3A_197 : vector<16xi32>
        %add3A_199 = arith.constant 16 : i32
        %add3A_200 = vector.broadcast %add3A_199 : i32 to vector<16xi32>
        %add3A_201 = arith.addi %iota3A, %add3A_200 : vector<16xi32>
        %add3A_202 = arith.constant 32 : i32
        %add3A_203 = vector.broadcast %add3A_202 : i32 to vector<16xi32>
        %add3A_204 = arith.addi %iota3A, %add3A_203 : vector<16xi32>
        %add3A_205 = arith.constant 48 : i32
        %add3A_206 = vector.broadcast %add3A_205 : i32 to vector<16xi32>
        %add3A_207 = arith.addi %iota3A, %add3A_206 : vector<16xi32>
        %get3A = arith.index_cast %add3A_193 : i32 to index
        %get3A_208 = arith.constant 0 : index
        %get3A_209 = tpu.vector_load %arg6[%get3A, %get3A_208] {strides = array<i32>} : memref<256x64xf32, #tpu.memory_space<vmem>>, vector<16xf32>,
        %get3A_210 = arith.index_cast %add3A_193 : i32 to index
        %get3A_211 = arith.constant 16 : index
        %get3A_212 = tpu.vector_load %arg6[%get3A_210, %get3A_211] {strides = array<i32>} : memref<256x64xf32, #tpu.memory_space<vmem>>, vector<16xf32>,
        %get3A_213 = arith.index_cast %add3A_193 : i32 to index
        %get3A_214 = arith.constant 32 : index
        %get3A_215 = tpu.vector_load %arg6[%get3A_213, %get3A_214] {strides = array<i32>} : memref<256x64xf32, #tpu.memory_space<vmem>>, vector<16xf32>,
        %get3A_216 = arith.index_cast %add3A_193 : i32 to index
        %get3A_217 = arith.constant 48 : index
        %get3A_218 = tpu.vector_load %arg6[%get3A_216, %get3A_217] {strides = array<i32>} : memref<256x64xf32, #tpu.memory_space<vmem>>, vector<16xf32>,
        tpu.vector_store_idx %arg5[%broadcast_in_dim3A_194, %broadcast_in_dim3A_195, %add3A_198, %add3A_198], %get3A_209 : memref<2x4x64x64xf32, #tpu.memory_space<vmem>>[vector<16xi32>, vector<16xi32>, vector<16xi32>, vector<16xi32>], vector<16xf32>,
        tpu.vector_store_idx %arg5[%broadcast_in_dim3A_194, %broadcast_in_dim3A_195, %add3A_201, %add3A_201], %get3A_212 : memref<2x4x64x64xf32, #tpu.memory_space<vmem>>[vector<16xi32>, vector<16xi32>, vector<16xi32>, vector<16xi32>], vector<16xf32>,
        tpu.vector_store_idx %arg5[%broadcast_in_dim3A_194, %broadcast_in_dim3A_195, %add3A_204, %add3A_204], %get3A_215 : memref<2x4x64x64xf32, #tpu.memory_space<vmem>>[vector<16xi32>, vector<16xi32>, vector<16xi32>, vector<16xi32>], vector<16xf32>,
        tpu.vector_store_idx %arg5[%broadcast_in_dim3A_194, %broadcast_in_dim3A_195, %add3A_207, %add3A_207], %get3A_218 : memref<2x4x64x64xf32, #tpu.memory_space<vmem>>[vector<16xi32>, vector<16xi32>, vector<16xi32>, vector<16xi32>], vector<16xf32>,
        %get3A_219 = arith.index_cast %add3A_193 : i32 to index
        %get3A_220 = arith.constant 1 : index
        %get3A_221 = tpu.vector_load %arg6[%get3A_219, %get3A_220] {strides = array<i32>} : memref<256x64xf32, #tpu.memory_space<vmem>>, vector<16xf32>,
        %max3A = arith.maximumf %get3A_209, %get3A_221 : vector<16xf32>
        %add3A_222 = arith.constant 1 : i32
        %add3A_223 = vector.broadcast %add3A_222 : i32 to vector<16xi32>
        %add3A_224 = arith.addi %add3A_198, %add3A_223 : vector<16xi32>
        tpu.vector_store_idx %arg5[%broadcast_in_dim3A_194, %broadcast_in_dim3A_195, %add3A_198, %add3A_224], %max3A : memref<2x4x64x64xf32, #tpu.memory_space<vmem>>[vector<16xi32>, vector<16xi32>, vector<16xi32>, vector<16xi32>], vector<16xf32>,
        %get3A_225 = arith.index_cast %add3A_193 : i32 to index
        %get3A_226 = arith.constant 17 : index
        %get3A_227 = tpu.vector_load %arg6[%get3A_225, %get3A_226] {strides = array<i32>} : memref<256x64xf32, #tpu.memory_space<vmem>>, vector<16xf32>,
        %max3A_228 = arith.maximumf %get3A_212, %get3A_227 : vector<16xf32>
        %add3A_229 = arith.constant 1 : i32
        %add3A_230 = vector.broadcast %add3A_229 : i32 to vector<16xi32>
        %add3A_231 = arith.addi %add3A_201, %add3A_230 : vector<16xi32>
        tpu.vector_store_idx %arg5[%broadcast_in_dim3A_194, %broadcast_in_dim3A_195, %add3A_201, %add3A_231], %max3A_228 : memref<2x4x64x64xf32, #tpu.memory_space<vmem>>[vector<16xi32>, vector<16xi32>, vector<16xi32>, vector<16xi32>], vector<16xf32>,
        %get3A_232 = arith.index_cast %add3A_193 : i32 to index
        %get3A_233 = arith.constant 33 : index
        %get3A_234 = tpu.vector_load %arg6[%get3A_232, %get3A_233] {strides = array<i32>} : memref<256x64xf32, #tpu.memory_space<vmem>>, vector<16xf32>,
        %max3A_235 = arith.maximumf %get3A_215, %get3A_234 : vector<16xf32>
        %add3A_236 = arith.constant 1 : i32
        %add3A_237 = vector.broadcast %add3A_236 : i32 to vector<16xi32>
        %add3A_238 = arith.addi %add3A_204, %add3A_237 : vector<16xi32>
        tpu.vector_store_idx %arg5[%broadcast_in_dim3A_194, %broadcast_in_dim3A_195, %add3A_204, %add3A_238], %max3A_235 : memref<2x4x64x64xf32, #tpu.memory_space<vmem>>[vector<16xi32>, vector<16xi32>, vector<16xi32>, vector<16xi32>], vector<16xf32>,
        %le3A = arith.constant 14 : i32
        %le3A_239 = vector.broadcast %le3A : i32 to vector<16xi32>
        %le3A_240 = arith.cmpi sle, %iota3A, %le3A_239 : vector<16xi32>
        %add3A_241 = arith.constant 1 : i32
        %add3A_242 = vector.broadcast %add3A_241 : i32 to vector<16xi32>
        %add3A_243 = arith.addi %iota3A, %add3A_242 : vector<16xi32>
        %min3A = arith.constant 15 : i32
        %min3A_244 = vector.broadcast %min3A : i32 to vector<16xi32>
        %min3A_245 = arith.minsi %add3A_243, %min3A_244 : vector<16xi32>
        %lt3A_246 = arith.constant 0 : i32
        %lt3A_247 = vector.broadcast %lt3A_246 : i32 to vector<16xi32>
        %lt3A_248 = arith.cmpi slt, %min3A_245, %lt3A_247 : vector<16xi32>
        %add3A_249 = arith.constant 16 : i32
        %add3A_250 = vector.broadcast %add3A_249 : i32 to vector<16xi32>
        %add3A_251 = arith.addi %min3A_245, %add3A_250 : vector<16xi32>
        %select_n3A_252 = arith.select %lt3A_248, %add3A_251, %min3A_245 : vector<16xi1>, vector<16xi32>
        %broadcast_in_dim3A_253 = vector.shape_cast %select_n3A_252 : vector<16xi32> to vector<16x1xi32>
        %gather3A = vector.shape_cast %broadcast_in_dim3A_253 : vector<16x1xi32> to vector<16xi32>
        %gather3A_254 = tpu.dynamic_gather %get3A_218[%gather3A] in [0] : vector<16xf32>, vector<16xi32> -> vector<16xf32>
        %max3A_255 = arith.maximumf %get3A_218, %gather3A_254 : vector<16xf32>
        %add3A_256 = arith.constant 1 : i32
        %add3A_257 = vector.broadcast %add3A_256 : i32 to vector<16xi32>
        %add3A_258 = arith.addi %add3A_207, %add3A_257 : vector<16xi32>
        tpu.vector_store_idx %arg5[%broadcast_in_dim3A_194, %broadcast_in_dim3A_195, %add3A_207, %add3A_258], %max3A_255 masked %le3A_240 : memref<2x4x64x64xf32, #tpu.memory_space<vmem>>[vector<16xi32>, vector<16xi32>, vector<16xi32>, vector<16xi32>], vector<16xf32>, vector<16xi1>
        %get3A_259 = arith.index_cast %add3A_193 : i32 to index
        %get3A_260 = arith.constant 2 : index
        %get3A_261 = tpu.vector_load %arg6[%get3A_259, %get3A_260] {strides = array<i32>} : memref<256x64xf32, #tpu.memory_space<vmem>>, vector<16xf32>,
        %max3A_262 = arith.maximumf %max3A, %get3A_261 : vector<16xf32>
        %add3A_263 = arith.constant 2 : i32
        %add3A_264 = vector.broadcast %add3A_263 : i32 to vector<16xi32>
        %add3A_265 = arith.addi %add3A_198, %add3A_264 : vector<16xi32>
        tpu.vector_store_idx %arg5[%broadcast_in_dim3A_194, %broadcast_in_dim3A_195, %add3A_198, %add3A_265], %max3A_262 : memref<2x4x64x64xf32, #tpu.memory_space<vmem>>[vector<16xi32>, vector<16xi32>, vector<16xi32>, vector<16xi32>], vector<16xf32>,
        %get3A_266 = arith.index_cast %add3A_193 : i32 to index
        %get3A_267 = arith.constant 18 : index
        %get3A_268 = tpu.vector_load %arg6[%get3A_266, %get3A_267] {strides = array<i32>} : memref<256x64xf32, #tpu.memory_space<vmem>>, vector<16xf32>,
        %max3A_269 = arith.maximumf %max3A_228, %get3A_268 : vector<16xf32>
        %add3A_270 = arith.constant 2 : i32
        %add3A_271 = vector.broadcast %add3A_270 : i32 to vector<16xi32>
        %add3A_272 = arith.addi %add3A_201, %add3A_271 : vector<16xi32>
        tpu.vector_store_idx %arg5[%broadcast_in_dim3A_194, %broadcast_in_dim3A_195, %add3A_201, %add3A_272], %max3A_269 : memref<2x4x64x64xf32, #tpu.memory_space<vmem>>[vector<16xi32>, vector<16xi32>, vector<16xi32>, vector<16xi32>], vector<16xf32>,
        %get3A_273 = arith.index_cast %add3A_193 : i32 to index
        %get3A_274 = arith.constant 34 : index
        %get3A_275 = tpu.vector_load %arg6[%get3A_273, %get3A_274] {strides = array<i32>} : memref<256x64xf32, #tpu.memory_space<vmem>>, vector<16xf32>,
        %max3A_276 = arith.maximumf %max3A_235, %get3A_275 : vector<16xf32>
        %add3A_277 = arith.constant 2 : i32
        %add3A_278 = vector.broadcast %add3A_277 : i32 to vector<16xi32>
        %add3A_279 = arith.addi %add3A_204, %add3A_278 : vector<16xi32>
        tpu.vector_store_idx %arg5[%broadcast_in_dim3A_194, %broadcast_in_dim3A_195, %add3A_204, %add3A_279], %max3A_276 : memref<2x4x64x64xf32, #tpu.memory_space<vmem>>[vector<16xi32>, vector<16xi32>, vector<16xi32>, vector<16xi32>], vector<16xf32>,
        %le3A_280 = arith.constant 13 : i32
        %le3A_281 = vector.broadcast %le3A_280 : i32 to vector<16xi32>
        %le3A_282 = arith.cmpi sle, %iota3A, %le3A_281 : vector<16xi32>
        %add3A_283 = arith.constant 2 : i32
        %add3A_284 = vector.broadcast %add3A_283 : i32 to vector<16xi32>
        %add3A_285 = arith.addi %iota3A, %add3A_284 : vector<16xi32>
        %min3A_286 = arith.constant 15 : i32
        %min3A_287 = vector.broadcast %min3A_286 : i32 to vector<16xi32>
        %min3A_288 = arith.minsi %add3A_285, %min3A_287 : vector<16xi32>
        %lt3A_289 = arith.constant 0 : i32
        %lt3A_290 = vector.broadcast %lt3A_289 : i32 to vector<16xi32>
        %lt3A_291 = arith.cmpi slt, %min3A_288, %lt3A_290 : vector<16xi32>
        %add3A_292 = arith.constant 16 : i32
        %add3A_293 = vector.broadcast %add3A_292 : i32 to vector<16xi32>
        %add3A_294 = arith.addi %min3A_288, %add3A_293 : vector<16xi32>
        %select_n3A_295 = arith.select %lt3A_291, %add3A_294, %min3A_288 : vector<16xi1>, vector<16xi32>
        %broadcast_in_dim3A_296 = vector.shape_cast %select_n3A_295 : vector<16xi32> to vector<16x1xi32>
        %gather3A_297 = vector.shape_cast %broadcast_in_dim3A_296 : vector<16x1xi32> to vector<16xi32>
        %gather3A_298 = tpu.dynamic_gather %get3A_218[%gather3A_297] in [0] : vector<16xf32>, vector<16xi32> -> vector<16xf32>
        %max3A_299 = arith.maximumf %max3A_255, %gather3A_298 : vector<16xf32>
        %add3A_300 = arith.constant 2 : i32
        %add3A_301 = vector.broadcast %add3A_300 : i32 to vector<16xi32>
        %add3A_302 = arith.addi %add3A_207, %add3A_301 : vector<16xi32>
        tpu.vector_store_idx %arg5[%broadcast_in_dim3A_194, %broadcast_in_dim3A_195, %add3A_207, %add3A_302], %max3A_299 masked %le3A_282 : memref<2x4x64x64xf32, #tpu.memory_space<vmem>>[vector<16xi32>, vector<16xi32>, vector<16xi32>, vector<16xi32>], vector<16xf32>, vector<16xi1>
        %get3A_303 = arith.index_cast %add3A_193 : i32 to index
        %get3A_304 = arith.constant 3 : index
        %get3A_305 = tpu.vector_load %arg6[%get3A_303, %get3A_304] {strides = array<i32>} : memref<256x64xf32, #tpu.memory_space<vmem>>, vector<16xf32>,
        %max3A_306 = arith.maximumf %max3A_262, %get3A_305 : vector<16xf32>
        %add3A_307 = arith.constant 3 : i32
        %add3A_308 = vector.broadcast %add3A_307 : i32 to vector<16xi32>
        %add3A_309 = arith.addi %add3A_198, %add3A_308 : vector<16xi32>
        tpu.vector_store_idx %arg5[%broadcast_in_dim3A_194, %broadcast_in_dim3A_195, %add3A_198, %add3A_309], %max3A_306 : memref<2x4x64x64xf32, #tpu.memory_space<vmem>>[vector<16xi32>, vector<16xi32>, vector<16xi32>, vector<16xi32>], vector<16xf32>,
        %get3A_310 = arith.index_cast %add3A_193 : i32 to index
        %get3A_311 = arith.constant 19 : index
        %get3A_312 = tpu.vector_load %arg6[%get3A_310, %get3A_311] {strides = array<i32>} : memref<256x64xf32, #tpu.memory_space<vmem>>, vector<16xf32>,
        %max3A_313 = arith.maximumf %max3A_269, %get3A_312 : vector<16xf32>
        %add3A_314 = arith.constant 3 : i32
        %add3A_315 = vector.broadcast %add3A_314 : i32 to vector<16xi32>
        %add3A_316 = arith.addi %add3A_201, %add3A_315 : vector<16xi32>
        tpu.vector_store_idx %arg5[%broadcast_in_dim3A_194, %broadcast_in_dim3A_195, %add3A_201, %add3A_316], %max3A_313 : memref<2x4x64x64xf32, #tpu.memory_space<vmem>>[vector<16xi32>, vector<16xi32>, vector<16xi32>, vector<16xi32>], vector<16xf32>,
        %get3A_317 = arith.index_cast %add3A_193 : i32 to index
        %get3A_318 = arith.constant 35 : index
        %get3A_319 = tpu.vector_load %arg6[%get3A_317, %get3A_318] {strides = array<i32>} : memref<256x64xf32, #tpu.memory_space<vmem>>, vector<16xf32>,
        %max3A_320 = arith.maximumf %max3A_276, %get3A_319 : vector<16xf32>
        %add3A_321 = arith.constant 3 : i32
        %add3A_322 = vector.broadcast %add3A_321 : i32 to vector<16xi32>
        %add3A_323 = arith.addi %add3A_204, %add3A_322 : vector<16xi32>
        tpu.vector_store_idx %arg5[%broadcast_in_dim3A_194, %broadcast_in_dim3A_195, %add3A_204, %add3A_323], %max3A_320 : memref<2x4x64x64xf32, #tpu.memory_space<vmem>>[vector<16xi32>, vector<16xi32>, vector<16xi32>, vector<16xi32>], vector<16xf32>,
        %le3A_324 = arith.constant 12 : i32
        %le3A_325 = vector.broadcast %le3A_324 : i32 to vector<16xi32>
        %le3A_326 = arith.cmpi sle, %iota3A, %le3A_325 : vector<16xi32>
        %add3A_327 = arith.constant 3 : i32
        %add3A_328 = vector.broadcast %add3A_327 : i32 to vector<16xi32>
        %add3A_329 = arith.addi %iota3A, %add3A_328 : vector<16xi32>
        %min3A_330 = arith.constant 15 : i32
        %min3A_331 = vector.broadcast %min3A_330 : i32 to vector<16xi32>
        %min3A_332 = arith.minsi %add3A_329, %min3A_331 : vector<16xi32>
        %lt3A_333 = arith.constant 0 : i32
        %lt3A_334 = vector.broadcast %lt3A_333 : i32 to vector<16xi32>
        %lt3A_335 = arith.cmpi slt, %min3A_332, %lt3A_334 : vector<16xi32>
        %add3A_336 = arith.constant 16 : i32
        %add3A_337 = vector.broadcast %add3A_336 : i32 to vector<16xi32>
        %add3A_338 = arith.addi %min3A_332, %add3A_337 : vector<16xi32>
        %select_n3A_339 = arith.select %lt3A_335, %add3A_338, %min3A_332 : vector<16xi1>, vector<16xi32>
        %broadcast_in_dim3A_340 = vector.shape_cast %select_n3A_339 : vector<16xi32> to vector<16x1xi32>
        %gather3A_341 = vector.shape_cast %broadcast_in_dim3A_340 : vector<16x1xi32> to vector<16xi32>
        %gather3A_342 = tpu.dynamic_gather %get3A_218[%gather3A_341] in [0] : vector<16xf32>, vector<16xi32> -> vector<16xf32>
        %max3A_343 = arith.maximumf %max3A_299, %gather3A_342 : vector<16xf32>
        %add3A_344 = arith.constant 3 : i32
        %add3A_345 = vector.broadcast %add3A_344 : i32 to vector<16xi32>
        %add3A_346 = arith.addi %add3A_207, %add3A_345 : vector<16xi32>
        tpu.vector_store_idx %arg5[%broadcast_in_dim3A_194, %broadcast_in_dim3A_195, %add3A_207, %add3A_346], %max3A_343 masked %le3A_326 : memref<2x4x64x64xf32, #tpu.memory_space<vmem>>[vector<16xi32>, vector<16xi32>, vector<16xi32>, vector<16xi32>], vector<16xf32>, vector<16xi1>
        %get3A_347 = arith.index_cast %add3A_193 : i32 to index
        %get3A_348 = arith.constant 4 : index
        %get3A_349 = tpu.vector_load %arg6[%get3A_347, %get3A_348] {strides = array<i32>} : memref<256x64xf32, #tpu.memory_space<vmem>>, vector<16xf32>,
        %max3A_350 = arith.maximumf %max3A_306, %get3A_349 : vector<16xf32>
        %add3A_351 = arith.constant 4 : i32
        %add3A_352 = vector.broadcast %add3A_351 : i32 to vector<16xi32>
        %add3A_353 = arith.addi %add3A_198, %add3A_352 : vector<16xi32>
        tpu.vector_store_idx %arg5[%broadcast_in_dim3A_194, %broadcast_in_dim3A_195, %add3A_198, %add3A_353], %max3A_350 : memref<2x4x64x64xf32, #tpu.memory_space<vmem>>[vector<16xi32>, vector<16xi32>, vector<16xi32>, vector<16xi32>], vector<16xf32>,
        %get3A_354 = arith.index_cast %add3A_193 : i32 to index
        %get3A_355 = arith.constant 20 : index
        %get3A_356 = tpu.vector_load %arg6[%get3A_354, %get3A_355] {strides = array<i32>} : memref<256x64xf32, #tpu.memory_space<vmem>>, vector<16xf32>,
        %max3A_357 = arith.maximumf %max3A_313, %get3A_356 : vector<16xf32>
        %add3A_358 = arith.constant 4 : i32
        %add3A_359 = vector.broadcast %add3A_358 : i32 to vector<16xi32>
        %add3A_360 = arith.addi %add3A_201, %add3A_359 : vector<16xi32>
        tpu.vector_store_idx %arg5[%broadcast_in_dim3A_194, %broadcast_in_dim3A_195, %add3A_201, %add3A_360], %max3A_357 : memref<2x4x64x64xf32, #tpu.memory_space<vmem>>[vector<16xi32>, vector<16xi32>, vector<16xi32>, vector<16xi32>], vector<16xf32>,
        %get3A_361 = arith.index_cast %add3A_193 : i32 to index
        %get3A_362 = arith.constant 36 : index
        %get3A_363 = tpu.vector_load %arg6[%get3A_361, %get3A_362] {strides = array<i32>} : memref<256x64xf32, #tpu.memory_space<vmem>>, vector<16xf32>,
        %max3A_364 = arith.maximumf %max3A_320, %get3A_363 : vector<16xf32>
        %add3A_365 = arith.constant 4 : i32
        %add3A_366 = vector.broadcast %add3A_365 : i32 to vector<16xi32>
        %add3A_367 = arith.addi %add3A_204, %add3A_366 : vector<16xi32>
        tpu.vector_store_idx %arg5[%broadcast_in_dim3A_194, %broadcast_in_dim3A_195, %add3A_204, %add3A_367], %max3A_364 : memref<2x4x64x64xf32, #tpu.memory_space<vmem>>[vector<16xi32>, vector<16xi32>, vector<16xi32>, vector<16xi32>], vector<16xf32>,
        %le3A_368 = arith.constant 11 : i32
        %le3A_369 = vector.broadcast %le3A_368 : i32 to vector<16xi32>
        %le3A_370 = arith.cmpi sle, %iota3A, %le3A_369 : vector<16xi32>
        %add3A_371 = arith.constant 4 : i32
        %add3A_372 = vector.broadcast %add3A_371 : i32 to vector<16xi32>
        %add3A_373 = arith.addi %iota3A, %add3A_372 : vector<16xi32>
        %min3A_374 = arith.constant 15 : i32
        %min3A_375 = vector.broadcast %min3A_374 : i32 to vector<16xi32>
        %min3A_376 = arith.minsi %add3A_373, %min3A_375 : vector<16xi32>
        %lt3A_377 = arith.constant 0 : i32
        %lt3A_378 = vector.broadcast %lt3A_377 : i32 to vector<16xi32>
        %lt3A_379 = arith.cmpi slt, %min3A_376, %lt3A_378 : vector<16xi32>
        %add3A_380 = arith.constant 16 : i32
        %add3A_381 = vector.broadcast %add3A_380 : i32 to vector<16xi32>
        %add3A_382 = arith.addi %min3A_376, %add3A_381 : vector<16xi32>
        %select_n3A_383 = arith.select %lt3A_379, %add3A_382, %min3A_376 : vector<16xi1>, vector<16xi32>
        %broadcast_in_dim3A_384 = vector.shape_cast %select_n3A_383 : vector<16xi32> to vector<16x1xi32>
        %gather3A_385 = vector.shape_cast %broadcast_in_dim3A_384 : vector<16x1xi32> to vector<16xi32>
        %gather3A_386 = tpu.dynamic_gather %get3A_218[%gather3A_385] in [0] : vector<16xf32>, vector<16xi32> -> vector<16xf32>
        %max3A_387 = arith.maximumf %max3A_343, %gather3A_386 : vector<16xf32>
        %add3A_388 = arith.constant 4 : i32
        %add3A_389 = vector.broadcast %add3A_388 : i32 to vector<16xi32>
        %add3A_390 = arith.addi %add3A_207, %add3A_389 : vector<16xi32>
        tpu.vector_store_idx %arg5[%broadcast_in_dim3A_194, %broadcast_in_dim3A_195, %add3A_207, %add3A_390], %max3A_387 masked %le3A_370 : memref<2x4x64x64xf32, #tpu.memory_space<vmem>>[vector<16xi32>, vector<16xi32>, vector<16xi32>, vector<16xi32>], vector<16xf32>, vector<16xi1>
        %get3A_391 = arith.index_cast %add3A_193 : i32 to index
        %get3A_392 = arith.constant 5 : index
        %get3A_393 = tpu.vector_load %arg6[%get3A_391, %get3A_392] {strides = array<i32>} : memref<256x64xf32, #tpu.memory_space<vmem>>, vector<16xf32>,
        %max3A_394 = arith.maximumf %max3A_350, %get3A_393 : vector<16xf32>
        %add3A_395 = arith.constant 5 : i32
        %add3A_396 = vector.broadcast %add3A_395 : i32 to vector<16xi32>
        %add3A_397 = arith.addi %add3A_198, %add3A_396 : vector<16xi32>
        tpu.vector_store_idx %arg5[%broadcast_in_dim3A_194, %broadcast_in_dim3A_195, %add3A_198, %add3A_397], %max3A_394 : memref<2x4x64x64xf32, #tpu.memory_space<vmem>>[vector<16xi32>, vector<16xi32>, vector<16xi32>, vector<16xi32>], vector<16xf32>,
        %get3A_398 = arith.index_cast %add3A_193 : i32 to index
        %get3A_399 = arith.constant 21 : index
        %get3A_400 = tpu.vector_load %arg6[%get3A_398, %get3A_399] {strides = array<i32>} : memref<256x64xf32, #tpu.memory_space<vmem>>, vector<16xf32>,
        %max3A_401 = arith.maximumf %max3A_357, %get3A_400 : vector<16xf32>
        %add3A_402 = arith.constant 5 : i32
        %add3A_403 = vector.broadcast %add3A_402 : i32 to vector<16xi32>
        %add3A_404 = arith.addi %add3A_201, %add3A_403 : vector<16xi32>
        tpu.vector_store_idx %arg5[%broadcast_in_dim3A_194, %broadcast_in_dim3A_195, %add3A_201, %add3A_404], %max3A_401 : memref<2x4x64x64xf32, #tpu.memory_space<vmem>>[vector<16xi32>, vector<16xi32>, vector<16xi32>, vector<16xi32>], vector<16xf32>,
        %get3A_405 = arith.index_cast %add3A_193 : i32 to index
        %get3A_406 = arith.constant 37 : index
        %get3A_407 = tpu.vector_load %arg6[%get3A_405, %get3A_406] {strides = array<i32>} : memref<256x64xf32, #tpu.memory_space<vmem>>, vector<16xf32>,
        %max3A_408 = arith.maximumf %max3A_364, %get3A_407 : vector<16xf32>
        %add3A_409 = arith.constant 5 : i32
        %add3A_410 = vector.broadcast %add3A_409 : i32 to vector<16xi32>
        %add3A_411 = arith.addi %add3A_204, %add3A_410 : vector<16xi32>
        tpu.vector_store_idx %arg5[%broadcast_in_dim3A_194, %broadcast_in_dim3A_195, %add3A_204, %add3A_411], %max3A_408 : memref<2x4x64x64xf32, #tpu.memory_space<vmem>>[vector<16xi32>, vector<16xi32>, vector<16xi32>, vector<16xi32>], vector<16xf32>,
        %le3A_412 = arith.constant 10 : i32
        %le3A_413 = vector.broadcast %le3A_412 : i32 to vector<16xi32>
        %le3A_414 = arith.cmpi sle, %iota3A, %le3A_413 : vector<16xi32>
        %add3A_415 = arith.constant 5 : i32
        %add3A_416 = vector.broadcast %add3A_415 : i32 to vector<16xi32>
        %add3A_417 = arith.addi %iota3A, %add3A_416 : vector<16xi32>
        %min3A_418 = arith.constant 15 : i32
        %min3A_419 = vector.broadcast %min3A_418 : i32 to vector<16xi32>
        %min3A_420 = arith.minsi %add3A_417, %min3A_419 : vector<16xi32>
        %lt3A_421 = arith.constant 0 : i32
        %lt3A_422 = vector.broadcast %lt3A_421 : i32 to vector<16xi32>
        %lt3A_423 = arith.cmpi slt, %min3A_420, %lt3A_422 : vector<16xi32>
        %add3A_424 = arith.constant 16 : i32
        %add3A_425 = vector.broadcast %add3A_424 : i32 to vector<16xi32>
        %add3A_426 = arith.addi %min3A_420, %add3A_425 : vector<16xi32>
        %select_n3A_427 = arith.select %lt3A_423, %add3A_426, %min3A_420 : vector<16xi1>, vector<16xi32>
        %broadcast_in_dim3A_428 = vector.shape_cast %select_n3A_427 : vector<16xi32> to vector<16x1xi32>
        %gather3A_429 = vector.shape_cast %broadcast_in_dim3A_428 : vector<16x1xi32> to vector<16xi32>
        %gather3A_430 = tpu.dynamic_gather %get3A_218[%gather3A_429] in [0] : vector<16xf32>, vector<16xi32> -> vector<16xf32>
        %max3A_431 = arith.maximumf %max3A_387, %gather3A_430 : vector<16xf32>
        %add3A_432 = arith.constant 5 : i32
        %add3A_433 = vector.broadcast %add3A_432 : i32 to vector<16xi32>
        %add3A_434 = arith.addi %add3A_207, %add3A_433 : vector<16xi32>
        tpu.vector_store_idx %arg5[%broadcast_in_dim3A_194, %broadcast_in_dim3A_195, %add3A_207, %add3A_434], %max3A_431 masked %le3A_414 : memref<2x4x64x64xf32, #tpu.memory_space<vmem>>[vector<16xi32>, vector<16xi32>, vector<16xi32>, vector<16xi32>], vector<16xf32>, vector<16xi1>
        %get3A_435 = arith.index_cast %add3A_193 : i32 to index
        %get3A_436 = arith.constant 6 : index
        %get3A_437 = tpu.vector_load %arg6[%get3A_435, %get3A_436] {strides = array<i32>} : memref<256x64xf32, #tpu.memory_space<vmem>>, vector<16xf32>,
        %max3A_438 = arith.maximumf %max3A_394, %get3A_437 : vector<16xf32>
        %add3A_439 = arith.constant 6 : i32
        %add3A_440 = vector.broadcast %add3A_439 : i32 to vector<16xi32>
        %add3A_441 = arith.addi %add3A_198, %add3A_440 : vector<16xi32>
        tpu.vector_store_idx %arg5[%broadcast_in_dim3A_194, %broadcast_in_dim3A_195, %add3A_198, %add3A_441], %max3A_438 : memref<2x4x64x64xf32, #tpu.memory_space<vmem>>[vector<16xi32>, vector<16xi32>, vector<16xi32>, vector<16xi32>], vector<16xf32>,
        %get3A_442 = arith.index_cast %add3A_193 : i32 to index
        %get3A_443 = arith.constant 22 : index
        %get3A_444 = tpu.vector_load %arg6[%get3A_442, %get3A_443] {strides = array<i32>} : memref<256x64xf32, #tpu.memory_space<vmem>>, vector<16xf32>,
        %max3A_445 = arith.maximumf %max3A_401, %get3A_444 : vector<16xf32>
        %add3A_446 = arith.constant 6 : i32
        %add3A_447 = vector.broadcast %add3A_446 : i32 to vector<16xi32>
        %add3A_448 = arith.addi %add3A_201, %add3A_447 : vector<16xi32>
        tpu.vector_store_idx %arg5[%broadcast_in_dim3A_194, %broadcast_in_dim3A_195, %add3A_201, %add3A_448], %max3A_445 : memref<2x4x64x64xf32, #tpu.memory_space<vmem>>[vector<16xi32>, vector<16xi32>, vector<16xi32>, vector<16xi32>], vector<16xf32>,
        %get3A_449 = arith.index_cast %add3A_193 : i32 to index
        %get3A_450 = arith.constant 38 : index
        %get3A_451 = tpu.vector_load %arg6[%get3A_449, %get3A_450] {strides = array<i32>} : memref<256x64xf32, #tpu.memory_space<vmem>>, vector<16xf32>,
        %max3A_452 = arith.maximumf %max3A_408, %get3A_451 : vector<16xf32>
        %add3A_453 = arith.constant 6 : i32
        %add3A_454 = vector.broadcast %add3A_453 : i32 to vector<16xi32>
        %add3A_455 = arith.addi %add3A_204, %add3A_454 : vector<16xi32>
        tpu.vector_store_idx %arg5[%broadcast_in_dim3A_194, %broadcast_in_dim3A_195, %add3A_204, %add3A_455], %max3A_452 : memref<2x4x64x64xf32, #tpu.memory_space<vmem>>[vector<16xi32>, vector<16xi32>, vector<16xi32>, vector<16xi32>], vector<16xf32>,
        %le3A_456 = arith.constant 9 : i32
        %le3A_457 = vector.broadcast %le3A_456 : i32 to vector<16xi32>
        %le3A_458 = arith.cmpi sle, %iota3A, %le3A_457 : vector<16xi32>
        %add3A_459 = arith.constant 6 : i32
        %add3A_460 = vector.broadcast %add3A_459 : i32 to vector<16xi32>
        %add3A_461 = arith.addi %iota3A, %add3A_460 : vector<16xi32>
        %min3A_462 = arith.constant 15 : i32
        %min3A_463 = vector.broadcast %min3A_462 : i32 to vector<16xi32>
        %min3A_464 = arith.minsi %add3A_461, %min3A_463 : vector<16xi32>
        %lt3A_465 = arith.constant 0 : i32
        %lt3A_466 = vector.broadcast %lt3A_465 : i32 to vector<16xi32>
        %lt3A_467 = arith.cmpi slt, %min3A_464, %lt3A_466 : vector<16xi32>
        %add3A_468 = arith.constant 16 : i32
        %add3A_469 = vector.broadcast %add3A_468 : i32 to vector<16xi32>
        %add3A_470 = arith.addi %min3A_464, %add3A_469 : vector<16xi32>
        %select_n3A_471 = arith.select %lt3A_467, %add3A_470, %min3A_464 : vector<16xi1>, vector<16xi32>
        %broadcast_in_dim3A_472 = vector.shape_cast %select_n3A_471 : vector<16xi32> to vector<16x1xi32>
        %gather3A_473 = vector.shape_cast %broadcast_in_dim3A_472 : vector<16x1xi32> to vector<16xi32>
        %gather3A_474 = tpu.dynamic_gather %get3A_218[%gather3A_473] in [0] : vector<16xf32>, vector<16xi32> -> vector<16xf32>
        %max3A_475 = arith.maximumf %max3A_431, %gather3A_474 : vector<16xf32>
        %add3A_476 = arith.constant 6 : i32
        %add3A_477 = vector.broadcast %add3A_476 : i32 to vector<16xi32>
        %add3A_478 = arith.addi %add3A_207, %add3A_477 : vector<16xi32>
        tpu.vector_store_idx %arg5[%broadcast_in_dim3A_194, %broadcast_in_dim3A_195, %add3A_207, %add3A_478], %max3A_475 masked %le3A_458 : memref<2x4x64x64xf32, #tpu.memory_space<vmem>>[vector<16xi32>, vector<16xi32>, vector<16xi32>, vector<16xi32>], vector<16xf32>, vector<16xi1>
        %get3A_479 = arith.index_cast %add3A_193 : i32 to index
        %get3A_480 = arith.constant 7 : index
        %get3A_481 = tpu.vector_load %arg6[%get3A_479, %get3A_480] {strides = array<i32>} : memref<256x64xf32, #tpu.memory_space<vmem>>, vector<16xf32>,
        %max3A_482 = arith.maximumf %max3A_438, %get3A_481 : vector<16xf32>
        %add3A_483 = arith.constant 7 : i32
        %add3A_484 = vector.broadcast %add3A_483 : i32 to vector<16xi32>
        %add3A_485 = arith.addi %add3A_198, %add3A_484 : vector<16xi32>
        tpu.vector_store_idx %arg5[%broadcast_in_dim3A_194, %broadcast_in_dim3A_195, %add3A_198, %add3A_485], %max3A_482 : memref<2x4x64x64xf32, #tpu.memory_space<vmem>>[vector<16xi32>, vector<16xi32>, vector<16xi32>, vector<16xi32>], vector<16xf32>,
        %get3A_486 = arith.index_cast %add3A_193 : i32 to index
        %get3A_487 = arith.constant 23 : index
        %get3A_488 = tpu.vector_load %arg6[%get3A_486, %get3A_487] {strides = array<i32>} : memref<256x64xf32, #tpu.memory_space<vmem>>, vector<16xf32>,
        %max3A_489 = arith.maximumf %max3A_445, %get3A_488 : vector<16xf32>
        %add3A_490 = arith.constant 7 : i32
        %add3A_491 = vector.broadcast %add3A_490 : i32 to vector<16xi32>
        %add3A_492 = arith.addi %add3A_201, %add3A_491 : vector<16xi32>
        tpu.vector_store_idx %arg5[%broadcast_in_dim3A_194, %broadcast_in_dim3A_195, %add3A_201, %add3A_492], %max3A_489 : memref<2x4x64x64xf32, #tpu.memory_space<vmem>>[vector<16xi32>, vector<16xi32>, vector<16xi32>, vector<16xi32>], vector<16xf32>,
        %get3A_493 = arith.index_cast %add3A_193 : i32 to index
        %get3A_494 = arith.constant 39 : index
        %get3A_495 = tpu.vector_load %arg6[%get3A_493, %get3A_494] {strides = array<i32>} : memref<256x64xf32, #tpu.memory_space<vmem>>, vector<16xf32>,
        %max3A_496 = arith.maximumf %max3A_452, %get3A_495 : vector<16xf32>
        %add3A_497 = arith.constant 7 : i32
        %add3A_498 = vector.broadcast %add3A_497 : i32 to vector<16xi32>
        %add3A_499 = arith.addi %add3A_204, %add3A_498 : vector<16xi32>
        tpu.vector_store_idx %arg5[%broadcast_in_dim3A_194, %broadcast_in_dim3A_195, %add3A_204, %add3A_499], %max3A_496 : memref<2x4x64x64xf32, #tpu.memory_space<vmem>>[vector<16xi32>, vector<16xi32>, vector<16xi32>, vector<16xi32>], vector<16xf32>,
        %le3A_500 = arith.constant 8 : i32
        %le3A_501 = vector.broadcast %le3A_500 : i32 to vector<16xi32>
        %le3A_502 = arith.cmpi sle, %iota3A, %le3A_501 : vector<16xi32>
        %add3A_503 = arith.constant 7 : i32
        %add3A_504 = vector.broadcast %add3A_503 : i32 to vector<16xi32>
        %add3A_505 = arith.addi %iota3A, %add3A_504 : vector<16xi32>
        %min3A_506 = arith.constant 15 : i32
        %min3A_507 = vector.broadcast %min3A_506 : i32 to vector<16xi32>
        %min3A_508 = arith.minsi %add3A_505, %min3A_507 : vector<16xi32>
        %lt3A_509 = arith.constant 0 : i32
        %lt3A_510 = vector.broadcast %lt3A_509 : i32 to vector<16xi32>
        %lt3A_511 = arith.cmpi slt, %min3A_508, %lt3A_510 : vector<16xi32>
        %add3A_512 = arith.constant 16 : i32
        %add3A_513 = vector.broadcast %add3A_512 : i32 to vector<16xi32>
        %add3A_514 = arith.addi %min3A_508, %add3A_513 : vector<16xi32>
        %select_n3A_515 = arith.select %lt3A_511, %add3A_514, %min3A_508 : vector<16xi1>, vector<16xi32>
        %broadcast_in_dim3A_516 = vector.shape_cast %select_n3A_515 : vector<16xi32> to vector<16x1xi32>
        %gather3A_517 = vector.shape_cast %broadcast_in_dim3A_516 : vector<16x1xi32> to vector<16xi32>
        %gather3A_518 = tpu.dynamic_gather %get3A_218[%gather3A_517] in [0] : vector<16xf32>, vector<16xi32> -> vector<16xf32>
        %max3A_519 = arith.maximumf %max3A_475, %gather3A_518 : vector<16xf32>
        %add3A_520 = arith.constant 7 : i32
        %add3A_521 = vector.broadcast %add3A_520 : i32 to vector<16xi32>
        %add3A_522 = arith.addi %add3A_207, %add3A_521 : vector<16xi32>
        tpu.vector_store_idx %arg5[%broadcast_in_dim3A_194, %broadcast_in_dim3A_195, %add3A_207, %add3A_522], %max3A_519 masked %le3A_502 : memref<2x4x64x64xf32, #tpu.memory_space<vmem>>[vector<16xi32>, vector<16xi32>, vector<16xi32>, vector<16xi32>], vector<16xf32>, vector<16xi1>
        %get3A_523 = arith.index_cast %add3A_193 : i32 to index
        %get3A_524 = arith.constant 8 : index
        %get3A_525 = tpu.vector_load %arg6[%get3A_523, %get3A_524] {strides = array<i32>} : memref<256x64xf32, #tpu.memory_space<vmem>>, vector<16xf32>,
        %max3A_526 = arith.maximumf %max3A_482, %get3A_525 : vector<16xf32>
        %add3A_527 = arith.constant 8 : i32
        %add3A_528 = vector.broadcast %add3A_527 : i32 to vector<16xi32>
        %add3A_529 = arith.addi %add3A_198, %add3A_528 : vector<16xi32>
        tpu.vector_store_idx %arg5[%broadcast_in_dim3A_194, %broadcast_in_dim3A_195, %add3A_198, %add3A_529], %max3A_526 : memref<2x4x64x64xf32, #tpu.memory_space<vmem>>[vector<16xi32>, vector<16xi32>, vector<16xi32>, vector<16xi32>], vector<16xf32>,
        %get3A_530 = arith.index_cast %add3A_193 : i32 to index
        %get3A_531 = arith.constant 24 : index
        %get3A_532 = tpu.vector_load %arg6[%get3A_530, %get3A_531] {strides = array<i32>} : memref<256x64xf32, #tpu.memory_space<vmem>>, vector<16xf32>,
        %max3A_533 = arith.maximumf %max3A_489, %get3A_532 : vector<16xf32>
        %add3A_534 = arith.constant 8 : i32
        %add3A_535 = vector.broadcast %add3A_534 : i32 to vector<16xi32>
        %add3A_536 = arith.addi %add3A_201, %add3A_535 : vector<16xi32>
        tpu.vector_store_idx %arg5[%broadcast_in_dim3A_194, %broadcast_in_dim3A_195, %add3A_201, %add3A_536], %max3A_533 : memref<2x4x64x64xf32, #tpu.memory_space<vmem>>[vector<16xi32>, vector<16xi32>, vector<16xi32>, vector<16xi32>], vector<16xf32>,
        %get3A_537 = arith.index_cast %add3A_193 : i32 to index
        %get3A_538 = arith.constant 40 : index
        %get3A_539 = tpu.vector_load %arg6[%get3A_537, %get3A_538] {strides = array<i32>} : memref<256x64xf32, #tpu.memory_space<vmem>>, vector<16xf32>,
        %max3A_540 = arith.maximumf %max3A_496, %get3A_539 : vector<16xf32>
        %add3A_541 = arith.constant 8 : i32
        %add3A_542 = vector.broadcast %add3A_541 : i32 to vector<16xi32>
        %add3A_543 = arith.addi %add3A_204, %add3A_542 : vector<16xi32>
        tpu.vector_store_idx %arg5[%broadcast_in_dim3A_194, %broadcast_in_dim3A_195, %add3A_204, %add3A_543], %max3A_540 : memref<2x4x64x64xf32, #tpu.memory_space<vmem>>[vector<16xi32>, vector<16xi32>, vector<16xi32>, vector<16xi32>], vector<16xf32>,
        %le3A_544 = arith.constant 7 : i32
        %le3A_545 = vector.broadcast %le3A_544 : i32 to vector<16xi32>
        %le3A_546 = arith.cmpi sle, %iota3A, %le3A_545 : vector<16xi32>
        %add3A_547 = arith.constant 8 : i32
        %add3A_548 = vector.broadcast %add3A_547 : i32 to vector<16xi32>
        %add3A_549 = arith.addi %iota3A, %add3A_548 : vector<16xi32>
        %min3A_550 = arith.constant 15 : i32
        %min3A_551 = vector.broadcast %min3A_550 : i32 to vector<16xi32>
        %min3A_552 = arith.minsi %add3A_549, %min3A_551 : vector<16xi32>
        %lt3A_553 = arith.constant 0 : i32
        %lt3A_554 = vector.broadcast %lt3A_553 : i32 to vector<16xi32>
        %lt3A_555 = arith.cmpi slt, %min3A_552, %lt3A_554 : vector<16xi32>
        %add3A_556 = arith.constant 16 : i32
        %add3A_557 = vector.broadcast %add3A_556 : i32 to vector<16xi32>
        %add3A_558 = arith.addi %min3A_552, %add3A_557 : vector<16xi32>
        %select_n3A_559 = arith.select %lt3A_555, %add3A_558, %min3A_552 : vector<16xi1>, vector<16xi32>
        %broadcast_in_dim3A_560 = vector.shape_cast %select_n3A_559 : vector<16xi32> to vector<16x1xi32>
        %gather3A_561 = vector.shape_cast %broadcast_in_dim3A_560 : vector<16x1xi32> to vector<16xi32>
        %gather3A_562 = tpu.dynamic_gather %get3A_218[%gather3A_561] in [0] : vector<16xf32>, vector<16xi32> -> vector<16xf32>
        %max3A_563 = arith.maximumf %max3A_519, %gather3A_562 : vector<16xf32>
        %add3A_564 = arith.constant 8 : i32
        %add3A_565 = vector.broadcast %add3A_564 : i32 to vector<16xi32>
        %add3A_566 = arith.addi %add3A_207, %add3A_565 : vector<16xi32>
        tpu.vector_store_idx %arg5[%broadcast_in_dim3A_194, %broadcast_in_dim3A_195, %add3A_207, %add3A_566], %max3A_563 masked %le3A_546 : memref<2x4x64x64xf32, #tpu.memory_space<vmem>>[vector<16xi32>, vector<16xi32>, vector<16xi32>, vector<16xi32>], vector<16xf32>, vector<16xi1>
        %get3A_567 = arith.index_cast %add3A_193 : i32 to index
        %get3A_568 = arith.constant 9 : index
        %get3A_569 = tpu.vector_load %arg6[%get3A_567, %get3A_568] {strides = array<i32>} : memref<256x64xf32, #tpu.memory_space<vmem>>, vector<16xf32>,
        %max3A_570 = arith.maximumf %max3A_526, %get3A_569 : vector<16xf32>
        %add3A_571 = arith.constant 9 : i32
        %add3A_572 = vector.broadcast %add3A_571 : i32 to vector<16xi32>
        %add3A_573 = arith.addi %add3A_198, %add3A_572 : vector<16xi32>
        tpu.vector_store_idx %arg5[%broadcast_in_dim3A_194, %broadcast_in_dim3A_195, %add3A_198, %add3A_573], %max3A_570 : memref<2x4x64x64xf32, #tpu.memory_space<vmem>>[vector<16xi32>, vector<16xi32>, vector<16xi32>, vector<16xi32>], vector<16xf32>,
        %get3A_574 = arith.index_cast %add3A_193 : i32 to index
        %get3A_575 = arith.constant 25 : index
        %get3A_576 = tpu.vector_load %arg6[%get3A_574, %get3A_575] {strides = array<i32>} : memref<256x64xf32, #tpu.memory_space<vmem>>, vector<16xf32>,
        %max3A_577 = arith.maximumf %max3A_533, %get3A_576 : vector<16xf32>
        %add3A_578 = arith.constant 9 : i32
        %add3A_579 = vector.broadcast %add3A_578 : i32 to vector<16xi32>
        %add3A_580 = arith.addi %add3A_201, %add3A_579 : vector<16xi32>
        tpu.vector_store_idx %arg5[%broadcast_in_dim3A_194, %broadcast_in_dim3A_195, %add3A_201, %add3A_580], %max3A_577 : memref<2x4x64x64xf32, #tpu.memory_space<vmem>>[vector<16xi32>, vector<16xi32>, vector<16xi32>, vector<16xi32>], vector<16xf32>,
        %get3A_581 = arith.index_cast %add3A_193 : i32 to index
        %get3A_582 = arith.constant 41 : index
        %get3A_583 = tpu.vector_load %arg6[%get3A_581, %get3A_582] {strides = array<i32>} : memref<256x64xf32, #tpu.memory_space<vmem>>, vector<16xf32>,
        %max3A_584 = arith.maximumf %max3A_540, %get3A_583 : vector<16xf32>
        %add3A_585 = arith.constant 9 : i32
        %add3A_586 = vector.broadcast %add3A_585 : i32 to vector<16xi32>
        %add3A_587 = arith.addi %add3A_204, %add3A_586 : vector<16xi32>
        tpu.vector_store_idx %arg5[%broadcast_in_dim3A_194, %broadcast_in_dim3A_195, %add3A_204, %add3A_587], %max3A_584 : memref<2x4x64x64xf32, #tpu.memory_space<vmem>>[vector<16xi32>, vector<16xi32>, vector<16xi32>, vector<16xi32>], vector<16xf32>,
        %le3A_588 = arith.constant 6 : i32
        %le3A_589 = vector.broadcast %le3A_588 : i32 to vector<16xi32>
        %le3A_590 = arith.cmpi sle, %iota3A, %le3A_589 : vector<16xi32>
        %add3A_591 = arith.constant 9 : i32
        %add3A_592 = vector.broadcast %add3A_591 : i32 to vector<16xi32>
        %add3A_593 = arith.addi %iota3A, %add3A_592 : vector<16xi32>
        %min3A_594 = arith.constant 15 : i32
        %min3A_595 = vector.broadcast %min3A_594 : i32 to vector<16xi32>
        %min3A_596 = arith.minsi %add3A_593, %min3A_595 : vector<16xi32>
        %lt3A_597 = arith.constant 0 : i32
        %lt3A_598 = vector.broadcast %lt3A_597 : i32 to vector<16xi32>
        %lt3A_599 = arith.cmpi slt, %min3A_596, %lt3A_598 : vector<16xi32>
        %add3A_600 = arith.constant 16 : i32
        %add3A_601 = vector.broadcast %add3A_600 : i32 to vector<16xi32>
        %add3A_602 = arith.addi %min3A_596, %add3A_601 : vector<16xi32>
        %select_n3A_603 = arith.select %lt3A_599, %add3A_602, %min3A_596 : vector<16xi1>, vector<16xi32>
        %broadcast_in_dim3A_604 = vector.shape_cast %select_n3A_603 : vector<16xi32> to vector<16x1xi32>
        %gather3A_605 = vector.shape_cast %broadcast_in_dim3A_604 : vector<16x1xi32> to vector<16xi32>
        %gather3A_606 = tpu.dynamic_gather %get3A_218[%gather3A_605] in [0] : vector<16xf32>, vector<16xi32> -> vector<16xf32>
        %max3A_607 = arith.maximumf %max3A_563, %gather3A_606 : vector<16xf32>
        %add3A_608 = arith.constant 9 : i32
        %add3A_609 = vector.broadcast %add3A_608 : i32 to vector<16xi32>
        %add3A_610 = arith.addi %add3A_207, %add3A_609 : vector<16xi32>
        tpu.vector_store_idx %arg5[%broadcast_in_dim3A_194, %broadcast_in_dim3A_195, %add3A_207, %add3A_610], %max3A_607 masked %le3A_590 : memref<2x4x64x64xf32, #tpu.memory_space<vmem>>[vector<16xi32>, vector<16xi32>, vector<16xi32>, vector<16xi32>], vector<16xf32>, vector<16xi1>
        %get3A_611 = arith.index_cast %add3A_193 : i32 to index
        %get3A_612 = arith.constant 10 : index
        %get3A_613 = tpu.vector_load %arg6[%get3A_611, %get3A_612] {strides = array<i32>} : memref<256x64xf32, #tpu.memory_space<vmem>>, vector<16xf32>,
        %max3A_614 = arith.maximumf %max3A_570, %get3A_613 : vector<16xf32>
        %add3A_615 = arith.constant 10 : i32
        %add3A_616 = vector.broadcast %add3A_615 : i32 to vector<16xi32>
        %add3A_617 = arith.addi %add3A_198, %add3A_616 : vector<16xi32>
        tpu.vector_store_idx %arg5[%broadcast_in_dim3A_194, %broadcast_in_dim3A_195, %add3A_198, %add3A_617], %max3A_614 : memref<2x4x64x64xf32, #tpu.memory_space<vmem>>[vector<16xi32>, vector<16xi32>, vector<16xi32>, vector<16xi32>], vector<16xf32>,
        %get3A_618 = arith.index_cast %add3A_193 : i32 to index
        %get3A_619 = arith.constant 26 : index
        %get3A_620 = tpu.vector_load %arg6[%get3A_618, %get3A_619] {strides = array<i32>} : memref<256x64xf32, #tpu.memory_space<vmem>>, vector<16xf32>,
        %max3A_621 = arith.maximumf %max3A_577, %get3A_620 : vector<16xf32>
        %add3A_622 = arith.constant 10 : i32
        %add3A_623 = vector.broadcast %add3A_622 : i32 to vector<16xi32>
        %add3A_624 = arith.addi %add3A_201, %add3A_623 : vector<16xi32>
        tpu.vector_store_idx %arg5[%broadcast_in_dim3A_194, %broadcast_in_dim3A_195, %add3A_201, %add3A_624], %max3A_621 : memref<2x4x64x64xf32, #tpu.memory_space<vmem>>[vector<16xi32>, vector<16xi32>, vector<16xi32>, vector<16xi32>], vector<16xf32>,
        %get3A_625 = arith.index_cast %add3A_193 : i32 to index
        %get3A_626 = arith.constant 42 : index
        %get3A_627 = tpu.vector_load %arg6[%get3A_625, %get3A_626] {strides = array<i32>} : memref<256x64xf32, #tpu.memory_space<vmem>>, vector<16xf32>,
        %max3A_628 = arith.maximumf %max3A_584, %get3A_627 : vector<16xf32>
        %add3A_629 = arith.constant 10 : i32
        %add3A_630 = vector.broadcast %add3A_629 : i32 to vector<16xi32>
        %add3A_631 = arith.addi %add3A_204, %add3A_630 : vector<16xi32>
        tpu.vector_store_idx %arg5[%broadcast_in_dim3A_194, %broadcast_in_dim3A_195, %add3A_204, %add3A_631], %max3A_628 : memref<2x4x64x64xf32, #tpu.memory_space<vmem>>[vector<16xi32>, vector<16xi32>, vector<16xi32>, vector<16xi32>], vector<16xf32>,
        %le3A_632 = arith.constant 5 : i32
        %le3A_633 = vector.broadcast %le3A_632 : i32 to vector<16xi32>
        %le3A_634 = arith.cmpi sle, %iota3A, %le3A_633 : vector<16xi32>
        %add3A_635 = arith.constant 10 : i32
        %add3A_636 = vector.broadcast %add3A_635 : i32 to vector<16xi32>
        %add3A_637 = arith.addi %iota3A, %add3A_636 : vector<16xi32>
        %min3A_638 = arith.constant 15 : i32
        %min3A_639 = vector.broadcast %min3A_638 : i32 to vector<16xi32>
        %min3A_640 = arith.minsi %add3A_637, %min3A_639 : vector<16xi32>
        %lt3A_641 = arith.constant 0 : i32
        %lt3A_642 = vector.broadcast %lt3A_641 : i32 to vector<16xi32>
        %lt3A_643 = arith.cmpi slt, %min3A_640, %lt3A_642 : vector<16xi32>
        %add3A_644 = arith.constant 16 : i32
        %add3A_645 = vector.broadcast %add3A_644 : i32 to vector<16xi32>
        %add3A_646 = arith.addi %min3A_640, %add3A_645 : vector<16xi32>
        %select_n3A_647 = arith.select %lt3A_643, %add3A_646, %min3A_640 : vector<16xi1>, vector<16xi32>
        %broadcast_in_dim3A_648 = vector.shape_cast %select_n3A_647 : vector<16xi32> to vector<16x1xi32>
        %gather3A_649 = vector.shape_cast %broadcast_in_dim3A_648 : vector<16x1xi32> to vector<16xi32>
        %gather3A_650 = tpu.dynamic_gather %get3A_218[%gather3A_649] in [0] : vector<16xf32>, vector<16xi32> -> vector<16xf32>
        %max3A_651 = arith.maximumf %max3A_607, %gather3A_650 : vector<16xf32>
        %add3A_652 = arith.constant 10 : i32
        %add3A_653 = vector.broadcast %add3A_652 : i32 to vector<16xi32>
        %add3A_654 = arith.addi %add3A_207, %add3A_653 : vector<16xi32>
        tpu.vector_store_idx %arg5[%broadcast_in_dim3A_194, %broadcast_in_dim3A_195, %add3A_207, %add3A_654], %max3A_651 masked %le3A_634 : memref<2x4x64x64xf32, #tpu.memory_space<vmem>>[vector<16xi32>, vector<16xi32>, vector<16xi32>, vector<16xi32>], vector<16xf32>, vector<16xi1>
        %get3A_655 = arith.index_cast %add3A_193 : i32 to index
        %get3A_656 = arith.constant 11 : index
        %get3A_657 = tpu.vector_load %arg6[%get3A_655, %get3A_656] {strides = array<i32>} : memref<256x64xf32, #tpu.memory_space<vmem>>, vector<16xf32>,
        %max3A_658 = arith.maximumf %max3A_614, %get3A_657 : vector<16xf32>
        %add3A_659 = arith.constant 11 : i32
        %add3A_660 = vector.broadcast %add3A_659 : i32 to vector<16xi32>
        %add3A_661 = arith.addi %add3A_198, %add3A_660 : vector<16xi32>
        tpu.vector_store_idx %arg5[%broadcast_in_dim3A_194, %broadcast_in_dim3A_195, %add3A_198, %add3A_661], %max3A_658 : memref<2x4x64x64xf32, #tpu.memory_space<vmem>>[vector<16xi32>, vector<16xi32>, vector<16xi32>, vector<16xi32>], vector<16xf32>,
        %get3A_662 = arith.index_cast %add3A_193 : i32 to index
        %get3A_663 = arith.constant 27 : index
        %get3A_664 = tpu.vector_load %arg6[%get3A_662, %get3A_663] {strides = array<i32>} : memref<256x64xf32, #tpu.memory_space<vmem>>, vector<16xf32>,
        %max3A_665 = arith.maximumf %max3A_621, %get3A_664 : vector<16xf32>
        %add3A_666 = arith.constant 11 : i32
        %add3A_667 = vector.broadcast %add3A_666 : i32 to vector<16xi32>
        %add3A_668 = arith.addi %add3A_201, %add3A_667 : vector<16xi32>
        tpu.vector_store_idx %arg5[%broadcast_in_dim3A_194, %broadcast_in_dim3A_195, %add3A_201, %add3A_668], %max3A_665 : memref<2x4x64x64xf32, #tpu.memory_space<vmem>>[vector<16xi32>, vector<16xi32>, vector<16xi32>, vector<16xi32>], vector<16xf32>,
        %get3A_669 = arith.index_cast %add3A_193 : i32 to index
        %get3A_670 = arith.constant 43 : index
        %get3A_671 = tpu.vector_load %arg6[%get3A_669, %get3A_670] {strides = array<i32>} : memref<256x64xf32, #tpu.memory_space<vmem>>, vector<16xf32>,
        %max3A_672 = arith.maximumf %max3A_628, %get3A_671 : vector<16xf32>
        %add3A_673 = arith.constant 11 : i32
        %add3A_674 = vector.broadcast %add3A_673 : i32 to vector<16xi32>
        %add3A_675 = arith.addi %add3A_204, %add3A_674 : vector<16xi32>
        tpu.vector_store_idx %arg5[%broadcast_in_dim3A_194, %broadcast_in_dim3A_195, %add3A_204, %add3A_675], %max3A_672 : memref<2x4x64x64xf32, #tpu.memory_space<vmem>>[vector<16xi32>, vector<16xi32>, vector<16xi32>, vector<16xi32>], vector<16xf32>,
        %le3A_676 = arith.constant 4 : i32
        %le3A_677 = vector.broadcast %le3A_676 : i32 to vector<16xi32>
        %le3A_678 = arith.cmpi sle, %iota3A, %le3A_677 : vector<16xi32>
        %add3A_679 = arith.constant 11 : i32
        %add3A_680 = vector.broadcast %add3A_679 : i32 to vector<16xi32>
        %add3A_681 = arith.addi %iota3A, %add3A_680 : vector<16xi32>
        %min3A_682 = arith.constant 15 : i32
        %min3A_683 = vector.broadcast %min3A_682 : i32 to vector<16xi32>
        %min3A_684 = arith.minsi %add3A_681, %min3A_683 : vector<16xi32>
        %lt3A_685 = arith.constant 0 : i32
        %lt3A_686 = vector.broadcast %lt3A_685 : i32 to vector<16xi32>
        %lt3A_687 = arith.cmpi slt, %min3A_684, %lt3A_686 : vector<16xi32>
        %add3A_688 = arith.constant 16 : i32
        %add3A_689 = vector.broadcast %add3A_688 : i32 to vector<16xi32>
        %add3A_690 = arith.addi %min3A_684, %add3A_689 : vector<16xi32>
        %select_n3A_691 = arith.select %lt3A_687, %add3A_690, %min3A_684 : vector<16xi1>, vector<16xi32>
        %broadcast_in_dim3A_692 = vector.shape_cast %select_n3A_691 : vector<16xi32> to vector<16x1xi32>
        %gather3A_693 = vector.shape_cast %broadcast_in_dim3A_692 : vector<16x1xi32> to vector<16xi32>
        %gather3A_694 = tpu.dynamic_gather %get3A_218[%gather3A_693] in [0] : vector<16xf32>, vector<16xi32> -> vector<16xf32>
        %max3A_695 = arith.maximumf %max3A_651, %gather3A_694 : vector<16xf32>
        %add3A_696 = arith.constant 11 : i32
        %add3A_697 = vector.broadcast %add3A_696 : i32 to vector<16xi32>
        %add3A_698 = arith.addi %add3A_207, %add3A_697 : vector<16xi32>
        tpu.vector_store_idx %arg5[%broadcast_in_dim3A_194, %broadcast_in_dim3A_195, %add3A_207, %add3A_698], %max3A_695 masked %le3A_678 : memref<2x4x64x64xf32, #tpu.memory_space<vmem>>[vector<16xi32>, vector<16xi32>, vector<16xi32>, vector<16xi32>], vector<16xf32>, vector<16xi1>
        %get3A_699 = arith.index_cast %add3A_193 : i32 to index
        %get3A_700 = arith.constant 12 : index
        %get3A_701 = tpu.vector_load %arg6[%get3A_699, %get3A_700] {strides = array<i32>} : memref<256x64xf32, #tpu.memory_space<vmem>>, vector<16xf32>,
        %max3A_702 = arith.maximumf %max3A_658, %get3A_701 : vector<16xf32>
        %add3A_703 = arith.constant 12 : i32
        %add3A_704 = vector.broadcast %add3A_703 : i32 to vector<16xi32>
        %add3A_705 = arith.addi %add3A_198, %add3A_704 : vector<16xi32>
        tpu.vector_store_idx %arg5[%broadcast_in_dim3A_194, %broadcast_in_dim3A_195, %add3A_198, %add3A_705], %max3A_702 : memref<2x4x64x64xf32, #tpu.memory_space<vmem>>[vector<16xi32>, vector<16xi32>, vector<16xi32>, vector<16xi32>], vector<16xf32>,
        %get3A_706 = arith.index_cast %add3A_193 : i32 to index
        %get3A_707 = arith.constant 28 : index
        %get3A_708 = tpu.vector_load %arg6[%get3A_706, %get3A_707] {strides = array<i32>} : memref<256x64xf32, #tpu.memory_space<vmem>>, vector<16xf32>,
        %max3A_709 = arith.maximumf %max3A_665, %get3A_708 : vector<16xf32>
        %add3A_710 = arith.constant 12 : i32
        %add3A_711 = vector.broadcast %add3A_710 : i32 to vector<16xi32>
        %add3A_712 = arith.addi %add3A_201, %add3A_711 : vector<16xi32>
        tpu.vector_store_idx %arg5[%broadcast_in_dim3A_194, %broadcast_in_dim3A_195, %add3A_201, %add3A_712], %max3A_709 : memref<2x4x64x64xf32, #tpu.memory_space<vmem>>[vector<16xi32>, vector<16xi32>, vector<16xi32>, vector<16xi32>], vector<16xf32>,
        %get3A_713 = arith.index_cast %add3A_193 : i32 to index
        %get3A_714 = arith.constant 44 : index
        %get3A_715 = tpu.vector_load %arg6[%get3A_713, %get3A_714] {strides = array<i32>} : memref<256x64xf32, #tpu.memory_space<vmem>>, vector<16xf32>,
        %max3A_716 = arith.maximumf %max3A_672, %get3A_715 : vector<16xf32>
        %add3A_717 = arith.constant 12 : i32
        %add3A_718 = vector.broadcast %add3A_717 : i32 to vector<16xi32>
        %add3A_719 = arith.addi %add3A_204, %add3A_718 : vector<16xi32>
        tpu.vector_store_idx %arg5[%broadcast_in_dim3A_194, %broadcast_in_dim3A_195, %add3A_204, %add3A_719], %max3A_716 : memref<2x4x64x64xf32, #tpu.memory_space<vmem>>[vector<16xi32>, vector<16xi32>, vector<16xi32>, vector<16xi32>], vector<16xf32>,
        %le3A_720 = arith.constant 3 : i32
        %le3A_721 = vector.broadcast %le3A_720 : i32 to vector<16xi32>
        %le3A_722 = arith.cmpi sle, %iota3A, %le3A_721 : vector<16xi32>
        %add3A_723 = arith.constant 12 : i32
        %add3A_724 = vector.broadcast %add3A_723 : i32 to vector<16xi32>
        %add3A_725 = arith.addi %iota3A, %add3A_724 : vector<16xi32>
        %min3A_726 = arith.constant 15 : i32
        %min3A_727 = vector.broadcast %min3A_726 : i32 to vector<16xi32>
        %min3A_728 = arith.minsi %add3A_725, %min3A_727 : vector<16xi32>
        %lt3A_729 = arith.constant 0 : i32
        %lt3A_730 = vector.broadcast %lt3A_729 : i32 to vector<16xi32>
        %lt3A_731 = arith.cmpi slt, %min3A_728, %lt3A_730 : vector<16xi32>
        %add3A_732 = arith.constant 16 : i32
        %add3A_733 = vector.broadcast %add3A_732 : i32 to vector<16xi32>
        %add3A_734 = arith.addi %min3A_728, %add3A_733 : vector<16xi32>
        %select_n3A_735 = arith.select %lt3A_731, %add3A_734, %min3A_728 : vector<16xi1>, vector<16xi32>
        %broadcast_in_dim3A_736 = vector.shape_cast %select_n3A_735 : vector<16xi32> to vector<16x1xi32>
        %gather3A_737 = vector.shape_cast %broadcast_in_dim3A_736 : vector<16x1xi32> to vector<16xi32>
        %gather3A_738 = tpu.dynamic_gather %get3A_218[%gather3A_737] in [0] : vector<16xf32>, vector<16xi32> -> vector<16xf32>
        %max3A_739 = arith.maximumf %max3A_695, %gather3A_738 : vector<16xf32>
        %add3A_740 = arith.constant 12 : i32
        %add3A_741 = vector.broadcast %add3A_740 : i32 to vector<16xi32>
        %add3A_742 = arith.addi %add3A_207, %add3A_741 : vector<16xi32>
        tpu.vector_store_idx %arg5[%broadcast_in_dim3A_194, %broadcast_in_dim3A_195, %add3A_207, %add3A_742], %max3A_739 masked %le3A_722 : memref<2x4x64x64xf32, #tpu.memory_space<vmem>>[vector<16xi32>, vector<16xi32>, vector<16xi32>, vector<16xi32>], vector<16xf32>, vector<16xi1>
        %get3A_743 = arith.index_cast %add3A_193 : i32 to index
        %get3A_744 = arith.constant 13 : index
        %get3A_745 = tpu.vector_load %arg6[%get3A_743, %get3A_744] {strides = array<i32>} : memref<256x64xf32, #tpu.memory_space<vmem>>, vector<16xf32>,
        %max3A_746 = arith.maximumf %max3A_702, %get3A_745 : vector<16xf32>
        %add3A_747 = arith.constant 13 : i32
        %add3A_748 = vector.broadcast %add3A_747 : i32 to vector<16xi32>
        %add3A_749 = arith.addi %add3A_198, %add3A_748 : vector<16xi32>
        tpu.vector_store_idx %arg5[%broadcast_in_dim3A_194, %broadcast_in_dim3A_195, %add3A_198, %add3A_749], %max3A_746 : memref<2x4x64x64xf32, #tpu.memory_space<vmem>>[vector<16xi32>, vector<16xi32>, vector<16xi32>, vector<16xi32>], vector<16xf32>,
        %get3A_750 = arith.index_cast %add3A_193 : i32 to index
        %get3A_751 = arith.constant 29 : index
        %get3A_752 = tpu.vector_load %arg6[%get3A_750, %get3A_751] {strides = array<i32>} : memref<256x64xf32, #tpu.memory_space<vmem>>, vector<16xf32>,
        %max3A_753 = arith.maximumf %max3A_709, %get3A_752 : vector<16xf32>
        %add3A_754 = arith.constant 13 : i32
        %add3A_755 = vector.broadcast %add3A_754 : i32 to vector<16xi32>
        %add3A_756 = arith.addi %add3A_201, %add3A_755 : vector<16xi32>
        tpu.vector_store_idx %arg5[%broadcast_in_dim3A_194, %broadcast_in_dim3A_195, %add3A_201, %add3A_756], %max3A_753 : memref<2x4x64x64xf32, #tpu.memory_space<vmem>>[vector<16xi32>, vector<16xi32>, vector<16xi32>, vector<16xi32>], vector<16xf32>,
        %get3A_757 = arith.index_cast %add3A_193 : i32 to index
        %get3A_758 = arith.constant 45 : index
        %get3A_759 = tpu.vector_load %arg6[%get3A_757, %get3A_758] {strides = array<i32>} : memref<256x64xf32, #tpu.memory_space<vmem>>, vector<16xf32>,
        %max3A_760 = arith.maximumf %max3A_716, %get3A_759 : vector<16xf32>
        %add3A_761 = arith.constant 13 : i32
        %add3A_762 = vector.broadcast %add3A_761 : i32 to vector<16xi32>
        %add3A_763 = arith.addi %add3A_204, %add3A_762 : vector<16xi32>
        tpu.vector_store_idx %arg5[%broadcast_in_dim3A_194, %broadcast_in_dim3A_195, %add3A_204, %add3A_763], %max3A_760 : memref<2x4x64x64xf32, #tpu.memory_space<vmem>>[vector<16xi32>, vector<16xi32>, vector<16xi32>, vector<16xi32>], vector<16xf32>,
        %le3A_764 = arith.constant 2 : i32
        %le3A_765 = vector.broadcast %le3A_764 : i32 to vector<16xi32>
        %le3A_766 = arith.cmpi sle, %iota3A, %le3A_765 : vector<16xi32>
        %add3A_767 = arith.constant 13 : i32
        %add3A_768 = vector.broadcast %add3A_767 : i32 to vector<16xi32>
        %add3A_769 = arith.addi %iota3A, %add3A_768 : vector<16xi32>
        %min3A_770 = arith.constant 15 : i32
        %min3A_771 = vector.broadcast %min3A_770 : i32 to vector<16xi32>
        %min3A_772 = arith.minsi %add3A_769, %min3A_771 : vector<16xi32>
        %lt3A_773 = arith.constant 0 : i32
        %lt3A_774 = vector.broadcast %lt3A_773 : i32 to vector<16xi32>
        %lt3A_775 = arith.cmpi slt, %min3A_772, %lt3A_774 : vector<16xi32>
        %add3A_776 = arith.constant 16 : i32
        %add3A_777 = vector.broadcast %add3A_776 : i32 to vector<16xi32>
        %add3A_778 = arith.addi %min3A_772, %add3A_777 : vector<16xi32>
        %select_n3A_779 = arith.select %lt3A_775, %add3A_778, %min3A_772 : vector<16xi1>, vector<16xi32>
        %broadcast_in_dim3A_780 = vector.shape_cast %select_n3A_779 : vector<16xi32> to vector<16x1xi32>
        %gather3A_781 = vector.shape_cast %broadcast_in_dim3A_780 : vector<16x1xi32> to vector<16xi32>
        %gather3A_782 = tpu.dynamic_gather %get3A_218[%gather3A_781] in [0] : vector<16xf32>, vector<16xi32> -> vector<16xf32>
        %max3A_783 = arith.maximumf %max3A_739, %gather3A_782 : vector<16xf32>
        %add3A_784 = arith.constant 13 : i32
        %add3A_785 = vector.broadcast %add3A_784 : i32 to vector<16xi32>
        %add3A_786 = arith.addi %add3A_207, %add3A_785 : vector<16xi32>
        tpu.vector_store_idx %arg5[%broadcast_in_dim3A_194, %broadcast_in_dim3A_195, %add3A_207, %add3A_786], %max3A_783 masked %le3A_766 : memref<2x4x64x64xf32, #tpu.memory_space<vmem>>[vector<16xi32>, vector<16xi32>, vector<16xi32>, vector<16xi32>], vector<16xf32>, vector<16xi1>
        %get3A_787 = arith.index_cast %add3A_193 : i32 to index
        %get3A_788 = arith.constant 14 : index
        %get3A_789 = tpu.vector_load %arg6[%get3A_787, %get3A_788] {strides = array<i32>} : memref<256x64xf32, #tpu.memory_space<vmem>>, vector<16xf32>,
        %max3A_790 = arith.maximumf %max3A_746, %get3A_789 : vector<16xf32>
        %add3A_791 = arith.constant 14 : i32
        %add3A_792 = vector.broadcast %add3A_791 : i32 to vector<16xi32>
        %add3A_793 = arith.addi %add3A_198, %add3A_792 : vector<16xi32>
        tpu.vector_store_idx %arg5[%broadcast_in_dim3A_194, %broadcast_in_dim3A_195, %add3A_198, %add3A_793], %max3A_790 : memref<2x4x64x64xf32, #tpu.memory_space<vmem>>[vector<16xi32>, vector<16xi32>, vector<16xi32>, vector<16xi32>], vector<16xf32>,
        %get3A_794 = arith.index_cast %add3A_193 : i32 to index
        %get3A_795 = arith.constant 30 : index
        %get3A_796 = tpu.vector_load %arg6[%get3A_794, %get3A_795] {strides = array<i32>} : memref<256x64xf32, #tpu.memory_space<vmem>>, vector<16xf32>,
        %max3A_797 = arith.maximumf %max3A_753, %get3A_796 : vector<16xf32>
        %add3A_798 = arith.constant 14 : i32
        %add3A_799 = vector.broadcast %add3A_798 : i32 to vector<16xi32>
        %add3A_800 = arith.addi %add3A_201, %add3A_799 : vector<16xi32>
        tpu.vector_store_idx %arg5[%broadcast_in_dim3A_194, %broadcast_in_dim3A_195, %add3A_201, %add3A_800], %max3A_797 : memref<2x4x64x64xf32, #tpu.memory_space<vmem>>[vector<16xi32>, vector<16xi32>, vector<16xi32>, vector<16xi32>], vector<16xf32>,
        %get3A_801 = arith.index_cast %add3A_193 : i32 to index
        %get3A_802 = arith.constant 46 : index
        %get3A_803 = tpu.vector_load %arg6[%get3A_801, %get3A_802] {strides = array<i32>} : memref<256x64xf32, #tpu.memory_space<vmem>>, vector<16xf32>,
        %max3A_804 = arith.maximumf %max3A_760, %get3A_803 : vector<16xf32>
        %add3A_805 = arith.constant 14 : i32
        %add3A_806 = vector.broadcast %add3A_805 : i32 to vector<16xi32>
        %add3A_807 = arith.addi %add3A_204, %add3A_806 : vector<16xi32>
        tpu.vector_store_idx %arg5[%broadcast_in_dim3A_194, %broadcast_in_dim3A_195, %add3A_204, %add3A_807], %max3A_804 : memref<2x4x64x64xf32, #tpu.memory_space<vmem>>[vector<16xi32>, vector<16xi32>, vector<16xi32>, vector<16xi32>], vector<16xf32>,
        %le3A_808 = arith.constant 1 : i32
        %le3A_809 = vector.broadcast %le3A_808 : i32 to vector<16xi32>
        %le3A_810 = arith.cmpi sle, %iota3A, %le3A_809 : vector<16xi32>
        %add3A_811 = arith.constant 14 : i32
        %add3A_812 = vector.broadcast %add3A_811 : i32 to vector<16xi32>
        %add3A_813 = arith.addi %iota3A, %add3A_812 : vector<16xi32>
        %min3A_814 = arith.constant 15 : i32
        %min3A_815 = vector.broadcast %min3A_814 : i32 to vector<16xi32>
        %min3A_816 = arith.minsi %add3A_813, %min3A_815 : vector<16xi32>
        %lt3A_817 = arith.constant 0 : i32
        %lt3A_818 = vector.broadcast %lt3A_817 : i32 to vector<16xi32>
        %lt3A_819 = arith.cmpi slt, %min3A_816, %lt3A_818 : vector<16xi32>
        %add3A_820 = arith.constant 16 : i32
        %add3A_821 = vector.broadcast %add3A_820 : i32 to vector<16xi32>
        %add3A_822 = arith.addi %min3A_816, %add3A_821 : vector<16xi32>
        %select_n3A_823 = arith.select %lt3A_819, %add3A_822, %min3A_816 : vector<16xi1>, vector<16xi32>
        %broadcast_in_dim3A_824 = vector.shape_cast %select_n3A_823 : vector<16xi32> to vector<16x1xi32>
        %gather3A_825 = vector.shape_cast %broadcast_in_dim3A_824 : vector<16x1xi32> to vector<16xi32>
        %gather3A_826 = tpu.dynamic_gather %get3A_218[%gather3A_825] in [0] : vector<16xf32>, vector<16xi32> -> vector<16xf32>
        %max3A_827 = arith.maximumf %max3A_783, %gather3A_826 : vector<16xf32>
        %add3A_828 = arith.constant 14 : i32
        %add3A_829 = vector.broadcast %add3A_828 : i32 to vector<16xi32>
        %add3A_830 = arith.addi %add3A_207, %add3A_829 : vector<16xi32>
        tpu.vector_store_idx %arg5[%broadcast_in_dim3A_194, %broadcast_in_dim3A_195, %add3A_207, %add3A_830], %max3A_827 masked %le3A_810 : memref<2x4x64x64xf32, #tpu.memory_space<vmem>>[vector<16xi32>, vector<16xi32>, vector<16xi32>, vector<16xi32>], vector<16xf32>, vector<16xi1>
        %get3A_831 = arith.index_cast %add3A_193 : i32 to index
        %get3A_832 = arith.constant 15 : index
        %get3A_833 = tpu.vector_load %arg6[%get3A_831, %get3A_832] {strides = array<i32>} : memref<256x64xf32, #tpu.memory_space<vmem>>, vector<16xf32>,
        %max3A_834 = arith.maximumf %max3A_790, %get3A_833 : vector<16xf32>
        %add3A_835 = arith.constant 15 : i32
        %add3A_836 = vector.broadcast %add3A_835 : i32 to vector<16xi32>
        %add3A_837 = arith.addi %add3A_198, %add3A_836 : vector<16xi32>
        tpu.vector_store_idx %arg5[%broadcast_in_dim3A_194, %broadcast_in_dim3A_195, %add3A_198, %add3A_837], %max3A_834 : memref<2x4x64x64xf32, #tpu.memory_space<vmem>>[vector<16xi32>, vector<16xi32>, vector<16xi32>, vector<16xi32>], vector<16xf32>,
        %get3A_838 = arith.index_cast %add3A_193 : i32 to index
        %get3A_839 = arith.constant 31 : index
        %get3A_840 = tpu.vector_load %arg6[%get3A_838, %get3A_839] {strides = array<i32>} : memref<256x64xf32, #tpu.memory_space<vmem>>, vector<16xf32>,
        %max3A_841 = arith.maximumf %max3A_797, %get3A_840 : vector<16xf32>
        %add3A_842 = arith.constant 15 : i32
        %add3A_843 = vector.broadcast %add3A_842 : i32 to vector<16xi32>
        %add3A_844 = arith.addi %add3A_201, %add3A_843 : vector<16xi32>
        tpu.vector_store_idx %arg5[%broadcast_in_dim3A_194, %broadcast_in_dim3A_195, %add3A_201, %add3A_844], %max3A_841 : memref<2x4x64x64xf32, #tpu.memory_space<vmem>>[vector<16xi32>, vector<16xi32>, vector<16xi32>, vector<16xi32>], vector<16xf32>,
        %get3A_845 = arith.index_cast %add3A_193 : i32 to index
        %get3A_846 = arith.constant 47 : index
        %get3A_847 = tpu.vector_load %arg6[%get3A_845, %get3A_846] {strides = array<i32>} : memref<256x64xf32, #tpu.memory_space<vmem>>, vector<16xf32>,
        %max3A_848 = arith.maximumf %max3A_804, %get3A_847 : vector<16xf32>
        %add3A_849 = arith.constant 15 : i32
        %add3A_850 = vector.broadcast %add3A_849 : i32 to vector<16xi32>
        %add3A_851 = arith.addi %add3A_204, %add3A_850 : vector<16xi32>
        tpu.vector_store_idx %arg5[%broadcast_in_dim3A_194, %broadcast_in_dim3A_195, %add3A_204, %add3A_851], %max3A_848 : memref<2x4x64x64xf32, #tpu.memory_space<vmem>>[vector<16xi32>, vector<16xi32>, vector<16xi32>, vector<16xi32>], vector<16xf32>,
        %le3A_852 = arith.constant 0 : i32
        %le3A_853 = vector.broadcast %le3A_852 : i32 to vector<16xi32>
        %le3A_854 = arith.cmpi sle, %iota3A, %le3A_853 : vector<16xi32>
        %add3A_855 = arith.constant 15 : i32
        %add3A_856 = vector.broadcast %add3A_855 : i32 to vector<16xi32>
        %add3A_857 = arith.addi %iota3A, %add3A_856 : vector<16xi32>
        %min3A_858 = arith.constant 15 : i32
        %min3A_859 = vector.broadcast %min3A_858 : i32 to vector<16xi32>
        %min3A_860 = arith.minsi %add3A_857, %min3A_859 : vector<16xi32>
        %lt3A_861 = arith.constant 0 : i32
        %lt3A_862 = vector.broadcast %lt3A_861 : i32 to vector<16xi32>
        %lt3A_863 = arith.cmpi slt, %min3A_860, %lt3A_862 : vector<16xi32>
        %add3A_864 = arith.constant 16 : i32
        %add3A_865 = vector.broadcast %add3A_864 : i32 to vector<16xi32>
        %add3A_866 = arith.addi %min3A_860, %add3A_865 : vector<16xi32>
        %select_n3A_867 = arith.select %lt3A_863, %add3A_866, %min3A_860 : vector<16xi1>, vector<16xi32>
        %broadcast_in_dim3A_868 = vector.shape_cast %select_n3A_867 : vector<16xi32> to vector<16x1xi32>
        %gather3A_869 = vector.shape_cast %broadcast_in_dim3A_868 : vector<16x1xi32> to vector<16xi32>
        %gather3A_870 = tpu.dynamic_gather %get3A_218[%gather3A_869] in [0] : vector<16xf32>, vector<16xi32> -> vector<16xf32>
        %max3A_871 = arith.maximumf %max3A_827, %gather3A_870 : vector<16xf32>
        %add3A_872 = arith.constant 15 : i32
        %add3A_873 = vector.broadcast %add3A_872 : i32 to vector<16xi32>
        %add3A_874 = arith.addi %add3A_207, %add3A_873 : vector<16xi32>
        tpu.vector_store_idx %arg5[%broadcast_in_dim3A_194, %broadcast_in_dim3A_195, %add3A_207, %add3A_874], %max3A_871 masked %le3A_854 : memref<2x4x64x64xf32, #tpu.memory_space<vmem>>[vector<16xi32>, vector<16xi32>, vector<16xi32>, vector<16xi32>], vector<16xf32>, vector<16xi1>
        %mul3A_875 = arith.constant 2 : i32
        %mul3A_876 = vector.broadcast %mul3A_875 : i32 to vector<16xi32>
        %mul3A_877 = arith.muli %mul3A_876, %iota3A : vector<16xi32>
        %mul3A_878 = arith.constant 2 : i32
        %mul3A_879 = vector.broadcast %mul3A_878 : i32 to vector<16xi32>
        %mul3A_880 = arith.muli %mul3A_879, %iota3A : vector<16xi32>
        %add3A_881 = arith.constant 32 : i32
        %add3A_882 = vector.broadcast %add3A_881 : i32 to vector<16xi32>
        %add3A_883 = arith.addi %mul3A_880, %add3A_882 : vector<16xi32>
        %add3A_884 = arith.constant 15 : i32
        %add3A_885 = vector.broadcast %add3A_884 : i32 to vector<16xi32>
        %add3A_886 = arith.addi %mul3A_877, %add3A_885 : vector<16xi32>
        %gather3A_887 = tpu.vector_load_idx %arg5[%broadcast_in_dim3A_194, %broadcast_in_dim3A_195, %mul3A_877, %add3A_886] : memref<2x4x64x64xf32, #tpu.memory_space<vmem>>[vector<16xi32>, vector<16xi32>, vector<16xi32>, vector<16xi32>], vector<16xf32>,
        %add3A_888 = arith.constant 1 : i32
        %add3A_889 = vector.broadcast %add3A_888 : i32 to vector<16xi32>
        %add3A_890 = arith.addi %mul3A_877, %add3A_889 : vector<16xi32>
        %add3A_891 = arith.constant 16 : i32
        %add3A_892 = vector.broadcast %add3A_891 : i32 to vector<16xi32>
        %add3A_893 = arith.addi %mul3A_877, %add3A_892 : vector<16xi32>
        %gather3A_894 = tpu.vector_load_idx %arg5[%broadcast_in_dim3A_194, %broadcast_in_dim3A_195, %add3A_890, %add3A_893] : memref<2x4x64x64xf32, #tpu.memory_space<vmem>>[vector<16xi32>, vector<16xi32>, vector<16xi32>, vector<16xi32>], vector<16xf32>,
        %add3A_895 = arith.constant 2 : i32
        %add3A_896 = vector.broadcast %add3A_895 : i32 to vector<16xi32>
        %add3A_897 = arith.addi %mul3A_877, %add3A_896 : vector<16xi32>
        %add3A_898 = arith.constant 17 : i32
        %add3A_899 = vector.broadcast %add3A_898 : i32 to vector<16xi32>
        %add3A_900 = arith.addi %mul3A_877, %add3A_899 : vector<16xi32>
        %gather3A_901 = tpu.vector_load_idx %arg5[%broadcast_in_dim3A_194, %broadcast_in_dim3A_195, %add3A_897, %add3A_900] : memref<2x4x64x64xf32, #tpu.memory_space<vmem>>[vector<16xi32>, vector<16xi32>, vector<16xi32>, vector<16xi32>], vector<16xf32>,
        %max3A_902 = arith.maximumf %gather3A_887, %gather3A_894 : vector<16xf32>
        %max3A_903 = arith.maximumf %max3A_902, %gather3A_901 : vector<16xf32>
        %add3A_904 = arith.constant 17 : i32
        %add3A_905 = vector.broadcast %add3A_904 : i32 to vector<16xi32>
        %add3A_906 = arith.addi %mul3A_877, %add3A_905 : vector<16xi32>
        tpu.vector_store_idx %arg5[%broadcast_in_dim3A_194, %broadcast_in_dim3A_195, %mul3A_877, %add3A_906], %max3A_903 : memref<2x4x64x64xf32, #tpu.memory_space<vmem>>[vector<16xi32>, vector<16xi32>, vector<16xi32>, vector<16xi32>], vector<16xf32>,
        %le3A_907 = arith.constant 7 : i32
        %le3A_908 = vector.broadcast %le3A_907 : i32 to vector<16xi32>
        %le3A_909 = arith.cmpi sle, %iota3A, %le3A_908 : vector<16xi32>
        %add3A_910 = arith.constant 15 : i32
        %add3A_911 = vector.broadcast %add3A_910 : i32 to vector<16xi32>
        %add3A_912 = arith.addi %add3A_883, %add3A_911 : vector<16xi32>
        %gather3A_913 = tpu.vector_load_idx %arg5[%broadcast_in_dim3A_194, %broadcast_in_dim3A_195, %add3A_883, %add3A_912] masked %le3A_909 : memref<2x4x64x64xf32, #tpu.memory_space<vmem>>[vector<16xi32>, vector<16xi32>, vector<16xi32>, vector<16xi32>], vector<16xf32>, vector<16xi1>
        %add3A_914 = arith.constant 1 : i32
        %add3A_915 = vector.broadcast %add3A_914 : i32 to vector<16xi32>
        %add3A_916 = arith.addi %add3A_883, %add3A_915 : vector<16xi32>
        %add3A_917 = arith.constant 16 : i32
        %add3A_918 = vector.broadcast %add3A_917 : i32 to vector<16xi32>
        %add3A_919 = arith.addi %add3A_883, %add3A_918 : vector<16xi32>
        %gather3A_920 = tpu.vector_load_idx %arg5[%broadcast_in_dim3A_194, %broadcast_in_dim3A_195, %add3A_916, %add3A_919] masked %le3A_909 : memref<2x4x64x64xf32, #tpu.memory_space<vmem>>[vector<16xi32>, vector<16xi32>, vector<16xi32>, vector<16xi32>], vector<16xf32>, vector<16xi1>
        %add3A_921 = arith.constant 2 : i32
        %add3A_922 = vector.broadcast %add3A_921 : i32 to vector<16xi32>
        %add3A_923 = arith.addi %add3A_883, %add3A_922 : vector<16xi32>
        %add3A_924 = arith.constant 17 : i32
        %add3A_925 = vector.broadcast %add3A_924 : i32 to vector<16xi32>
        %add3A_926 = arith.addi %add3A_883, %add3A_925 : vector<16xi32>
        %gather3A_927 = tpu.vector_load_idx %arg5[%broadcast_in_dim3A_194, %broadcast_in_dim3A_195, %add3A_923, %add3A_926] masked %le3A_909 : memref<2x4x64x64xf32, #tpu.memory_space<vmem>>[vector<16xi32>, vector<16xi32>, vector<16xi32>, vector<16xi32>], vector<16xf32>, vector<16xi1>
        %max3A_928 = arith.maximumf %gather3A_913, %gather3A_920 : vector<16xf32>
        %max3A_929 = arith.maximumf %max3A_928, %gather3A_927 : vector<16xf32>
        %add3A_930 = arith.constant 17 : i32
        %add3A_931 = vector.broadcast %add3A_930 : i32 to vector<16xi32>
        %add3A_932 = arith.addi %add3A_883, %add3A_931 : vector<16xi32>
        tpu.vector_store_idx %arg5[%broadcast_in_dim3A_194, %broadcast_in_dim3A_195, %add3A_883, %add3A_932], %max3A_929 masked %le3A_909 : memref<2x4x64x64xf32, #tpu.memory_space<vmem>>[vector<16xi32>, vector<16xi32>, vector<16xi32>, vector<16xi32>], vector<16xf32>, vector<16xi1>
        %add3A_933 = arith.constant 2 : i32
        %add3A_934 = vector.broadcast %add3A_933 : i32 to vector<16xi32>
        %add3A_935 = arith.addi %mul3A_877, %add3A_934 : vector<16xi32>
        %add3A_936 = arith.constant 19 : i32
        %add3A_937 = vector.broadcast %add3A_936 : i32 to vector<16xi32>
        %add3A_938 = arith.addi %mul3A_877, %add3A_937 : vector<16xi32>
        %gather3A_939 = tpu.vector_load_idx %arg5[%broadcast_in_dim3A_194, %broadcast_in_dim3A_195, %add3A_935, %add3A_938] : memref<2x4x64x64xf32, #tpu.memory_space<vmem>>[vector<16xi32>, vector<16xi32>, vector<16xi32>, vector<16xi32>], vector<16xf32>,
        %max3A_940 = arith.maximumf %max3A_903, %gather3A_939 : vector<16xf32>
        %add3A_941 = arith.constant 19 : i32
        %add3A_942 = vector.broadcast %add3A_941 : i32 to vector<16xi32>
        %add3A_943 = arith.addi %mul3A_877, %add3A_942 : vector<16xi32>
        tpu.vector_store_idx %arg5[%broadcast_in_dim3A_194, %broadcast_in_dim3A_195, %mul3A_877, %add3A_943], %max3A_940 : memref<2x4x64x64xf32, #tpu.memory_space<vmem>>[vector<16xi32>, vector<16xi32>, vector<16xi32>, vector<16xi32>], vector<16xf32>,
        %le3A_944 = arith.constant 6 : i32
        %le3A_945 = vector.broadcast %le3A_944 : i32 to vector<16xi32>
        %le3A_946 = arith.cmpi sle, %iota3A, %le3A_945 : vector<16xi32>
        %add3A_947 = arith.constant 2 : i32
        %add3A_948 = vector.broadcast %add3A_947 : i32 to vector<16xi32>
        %add3A_949 = arith.addi %add3A_883, %add3A_948 : vector<16xi32>
        %add3A_950 = arith.constant 19 : i32
        %add3A_951 = vector.broadcast %add3A_950 : i32 to vector<16xi32>
        %add3A_952 = arith.addi %add3A_883, %add3A_951 : vector<16xi32>
        %gather3A_953 = tpu.vector_load_idx %arg5[%broadcast_in_dim3A_194, %broadcast_in_dim3A_195, %add3A_949, %add3A_952] masked %le3A_946 : memref<2x4x64x64xf32, #tpu.memory_space<vmem>>[vector<16xi32>, vector<16xi32>, vector<16xi32>, vector<16xi32>], vector<16xf32>, vector<16xi1>
        %max3A_954 = arith.maximumf %max3A_929, %gather3A_953 : vector<16xf32>
        %add3A_955 = arith.constant 19 : i32
        %add3A_956 = vector.broadcast %add3A_955 : i32 to vector<16xi32>
        %add3A_957 = arith.addi %add3A_883, %add3A_956 : vector<16xi32>
        tpu.vector_store_idx %arg5[%broadcast_in_dim3A_194, %broadcast_in_dim3A_195, %add3A_883, %add3A_957], %max3A_954 masked %le3A_946 : memref<2x4x64x64xf32, #tpu.memory_space<vmem>>[vector<16xi32>, vector<16xi32>, vector<16xi32>, vector<16xi32>], vector<16xf32>, vector<16xi1>
        %add3A_958 = arith.constant 2 : i32
        %add3A_959 = vector.broadcast %add3A_958 : i32 to vector<16xi32>
        %add3A_960 = arith.addi %mul3A_877, %add3A_959 : vector<16xi32>
        %add3A_961 = arith.constant 21 : i32
        %add3A_962 = vector.broadcast %add3A_961 : i32 to vector<16xi32>
        %add3A_963 = arith.addi %mul3A_877, %add3A_962 : vector<16xi32>
        %gather3A_964 = tpu.vector_load_idx %arg5[%broadcast_in_dim3A_194, %broadcast_in_dim3A_195, %add3A_960, %add3A_963] : memref<2x4x64x64xf32, #tpu.memory_space<vmem>>[vector<16xi32>, vector<16xi32>, vector<16xi32>, vector<16xi32>], vector<16xf32>,
        %max3A_965 = arith.maximumf %max3A_940, %gather3A_964 : vector<16xf32>
        %add3A_966 = arith.constant 21 : i32
        %add3A_967 = vector.broadcast %add3A_966 : i32 to vector<16xi32>
        %add3A_968 = arith.addi %mul3A_877, %add3A_967 : vector<16xi32>
        tpu.vector_store_idx %arg5[%broadcast_in_dim3A_194, %broadcast_in_dim3A_195, %mul3A_877, %add3A_968], %max3A_965 : memref<2x4x64x64xf32, #tpu.memory_space<vmem>>[vector<16xi32>, vector<16xi32>, vector<16xi32>, vector<16xi32>], vector<16xf32>,
        %le3A_969 = arith.constant 5 : i32
        %le3A_970 = vector.broadcast %le3A_969 : i32 to vector<16xi32>
        %le3A_971 = arith.cmpi sle, %iota3A, %le3A_970 : vector<16xi32>
        %add3A_972 = arith.constant 2 : i32
        %add3A_973 = vector.broadcast %add3A_972 : i32 to vector<16xi32>
        %add3A_974 = arith.addi %add3A_883, %add3A_973 : vector<16xi32>
        %add3A_975 = arith.constant 21 : i32
        %add3A_976 = vector.broadcast %add3A_975 : i32 to vector<16xi32>
        %add3A_977 = arith.addi %add3A_883, %add3A_976 : vector<16xi32>
        %gather3A_978 = tpu.vector_load_idx %arg5[%broadcast_in_dim3A_194, %broadcast_in_dim3A_195, %add3A_974, %add3A_977] masked %le3A_971 : memref<2x4x64x64xf32, #tpu.memory_space<vmem>>[vector<16xi32>, vector<16xi32>, vector<16xi32>, vector<16xi32>], vector<16xf32>, vector<16xi1>
        %max3A_979 = arith.maximumf %max3A_954, %gather3A_978 : vector<16xf32>
        %add3A_980 = arith.constant 21 : i32
        %add3A_981 = vector.broadcast %add3A_980 : i32 to vector<16xi32>
        %add3A_982 = arith.addi %add3A_883, %add3A_981 : vector<16xi32>
        tpu.vector_store_idx %arg5[%broadcast_in_dim3A_194, %broadcast_in_dim3A_195, %add3A_883, %add3A_982], %max3A_979 masked %le3A_971 : memref<2x4x64x64xf32, #tpu.memory_space<vmem>>[vector<16xi32>, vector<16xi32>, vector<16xi32>, vector<16xi32>], vector<16xf32>, vector<16xi1>
        %add3A_983 = arith.constant 2 : i32
        %add3A_984 = vector.broadcast %add3A_983 : i32 to vector<16xi32>
        %add3A_985 = arith.addi %mul3A_877, %add3A_984 : vector<16xi32>
        %add3A_986 = arith.constant 23 : i32
        %add3A_987 = vector.broadcast %add3A_986 : i32 to vector<16xi32>
        %add3A_988 = arith.addi %mul3A_877, %add3A_987 : vector<16xi32>
        %gather3A_989 = tpu.vector_load_idx %arg5[%broadcast_in_dim3A_194, %broadcast_in_dim3A_195, %add3A_985, %add3A_988] : memref<2x4x64x64xf32, #tpu.memory_space<vmem>>[vector<16xi32>, vector<16xi32>, vector<16xi32>, vector<16xi32>], vector<16xf32>,
        %max3A_990 = arith.maximumf %max3A_965, %gather3A_989 : vector<16xf32>
        %add3A_991 = arith.constant 23 : i32
        %add3A_992 = vector.broadcast %add3A_991 : i32 to vector<16xi32>
        %add3A_993 = arith.addi %mul3A_877, %add3A_992 : vector<16xi32>
        tpu.vector_store_idx %arg5[%broadcast_in_dim3A_194, %broadcast_in_dim3A_195, %mul3A_877, %add3A_993], %max3A_990 : memref<2x4x64x64xf32, #tpu.memory_space<vmem>>[vector<16xi32>, vector<16xi32>, vector<16xi32>, vector<16xi32>], vector<16xf32>,
        %le3A_994 = arith.constant 4 : i32
        %le3A_995 = vector.broadcast %le3A_994 : i32 to vector<16xi32>
        %le3A_996 = arith.cmpi sle, %iota3A, %le3A_995 : vector<16xi32>
        %add3A_997 = arith.constant 2 : i32
        %add3A_998 = vector.broadcast %add3A_997 : i32 to vector<16xi32>
        %add3A_999 = arith.addi %add3A_883, %add3A_998 : vector<16xi32>
        %add3A_1000 = arith.constant 23 : i32
        %add3A_1001 = vector.broadcast %add3A_1000 : i32 to vector<16xi32>
        %add3A_1002 = arith.addi %add3A_883, %add3A_1001 : vector<16xi32>
        %gather3A_1003 = tpu.vector_load_idx %arg5[%broadcast_in_dim3A_194, %broadcast_in_dim3A_195, %add3A_999, %add3A_1002] masked %le3A_996 : memref<2x4x64x64xf32, #tpu.memory_space<vmem>>[vector<16xi32>, vector<16xi32>, vector<16xi32>, vector<16xi32>], vector<16xf32>, vector<16xi1>
        %max3A_1004 = arith.maximumf %max3A_979, %gather3A_1003 : vector<16xf32>
        %add3A_1005 = arith.constant 23 : i32
        %add3A_1006 = vector.broadcast %add3A_1005 : i32 to vector<16xi32>
        %add3A_1007 = arith.addi %add3A_883, %add3A_1006 : vector<16xi32>
        tpu.vector_store_idx %arg5[%broadcast_in_dim3A_194, %broadcast_in_dim3A_195, %add3A_883, %add3A_1007], %max3A_1004 masked %le3A_996 : memref<2x4x64x64xf32, #tpu.memory_space<vmem>>[vector<16xi32>, vector<16xi32>, vector<16xi32>, vector<16xi32>], vector<16xf32>, vector<16xi1>
        %add3A_1008 = arith.constant 2 : i32
        %add3A_1009 = vector.broadcast %add3A_1008 : i32 to vector<16xi32>
        %add3A_1010 = arith.addi %mul3A_877, %add3A_1009 : vector<16xi32>
        %add3A_1011 = arith.constant 25 : i32
        %add3A_1012 = vector.broadcast %add3A_1011 : i32 to vector<16xi32>
        %add3A_1013 = arith.addi %mul3A_877, %add3A_1012 : vector<16xi32>
        %gather3A_1014 = tpu.vector_load_idx %arg5[%broadcast_in_dim3A_194, %broadcast_in_dim3A_195, %add3A_1010, %add3A_1013] : memref<2x4x64x64xf32, #tpu.memory_space<vmem>>[vector<16xi32>, vector<16xi32>, vector<16xi32>, vector<16xi32>], vector<16xf32>,
        %max3A_1015 = arith.maximumf %max3A_990, %gather3A_1014 : vector<16xf32>
        %add3A_1016 = arith.constant 25 : i32
        %add3A_1017 = vector.broadcast %add3A_1016 : i32 to vector<16xi32>
        %add3A_1018 = arith.addi %mul3A_877, %add3A_1017 : vector<16xi32>
        tpu.vector_store_idx %arg5[%broadcast_in_dim3A_194, %broadcast_in_dim3A_195, %mul3A_877, %add3A_1018], %max3A_1015 : memref<2x4x64x64xf32, #tpu.memory_space<vmem>>[vector<16xi32>, vector<16xi32>, vector<16xi32>, vector<16xi32>], vector<16xf32>,
        %le3A_1019 = arith.constant 3 : i32
        %le3A_1020 = vector.broadcast %le3A_1019 : i32 to vector<16xi32>
        %le3A_1021 = arith.cmpi sle, %iota3A, %le3A_1020 : vector<16xi32>
        %add3A_1022 = arith.constant 2 : i32
        %add3A_1023 = vector.broadcast %add3A_1022 : i32 to vector<16xi32>
        %add3A_1024 = arith.addi %add3A_883, %add3A_1023 : vector<16xi32>
        %add3A_1025 = arith.constant 25 : i32
        %add3A_1026 = vector.broadcast %add3A_1025 : i32 to vector<16xi32>
        %add3A_1027 = arith.addi %add3A_883, %add3A_1026 : vector<16xi32>
        %gather3A_1028 = tpu.vector_load_idx %arg5[%broadcast_in_dim3A_194, %broadcast_in_dim3A_195, %add3A_1024, %add3A_1027] masked %le3A_1021 : memref<2x4x64x64xf32, #tpu.memory_space<vmem>>[vector<16xi32>, vector<16xi32>, vector<16xi32>, vector<16xi32>], vector<16xf32>, vector<16xi1>
        %max3A_1029 = arith.maximumf %max3A_1004, %gather3A_1028 : vector<16xf32>
        %add3A_1030 = arith.constant 25 : i32
        %add3A_1031 = vector.broadcast %add3A_1030 : i32 to vector<16xi32>
        %add3A_1032 = arith.addi %add3A_883, %add3A_1031 : vector<16xi32>
        tpu.vector_store_idx %arg5[%broadcast_in_dim3A_194, %broadcast_in_dim3A_195, %add3A_883, %add3A_1032], %max3A_1029 masked %le3A_1021 : memref<2x4x64x64xf32, #tpu.memory_space<vmem>>[vector<16xi32>, vector<16xi32>, vector<16xi32>, vector<16xi32>], vector<16xf32>, vector<16xi1>
        %add3A_1033 = arith.constant 2 : i32
        %add3A_1034 = vector.broadcast %add3A_1033 : i32 to vector<16xi32>
        %add3A_1035 = arith.addi %mul3A_877, %add3A_1034 : vector<16xi32>
        %add3A_1036 = arith.constant 27 : i32
        %add3A_1037 = vector.broadcast %add3A_1036 : i32 to vector<16xi32>
        %add3A_1038 = arith.addi %mul3A_877, %add3A_1037 : vector<16xi32>
        %gather3A_1039 = tpu.vector_load_idx %arg5[%broadcast_in_dim3A_194, %broadcast_in_dim3A_195, %add3A_1035, %add3A_1038] : memref<2x4x64x64xf32, #tpu.memory_space<vmem>>[vector<16xi32>, vector<16xi32>, vector<16xi32>, vector<16xi32>], vector<16xf32>,
        %max3A_1040 = arith.maximumf %max3A_1015, %gather3A_1039 : vector<16xf32>
        %add3A_1041 = arith.constant 27 : i32
        %add3A_1042 = vector.broadcast %add3A_1041 : i32 to vector<16xi32>
        %add3A_1043 = arith.addi %mul3A_877, %add3A_1042 : vector<16xi32>
        tpu.vector_store_idx %arg5[%broadcast_in_dim3A_194, %broadcast_in_dim3A_195, %mul3A_877, %add3A_1043], %max3A_1040 : memref<2x4x64x64xf32, #tpu.memory_space<vmem>>[vector<16xi32>, vector<16xi32>, vector<16xi32>, vector<16xi32>], vector<16xf32>,
        %le3A_1044 = arith.constant 2 : i32
        %le3A_1045 = vector.broadcast %le3A_1044 : i32 to vector<16xi32>
        %le3A_1046 = arith.cmpi sle, %iota3A, %le3A_1045 : vector<16xi32>
        %add3A_1047 = arith.constant 2 : i32
        %add3A_1048 = vector.broadcast %add3A_1047 : i32 to vector<16xi32>
        %add3A_1049 = arith.addi %add3A_883, %add3A_1048 : vector<16xi32>
        %add3A_1050 = arith.constant 27 : i32
        %add3A_1051 = vector.broadcast %add3A_1050 : i32 to vector<16xi32>
        %add3A_1052 = arith.addi %add3A_883, %add3A_1051 : vector<16xi32>
        %gather3A_1053 = tpu.vector_load_idx %arg5[%broadcast_in_dim3A_194, %broadcast_in_dim3A_195, %add3A_1049, %add3A_1052] masked %le3A_1046 : memref<2x4x64x64xf32, #tpu.memory_space<vmem>>[vector<16xi32>, vector<16xi32>, vector<16xi32>, vector<16xi32>], vector<16xf32>, vector<16xi1>
        %max3A_1054 = arith.maximumf %max3A_1029, %gather3A_1053 : vector<16xf32>
        %add3A_1055 = arith.constant 27 : i32
        %add3A_1056 = vector.broadcast %add3A_1055 : i32 to vector<16xi32>
        %add3A_1057 = arith.addi %add3A_883, %add3A_1056 : vector<16xi32>
        tpu.vector_store_idx %arg5[%broadcast_in_dim3A_194, %broadcast_in_dim3A_195, %add3A_883, %add3A_1057], %max3A_1054 masked %le3A_1046 : memref<2x4x64x64xf32, #tpu.memory_space<vmem>>[vector<16xi32>, vector<16xi32>, vector<16xi32>, vector<16xi32>], vector<16xf32>, vector<16xi1>
        %add3A_1058 = arith.constant 2 : i32
        %add3A_1059 = vector.broadcast %add3A_1058 : i32 to vector<16xi32>
        %add3A_1060 = arith.addi %mul3A_877, %add3A_1059 : vector<16xi32>
        %add3A_1061 = arith.constant 29 : i32
        %add3A_1062 = vector.broadcast %add3A_1061 : i32 to vector<16xi32>
        %add3A_1063 = arith.addi %mul3A_877, %add3A_1062 : vector<16xi32>
        %gather3A_1064 = tpu.vector_load_idx %arg5[%broadcast_in_dim3A_194, %broadcast_in_dim3A_195, %add3A_1060, %add3A_1063] : memref<2x4x64x64xf32, #tpu.memory_space<vmem>>[vector<16xi32>, vector<16xi32>, vector<16xi32>, vector<16xi32>], vector<16xf32>,
        %max3A_1065 = arith.maximumf %max3A_1040, %gather3A_1064 : vector<16xf32>
        %add3A_1066 = arith.constant 29 : i32
        %add3A_1067 = vector.broadcast %add3A_1066 : i32 to vector<16xi32>
        %add3A_1068 = arith.addi %mul3A_877, %add3A_1067 : vector<16xi32>
        tpu.vector_store_idx %arg5[%broadcast_in_dim3A_194, %broadcast_in_dim3A_195, %mul3A_877, %add3A_1068], %max3A_1065 : memref<2x4x64x64xf32, #tpu.memory_space<vmem>>[vector<16xi32>, vector<16xi32>, vector<16xi32>, vector<16xi32>], vector<16xf32>,
        %le3A_1069 = arith.constant 1 : i32
        %le3A_1070 = vector.broadcast %le3A_1069 : i32 to vector<16xi32>
        %le3A_1071 = arith.cmpi sle, %iota3A, %le3A_1070 : vector<16xi32>
        %add3A_1072 = arith.constant 2 : i32
        %add3A_1073 = vector.broadcast %add3A_1072 : i32 to vector<16xi32>
        %add3A_1074 = arith.addi %add3A_883, %add3A_1073 : vector<16xi32>
        %add3A_1075 = arith.constant 29 : i32
        %add3A_1076 = vector.broadcast %add3A_1075 : i32 to vector<16xi32>
        %add3A_1077 = arith.addi %add3A_883, %add3A_1076 : vector<16xi32>
        %gather3A_1078 = tpu.vector_load_idx %arg5[%broadcast_in_dim3A_194, %broadcast_in_dim3A_195, %add3A_1074, %add3A_1077] masked %le3A_1071 : memref<2x4x64x64xf32, #tpu.memory_space<vmem>>[vector<16xi32>, vector<16xi32>, vector<16xi32>, vector<16xi32>], vector<16xf32>, vector<16xi1>
        %max3A_1079 = arith.maximumf %max3A_1054, %gather3A_1078 : vector<16xf32>
        %add3A_1080 = arith.constant 29 : i32
        %add3A_1081 = vector.broadcast %add3A_1080 : i32 to vector<16xi32>
        %add3A_1082 = arith.addi %add3A_883, %add3A_1081 : vector<16xi32>
        tpu.vector_store_idx %arg5[%broadcast_in_dim3A_194, %broadcast_in_dim3A_195, %add3A_883, %add3A_1082], %max3A_1079 masked %le3A_1071 : memref<2x4x64x64xf32, #tpu.memory_space<vmem>>[vector<16xi32>, vector<16xi32>, vector<16xi32>, vector<16xi32>], vector<16xf32>, vector<16xi1>
        %add3A_1083 = arith.constant 2 : i32
        %add3A_1084 = vector.broadcast %add3A_1083 : i32 to vector<16xi32>
        %add3A_1085 = arith.addi %mul3A_877, %add3A_1084 : vector<16xi32>
        %add3A_1086 = arith.constant 31 : i32
        %add3A_1087 = vector.broadcast %add3A_1086 : i32 to vector<16xi32>
        %add3A_1088 = arith.addi %mul3A_877, %add3A_1087 : vector<16xi32>
        %gather3A_1089 = tpu.vector_load_idx %arg5[%broadcast_in_dim3A_194, %broadcast_in_dim3A_195, %add3A_1085, %add3A_1088] : memref<2x4x64x64xf32, #tpu.memory_space<vmem>>[vector<16xi32>, vector<16xi32>, vector<16xi32>, vector<16xi32>], vector<16xf32>,
        %max3A_1090 = arith.maximumf %max3A_1065, %gather3A_1089 : vector<16xf32>
        %add3A_1091 = arith.constant 31 : i32
        %add3A_1092 = vector.broadcast %add3A_1091 : i32 to vector<16xi32>
        %add3A_1093 = arith.addi %mul3A_877, %add3A_1092 : vector<16xi32>
        tpu.vector_store_idx %arg5[%broadcast_in_dim3A_194, %broadcast_in_dim3A_195, %mul3A_877, %add3A_1093], %max3A_1090 : memref<2x4x64x64xf32, #tpu.memory_space<vmem>>[vector<16xi32>, vector<16xi32>, vector<16xi32>, vector<16xi32>], vector<16xf32>,
        %le3A_1094 = arith.constant 0 : i32
        %le3A_1095 = vector.broadcast %le3A_1094 : i32 to vector<16xi32>
        %le3A_1096 = arith.cmpi sle, %iota3A, %le3A_1095 : vector<16xi32>
        %add3A_1097 = arith.constant 2 : i32
        %add3A_1098 = vector.broadcast %add3A_1097 : i32 to vector<16xi32>
        %add3A_1099 = arith.addi %add3A_883, %add3A_1098 : vector<16xi32>
        %add3A_1100 = arith.constant 31 : i32
        %add3A_1101 = vector.broadcast %add3A_1100 : i32 to vector<16xi32>
        %add3A_1102 = arith.addi %add3A_883, %add3A_1101 : vector<16xi32>
        %gather3A_1103 = tpu.vector_load_idx %arg5[%broadcast_in_dim3A_194, %broadcast_in_dim3A_195, %add3A_1099, %add3A_1102] masked %le3A_1096 : memref<2x4x64x64xf32, #tpu.memory_space<vmem>>[vector<16xi32>, vector<16xi32>, vector<16xi32>, vector<16xi32>], vector<16xf32>, vector<16xi1>
        %max3A_1104 = arith.maximumf %max3A_1079, %gather3A_1103 : vector<16xf32>
        %add3A_1105 = arith.constant 31 : i32
        %add3A_1106 = vector.broadcast %add3A_1105 : i32 to vector<16xi32>
        %add3A_1107 = arith.addi %add3A_883, %add3A_1106 : vector<16xi32>
        tpu.vector_store_idx %arg5[%broadcast_in_dim3A_194, %broadcast_in_dim3A_195, %add3A_883, %add3A_1107], %max3A_1104 masked %le3A_1096 : memref<2x4x64x64xf32, #tpu.memory_space<vmem>>[vector<16xi32>, vector<16xi32>, vector<16xi32>, vector<16xi32>], vector<16xf32>, vector<16xi1>
        %mul3A_1108 = arith.constant 4 : i32
        %mul3A_1109 = vector.broadcast %mul3A_1108 : i32 to vector<16xi32>
        %mul3A_1110 = arith.muli %mul3A_1109, %iota3A : vector<16xi32>
        %le3A_1111 = arith.constant 7 : i32
        %le3A_1112 = vector.broadcast %le3A_1111 : i32 to vector<16xi32>
        %le3A_1113 = arith.cmpi sle, %iota3A, %le3A_1112 : vector<16xi32>
        %add3A_1114 = arith.constant 31 : i32
        %add3A_1115 = vector.broadcast %add3A_1114 : i32 to vector<16xi32>
        %add3A_1116 = arith.addi %mul3A_1110, %add3A_1115 : vector<16xi32>
        %gather3A_1117 = tpu.vector_load_idx %arg5[%broadcast_in_dim3A_194, %broadcast_in_dim3A_195, %mul3A_1110, %add3A_1116] masked %le3A_1113 : memref<2x4x64x64xf32, #tpu.memory_space<vmem>>[vector<16xi32>, vector<16xi32>, vector<16xi32>, vector<16xi32>], vector<16xf32>, vector<16xi1>
        %add3A_1118 = arith.constant 2 : i32
        %add3A_1119 = vector.broadcast %add3A_1118 : i32 to vector<16xi32>
        %add3A_1120 = arith.addi %mul3A_1110, %add3A_1119 : vector<16xi32>
        %add3A_1121 = arith.constant 33 : i32
        %add3A_1122 = vector.broadcast %add3A_1121 : i32 to vector<16xi32>
        %add3A_1123 = arith.addi %mul3A_1110, %add3A_1122 : vector<16xi32>
        %gather3A_1124 = tpu.vector_load_idx %arg5[%broadcast_in_dim3A_194, %broadcast_in_dim3A_195, %add3A_1120, %add3A_1123] masked %le3A_1113 : memref<2x4x64x64xf32, #tpu.memory_space<vmem>>[vector<16xi32>, vector<16xi32>, vector<16xi32>, vector<16xi32>], vector<16xf32>, vector<16xi1>
        %add3A_1125 = arith.constant 4 : i32
        %add3A_1126 = vector.broadcast %add3A_1125 : i32 to vector<16xi32>
        %add3A_1127 = arith.addi %mul3A_1110, %add3A_1126 : vector<16xi32>
        %add3A_1128 = arith.constant 35 : i32
        %add3A_1129 = vector.broadcast %add3A_1128 : i32 to vector<16xi32>
        %add3A_1130 = arith.addi %mul3A_1110, %add3A_1129 : vector<16xi32>
        %gather3A_1131 = tpu.vector_load_idx %arg5[%broadcast_in_dim3A_194, %broadcast_in_dim3A_195, %add3A_1127, %add3A_1130] masked %le3A_1113 : memref<2x4x64x64xf32, #tpu.memory_space<vmem>>[vector<16xi32>, vector<16xi32>, vector<16xi32>, vector<16xi32>], vector<16xf32>, vector<16xi1>
        %max3A_1132 = arith.maximumf %gather3A_1117, %gather3A_1124 : vector<16xf32>
        %max3A_1133 = arith.maximumf %max3A_1132, %gather3A_1131 : vector<16xf32>
        %add3A_1134 = arith.constant 35 : i32
        %add3A_1135 = vector.broadcast %add3A_1134 : i32 to vector<16xi32>
        %add3A_1136 = arith.addi %mul3A_1110, %add3A_1135 : vector<16xi32>
        tpu.vector_store_idx %arg5[%broadcast_in_dim3A_194, %broadcast_in_dim3A_195, %mul3A_1110, %add3A_1136], %max3A_1133 masked %le3A_1113 : memref<2x4x64x64xf32, #tpu.memory_space<vmem>>[vector<16xi32>, vector<16xi32>, vector<16xi32>, vector<16xi32>], vector<16xf32>, vector<16xi1>
        %le3A_1137 = arith.constant 6 : i32
        %le3A_1138 = vector.broadcast %le3A_1137 : i32 to vector<16xi32>
        %le3A_1139 = arith.cmpi sle, %iota3A, %le3A_1138 : vector<16xi32>
        %add3A_1140 = arith.constant 4 : i32
        %add3A_1141 = vector.broadcast %add3A_1140 : i32 to vector<16xi32>
        %add3A_1142 = arith.addi %mul3A_1110, %add3A_1141 : vector<16xi32>
        %add3A_1143 = arith.constant 39 : i32
        %add3A_1144 = vector.broadcast %add3A_1143 : i32 to vector<16xi32>
        %add3A_1145 = arith.addi %mul3A_1110, %add3A_1144 : vector<16xi32>
        %gather3A_1146 = tpu.vector_load_idx %arg5[%broadcast_in_dim3A_194, %broadcast_in_dim3A_195, %add3A_1142, %add3A_1145] masked %le3A_1139 : memref<2x4x64x64xf32, #tpu.memory_space<vmem>>[vector<16xi32>, vector<16xi32>, vector<16xi32>, vector<16xi32>], vector<16xf32>, vector<16xi1>
        %max3A_1147 = arith.maximumf %max3A_1133, %gather3A_1146 : vector<16xf32>
        %add3A_1148 = arith.constant 39 : i32
        %add3A_1149 = vector.broadcast %add3A_1148 : i32 to vector<16xi32>
        %add3A_1150 = arith.addi %mul3A_1110, %add3A_1149 : vector<16xi32>
        tpu.vector_store_idx %arg5[%broadcast_in_dim3A_194, %broadcast_in_dim3A_195, %mul3A_1110, %add3A_1150], %max3A_1147 masked %le3A_1139 : memref<2x4x64x64xf32, #tpu.memory_space<vmem>>[vector<16xi32>, vector<16xi32>, vector<16xi32>, vector<16xi32>], vector<16xf32>, vector<16xi1>
        %le3A_1151 = arith.constant 5 : i32
        %le3A_1152 = vector.broadcast %le3A_1151 : i32 to vector<16xi32>
        %le3A_1153 = arith.cmpi sle, %iota3A, %le3A_1152 : vector<16xi32>
        %add3A_1154 = arith.constant 4 : i32
        %add3A_1155 = vector.broadcast %add3A_1154 : i32 to vector<16xi32>
        %add3A_1156 = arith.addi %mul3A_1110, %add3A_1155 : vector<16xi32>
        %add3A_1157 = arith.constant 43 : i32
        %add3A_1158 = vector.broadcast %add3A_1157 : i32 to vector<16xi32>
        %add3A_1159 = arith.addi %mul3A_1110, %add3A_1158 : vector<16xi32>
        %gather3A_1160 = tpu.vector_load_idx %arg5[%broadcast_in_dim3A_194, %broadcast_in_dim3A_195, %add3A_1156, %add3A_1159] masked %le3A_1153 : memref<2x4x64x64xf32, #tpu.memory_space<vmem>>[vector<16xi32>, vector<16xi32>, vector<16xi32>, vector<16xi32>], vector<16xf32>, vector<16xi1>
        %max3A_1161 = arith.maximumf %max3A_1147, %gather3A_1160 : vector<16xf32>
        %add3A_1162 = arith.constant 43 : i32
        %add3A_1163 = vector.broadcast %add3A_1162 : i32 to vector<16xi32>
        %add3A_1164 = arith.addi %mul3A_1110, %add3A_1163 : vector<16xi32>
        tpu.vector_store_idx %arg5[%broadcast_in_dim3A_194, %broadcast_in_dim3A_195, %mul3A_1110, %add3A_1164], %max3A_1161 masked %le3A_1153 : memref<2x4x64x64xf32, #tpu.memory_space<vmem>>[vector<16xi32>, vector<16xi32>, vector<16xi32>, vector<16xi32>], vector<16xf32>, vector<16xi1>
        %le3A_1165 = arith.constant 4 : i32
        %le3A_1166 = vector.broadcast %le3A_1165 : i32 to vector<16xi32>
        %le3A_1167 = arith.cmpi sle, %iota3A, %le3A_1166 : vector<16xi32>
        %add3A_1168 = arith.constant 4 : i32
        %add3A_1169 = vector.broadcast %add3A_1168 : i32 to vector<16xi32>
        %add3A_1170 = arith.addi %mul3A_1110, %add3A_1169 : vector<16xi32>
        %add3A_1171 = arith.constant 47 : i32
        %add3A_1172 = vector.broadcast %add3A_1171 : i32 to vector<16xi32>
        %add3A_1173 = arith.addi %mul3A_1110, %add3A_1172 : vector<16xi32>
        %gather3A_1174 = tpu.vector_load_idx %arg5[%broadcast_in_dim3A_194, %broadcast_in_dim3A_195, %add3A_1170, %add3A_1173] masked %le3A_1167 : memref<2x4x64x64xf32, #tpu.memory_space<vmem>>[vector<16xi32>, vector<16xi32>, vector<16xi32>, vector<16xi32>], vector<16xf32>, vector<16xi1>
        %max3A_1175 = arith.maximumf %max3A_1161, %gather3A_1174 : vector<16xf32>
        %add3A_1176 = arith.constant 47 : i32
        %add3A_1177 = vector.broadcast %add3A_1176 : i32 to vector<16xi32>
        %add3A_1178 = arith.addi %mul3A_1110, %add3A_1177 : vector<16xi32>
        tpu.vector_store_idx %arg5[%broadcast_in_dim3A_194, %broadcast_in_dim3A_195, %mul3A_1110, %add3A_1178], %max3A_1175 masked %le3A_1167 : memref<2x4x64x64xf32, #tpu.memory_space<vmem>>[vector<16xi32>, vector<16xi32>, vector<16xi32>, vector<16xi32>], vector<16xf32>, vector<16xi1>
        %le3A_1179 = arith.constant 3 : i32
        %le3A_1180 = vector.broadcast %le3A_1179 : i32 to vector<16xi32>
        %le3A_1181 = arith.cmpi sle, %iota3A, %le3A_1180 : vector<16xi32>
        %add3A_1182 = arith.constant 4 : i32
        %add3A_1183 = vector.broadcast %add3A_1182 : i32 to vector<16xi32>
        %add3A_1184 = arith.addi %mul3A_1110, %add3A_1183 : vector<16xi32>
        %add3A_1185 = arith.constant 51 : i32
        %add3A_1186 = vector.broadcast %add3A_1185 : i32 to vector<16xi32>
        %add3A_1187 = arith.addi %mul3A_1110, %add3A_1186 : vector<16xi32>
        %gather3A_1188 = tpu.vector_load_idx %arg5[%broadcast_in_dim3A_194, %broadcast_in_dim3A_195, %add3A_1184, %add3A_1187] masked %le3A_1181 : memref<2x4x64x64xf32, #tpu.memory_space<vmem>>[vector<16xi32>, vector<16xi32>, vector<16xi32>, vector<16xi32>], vector<16xf32>, vector<16xi1>
        %max3A_1189 = arith.maximumf %max3A_1175, %gather3A_1188 : vector<16xf32>
        %add3A_1190 = arith.constant 51 : i32
        %add3A_1191 = vector.broadcast %add3A_1190 : i32 to vector<16xi32>
        %add3A_1192 = arith.addi %mul3A_1110, %add3A_1191 : vector<16xi32>
        tpu.vector_store_idx %arg5[%broadcast_in_dim3A_194, %broadcast_in_dim3A_195, %mul3A_1110, %add3A_1192], %max3A_1189 masked %le3A_1181 : memref<2x4x64x64xf32, #tpu.memory_space<vmem>>[vector<16xi32>, vector<16xi32>, vector<16xi32>, vector<16xi32>], vector<16xf32>, vector<16xi1>
        %le3A_1193 = arith.constant 2 : i32
        %le3A_1194 = vector.broadcast %le3A_1193 : i32 to vector<16xi32>
        %le3A_1195 = arith.cmpi sle, %iota3A, %le3A_1194 : vector<16xi32>
        %add3A_1196 = arith.constant 4 : i32
        %add3A_1197 = vector.broadcast %add3A_1196 : i32 to vector<16xi32>
        %add3A_1198 = arith.addi %mul3A_1110, %add3A_1197 : vector<16xi32>
        %add3A_1199 = arith.constant 55 : i32
        %add3A_1200 = vector.broadcast %add3A_1199 : i32 to vector<16xi32>
        %add3A_1201 = arith.addi %mul3A_1110, %add3A_1200 : vector<16xi32>
        %gather3A_1202 = tpu.vector_load_idx %arg5[%broadcast_in_dim3A_194, %broadcast_in_dim3A_195, %add3A_1198, %add3A_1201] masked %le3A_1195 : memref<2x4x64x64xf32, #tpu.memory_space<vmem>>[vector<16xi32>, vector<16xi32>, vector<16xi32>, vector<16xi32>], vector<16xf32>, vector<16xi1>
        %max3A_1203 = arith.maximumf %max3A_1189, %gather3A_1202 : vector<16xf32>
        %add3A_1204 = arith.constant 55 : i32
        %add3A_1205 = vector.broadcast %add3A_1204 : i32 to vector<16xi32>
        %add3A_1206 = arith.addi %mul3A_1110, %add3A_1205 : vector<16xi32>
        tpu.vector_store_idx %arg5[%broadcast_in_dim3A_194, %broadcast_in_dim3A_195, %mul3A_1110, %add3A_1206], %max3A_1203 masked %le3A_1195 : memref<2x4x64x64xf32, #tpu.memory_space<vmem>>[vector<16xi32>, vector<16xi32>, vector<16xi32>, vector<16xi32>], vector<16xf32>, vector<16xi1>
        %le3A_1207 = arith.constant 1 : i32
        %le3A_1208 = vector.broadcast %le3A_1207 : i32 to vector<16xi32>
        %le3A_1209 = arith.cmpi sle, %iota3A, %le3A_1208 : vector<16xi32>
        %add3A_1210 = arith.constant 4 : i32
        %add3A_1211 = vector.broadcast %add3A_1210 : i32 to vector<16xi32>
        %add3A_1212 = arith.addi %mul3A_1110, %add3A_1211 : vector<16xi32>
        %add3A_1213 = arith.constant 59 : i32
        %add3A_1214 = vector.broadcast %add3A_1213 : i32 to vector<16xi32>
        %add3A_1215 = arith.addi %mul3A_1110, %add3A_1214 : vector<16xi32>
        %gather3A_1216 = tpu.vector_load_idx %arg5[%broadcast_in_dim3A_194, %broadcast_in_dim3A_195, %add3A_1212, %add3A_1215] masked %le3A_1209 : memref<2x4x64x64xf32, #tpu.memory_space<vmem>>[vector<16xi32>, vector<16xi32>, vector<16xi32>, vector<16xi32>], vector<16xf32>, vector<16xi1>
        %max3A_1217 = arith.maximumf %max3A_1203, %gather3A_1216 : vector<16xf32>
        %add3A_1218 = arith.constant 59 : i32
        %add3A_1219 = vector.broadcast %add3A_1218 : i32 to vector<16xi32>
        %add3A_1220 = arith.addi %mul3A_1110, %add3A_1219 : vector<16xi32>
        tpu.vector_store_idx %arg5[%broadcast_in_dim3A_194, %broadcast_in_dim3A_195, %mul3A_1110, %add3A_1220], %max3A_1217 masked %le3A_1209 : memref<2x4x64x64xf32, #tpu.memory_space<vmem>>[vector<16xi32>, vector<16xi32>, vector<16xi32>, vector<16xi32>], vector<16xf32>, vector<16xi1>
        %le3A_1221 = arith.constant 0 : i32
        %le3A_1222 = vector.broadcast %le3A_1221 : i32 to vector<16xi32>
        %le3A_1223 = arith.cmpi sle, %iota3A, %le3A_1222 : vector<16xi32>
        %add3A_1224 = arith.constant 4 : i32
        %add3A_1225 = vector.broadcast %add3A_1224 : i32 to vector<16xi32>
        %add3A_1226 = arith.addi %mul3A_1110, %add3A_1225 : vector<16xi32>
        %add3A_1227 = arith.constant 63 : i32
        %add3A_1228 = vector.broadcast %add3A_1227 : i32 to vector<16xi32>
        %add3A_1229 = arith.addi %mul3A_1110, %add3A_1228 : vector<16xi32>
        %gather3A_1230 = tpu.vector_load_idx %arg5[%broadcast_in_dim3A_194, %broadcast_in_dim3A_195, %add3A_1226, %add3A_1229] masked %le3A_1223 : memref<2x4x64x64xf32, #tpu.memory_space<vmem>>[vector<16xi32>, vector<16xi32>, vector<16xi32>, vector<16xi32>], vector<16xf32>, vector<16xi1>
        %max3A_1231 = arith.maximumf %max3A_1217, %gather3A_1230 : vector<16xf32>
        %add3A_1232 = arith.constant 63 : i32
        %add3A_1233 = vector.broadcast %add3A_1232 : i32 to vector<16xi32>
        %add3A_1234 = arith.addi %mul3A_1110, %add3A_1233 : vector<16xi32>
        tpu.vector_store_idx %arg5[%broadcast_in_dim3A_194, %broadcast_in_dim3A_195, %mul3A_1110, %add3A_1234], %max3A_1231 masked %le3A_1223 : memref<2x4x64x64xf32, #tpu.memory_space<vmem>>[vector<16xi32>, vector<16xi32>, vector<16xi32>, vector<16xi32>], vector<16xf32>, vector<16xi1>
      }
      %scan3A_159 = arith.constant 4 : i32
      %dma_start3A_160 = arith.constant 1 : i32
      %dma_start3A_161 = arith.constant 1 : i32
      %dma_start3A_162 = arith.constant 0 : i32
      %dma_start3A_163 = arith.constant 0 : i32
      %dma_start3A_164 = arith.constant 0 : i32
      %dma_start3A_165 = tpu.memref_slice %arg5[%dma_start3A_160, %dma_start3A_162, %dma_start3A_163, %dma_start3A_164] : memref<2x4x64x64xf32, #tpu.memory_space<vmem>> -> memref<1x4x64x64xf32, #tpu.memory_space<vmem>>
      %dma_start3A_166 = tpu.memref_squeeze %dma_start3A_165 : memref<1x4x64x64xf32, #tpu.memory_space<vmem>> -> memref<4x64x64xf32, #tpu.memory_space<vmem>>
      %dma_start3A_167 = arith.constant 0 : i32
      %dma_start3A_168 = arith.constant 0 : i32
      %dma_start3A_169 = arith.constant 0 : i32
      %dma_start3A_170 = tpu.memref_slice %arg4[%select_n3A, %dma_start3A_167, %dma_start3A_168, %dma_start3A_169] : memref<16x512x64x64xf32, #tpu.memory_space<hbm>> -> memref<1x512x64x64xf32, #tpu.memory_space<hbm>>
      %dma_start3A_171 = tpu.memref_squeeze %dma_start3A_170 : memref<1x512x64x64xf32, #tpu.memory_space<hbm>> -> memref<512x64x64xf32, #tpu.memory_space<hbm>>
      %dma_start3A_172 = arith.constant 0 : i32
      %dma_start3A_173 = arith.constant 0 : i32
      %dma_start3A_174 = tpu.memref_slice %dma_start3A_171[%add3A_148, %dma_start3A_172, %dma_start3A_173] : memref<512x64x64xf32, #tpu.memory_space<hbm>> -> memref<4x64x64xf32, #tpu.memory_space<hbm>>
      %dma_start3A_175 = tpu.memref_slice %arg7[%dma_start3A_161] : memref<2x!tpu.dma_semaphore, #tpu.memory_space<semaphore_mem>> -> memref<1x!tpu.dma_semaphore, #tpu.memory_space<semaphore_mem>>
      %dma_start3A_176 = tpu.memref_squeeze %dma_start3A_175 : memref<1x!tpu.dma_semaphore, #tpu.memory_space<semaphore_mem>> -> memref<!tpu.dma_semaphore, #tpu.memory_space<semaphore_mem>>
      %dma_start3A_177 = arith.constant 0 : i32
      %dma_start3A_178 = arith.constant 0 : i32
      %dma_start3A_179 = arith.constant 0 : i32
      %dma_start3A_180 = tpu.memref_slice %arg4[%select_n3A, %dma_start3A_177, %dma_start3A_178, %dma_start3A_179] : memref<16x512x64x64xf32, #tpu.memory_space<hbm>> -> memref<1x512x64x64xf32, #tpu.memory_space<hbm>>
      %dma_start3A_181 = tpu.memref_squeeze %dma_start3A_180 : memref<1x512x64x64xf32, #tpu.memory_space<hbm>> -> memref<512x64x64xf32, #tpu.memory_space<hbm>>
      %dma_start3A_182 = arith.constant 0 : i32
      %dma_start3A_183 = arith.constant 0 : i32
      %dma_start3A_184 = tpu.memref_slice %dma_start3A_181[%add3A_148, %dma_start3A_182, %dma_start3A_183] : memref<512x64x64xf32, #tpu.memory_space<hbm>> -> memref<4x64x64xf32, #tpu.memory_space<hbm>>
      %dma_start3A_185 = arith.constant 0 : i32
      %dma_start3A_186 = arith.constant 0 : i32
      %dma_start3A_187 = arith.constant 0 : i32
      %dma_start3A_188 = tpu.memref_slice %arg5[%dma_start3A_160, %dma_start3A_185, %dma_start3A_186, %dma_start3A_187] : memref<2x4x64x64xf32, #tpu.memory_space<vmem>> -> memref<1x4x64x64xf32, #tpu.memory_space<vmem>>
      %dma_start3A_189 = tpu.memref_squeeze %dma_start3A_188 : memref<1x4x64x64xf32, #tpu.memory_space<vmem>> -> memref<4x64x64xf32, #tpu.memory_space<vmem>>
      tpu.enqueue_dma source(%dma_start3A_189 : memref<4x64x64xf32, #tpu.memory_space<vmem>>) target(%dma_start3A_184 : memref<4x64x64xf32, #tpu.memory_space<hbm>>) target_semaphore(%dma_start3A_176 : memref<!tpu.dma_semaphore, #tpu.memory_space<semaphore_mem>>)
    }
    %scan3A_37 = arith.constant 32 : i32
    %dma_wait3A = arith.constant 0 : i32
    %dma_wait3A_38 = arith.constant 0 : i32
    %dma_wait3A_39 = arith.constant 0 : i32
    %dma_wait3A_40 = arith.constant 0 : i32
    %dma_wait3A_41 = arith.constant 0 : i32
    %dma_wait3A_42 = tpu.memref_slice %arg5[%dma_wait3A, %dma_wait3A_39, %dma_wait3A_40, %dma_wait3A_41] : memref<2x4x64x64xf32, #tpu.memory_space<vmem>> -> memref<1x4x64x64xf32, #tpu.memory_space<vmem>>
    %dma_wait3A_43 = tpu.memref_squeeze %dma_wait3A_42 : memref<1x4x64x64xf32, #tpu.memory_space<vmem>> -> memref<4x64x64xf32, #tpu.memory_space<vmem>>
    %dma_wait3A_44 = arith.constant 0 : i32
    %dma_wait3A_45 = arith.constant 0 : i32
    %dma_wait3A_46 = arith.constant 0 : i32
    %dma_wait3A_47 = tpu.memref_slice %arg4[%select_n3A, %dma_wait3A_44, %dma_wait3A_45, %dma_wait3A_46] : memref<16x512x64x64xf32, #tpu.memory_space<hbm>> -> memref<1x512x64x64xf32, #tpu.memory_space<hbm>>
    %dma_wait3A_48 = tpu.memref_squeeze %dma_wait3A_47 : memref<1x512x64x64xf32, #tpu.memory_space<hbm>> -> memref<512x64x64xf32, #tpu.memory_space<hbm>>
    %dma_wait3A_49 = arith.constant 0 : i32
    %dma_wait3A_50 = arith.constant 0 : i32
    %dma_wait3A_51 = tpu.memref_slice %dma_wait3A_48[%mul3A_32, %dma_wait3A_49, %dma_wait3A_50] : memref<512x64x64xf32, #tpu.memory_space<hbm>> -> memref<4x64x64xf32, #tpu.memory_space<hbm>>
    %dma_wait3A_52 = tpu.memref_slice %arg7[%dma_wait3A_38] : memref<2x!tpu.dma_semaphore, #tpu.memory_space<semaphore_mem>> -> memref<1x!tpu.dma_semaphore, #tpu.memory_space<semaphore_mem>>
    %dma_wait3A_53 = tpu.memref_squeeze %dma_wait3A_52 : memref<1x!tpu.dma_semaphore, #tpu.memory_space<semaphore_mem>> -> memref<!tpu.dma_semaphore, #tpu.memory_space<semaphore_mem>>
    %dma_wait3A_54 = arith.constant 0 : i32
    %dma_wait3A_55 = arith.constant 0 : i32
    %dma_wait3A_56 = arith.constant 0 : i32
    %dma_wait3A_57 = tpu.memref_slice %arg4[%select_n3A, %dma_wait3A_54, %dma_wait3A_55, %dma_wait3A_56] : memref<16x512x64x64xf32, #tpu.memory_space<hbm>> -> memref<1x512x64x64xf32, #tpu.memory_space<hbm>>
    %dma_wait3A_58 = tpu.memref_squeeze %dma_wait3A_57 : memref<1x512x64x64xf32, #tpu.memory_space<hbm>> -> memref<512x64x64xf32, #tpu.memory_space<hbm>>
    %dma_wait3A_59 = arith.constant 0 : i32
    %dma_wait3A_60 = arith.constant 0 : i32
    %dma_wait3A_61 = tpu.memref_slice %dma_wait3A_58[%mul3A_32, %dma_wait3A_59, %dma_wait3A_60] : memref<512x64x64xf32, #tpu.memory_space<hbm>> -> memref<4x64x64xf32, #tpu.memory_space<hbm>>
    %dma_wait3A_62 = arith.constant 0 : i32
    %dma_wait3A_63 = arith.constant 0 : i32
    %dma_wait3A_64 = arith.constant 0 : i32
    %dma_wait3A_65 = tpu.memref_slice %arg5[%dma_wait3A, %dma_wait3A_62, %dma_wait3A_63, %dma_wait3A_64] : memref<2x4x64x64xf32, #tpu.memory_space<vmem>> -> memref<1x4x64x64xf32, #tpu.memory_space<vmem>>
    %dma_wait3A_66 = tpu.memref_squeeze %dma_wait3A_65 : memref<1x4x64x64xf32, #tpu.memory_space<vmem>> -> memref<4x64x64xf32, #tpu.memory_space<vmem>>
    tpu.wait_dma2 semaphore(%dma_wait3A_53 : memref<!tpu.dma_semaphore, #tpu.memory_space<semaphore_mem>>) src(%dma_wait3A_66 : memref<4x64x64xf32, #tpu.memory_space<vmem>>) dst(%dma_wait3A_61 : memref<4x64x64xf32, #tpu.memory_space<hbm>>)
    %dma_wait3A_67 = arith.constant 1 : i32
    %dma_wait3A_68 = arith.constant 1 : i32
    %dma_wait3A_69 = arith.constant 0 : i32
    %dma_wait3A_70 = arith.constant 0 : i32
    %dma_wait3A_71 = arith.constant 0 : i32
    %dma_wait3A_72 = tpu.memref_slice %arg5[%dma_wait3A_67, %dma_wait3A_69, %dma_wait3A_70, %dma_wait3A_71] : memref<2x4x64x64xf32, #tpu.memory_space<vmem>> -> memref<1x4x64x64xf32, #tpu.memory_space<vmem>>
    %dma_wait3A_73 = tpu.memref_squeeze %dma_wait3A_72 : memref<1x4x64x64xf32, #tpu.memory_space<vmem>> -> memref<4x64x64xf32, #tpu.memory_space<vmem>>
    %dma_wait3A_74 = arith.constant 0 : i32
    %dma_wait3A_75 = arith.constant 0 : i32
    %dma_wait3A_76 = arith.constant 0 : i32
    %dma_wait3A_77 = tpu.memref_slice %arg4[%select_n3A, %dma_wait3A_74, %dma_wait3A_75, %dma_wait3A_76] : memref<16x512x64x64xf32, #tpu.memory_space<hbm>> -> memref<1x512x64x64xf32, #tpu.memory_space<hbm>>
    %dma_wait3A_78 = tpu.memref_squeeze %dma_wait3A_77 : memref<1x512x64x64xf32, #tpu.memory_space<hbm>> -> memref<512x64x64xf32, #tpu.memory_space<hbm>>
    %dma_wait3A_79 = arith.constant 0 : i32
    %dma_wait3A_80 = arith.constant 0 : i32
    %dma_wait3A_81 = tpu.memref_slice %dma_wait3A_78[%mul3A_32, %dma_wait3A_79, %dma_wait3A_80] : memref<512x64x64xf32, #tpu.memory_space<hbm>> -> memref<4x64x64xf32, #tpu.memory_space<hbm>>
    %dma_wait3A_82 = tpu.memref_slice %arg7[%dma_wait3A_68] : memref<2x!tpu.dma_semaphore, #tpu.memory_space<semaphore_mem>> -> memref<1x!tpu.dma_semaphore, #tpu.memory_space<semaphore_mem>>
    %dma_wait3A_83 = tpu.memref_squeeze %dma_wait3A_82 : memref<1x!tpu.dma_semaphore, #tpu.memory_space<semaphore_mem>> -> memref<!tpu.dma_semaphore, #tpu.memory_space<semaphore_mem>>
    %dma_wait3A_84 = arith.constant 0 : i32
    %dma_wait3A_85 = arith.constant 0 : i32
    %dma_wait3A_86 = arith.constant 0 : i32
    %dma_wait3A_87 = tpu.memref_slice %arg4[%select_n3A, %dma_wait3A_84, %dma_wait3A_85, %dma_wait3A_86] : memref<16x512x64x64xf32, #tpu.memory_space<hbm>> -> memref<1x512x64x64xf32, #tpu.memory_space<hbm>>
    %dma_wait3A_88 = tpu.memref_squeeze %dma_wait3A_87 : memref<1x512x64x64xf32, #tpu.memory_space<hbm>> -> memref<512x64x64xf32, #tpu.memory_space<hbm>>
    %dma_wait3A_89 = arith.constant 0 : i32
    %dma_wait3A_90 = arith.constant 0 : i32
    %dma_wait3A_91 = tpu.memref_slice %dma_wait3A_88[%mul3A_32, %dma_wait3A_89, %dma_wait3A_90] : memref<512x64x64xf32, #tpu.memory_space<hbm>> -> memref<4x64x64xf32, #tpu.memory_space<hbm>>
    %dma_wait3A_92 = arith.constant 0 : i32
    %dma_wait3A_93 = arith.constant 0 : i32
    %dma_wait3A_94 = arith.constant 0 : i32
    %dma_wait3A_95 = tpu.memref_slice %arg5[%dma_wait3A_67, %dma_wait3A_92, %dma_wait3A_93, %dma_wait3A_94] : memref<2x4x64x64xf32, #tpu.memory_space<vmem>> -> memref<1x4x64x64xf32, #tpu.memory_space<vmem>>
    %dma_wait3A_96 = tpu.memref_squeeze %dma_wait3A_95 : memref<1x4x64x64xf32, #tpu.memory_space<vmem>> -> memref<4x64x64xf32, #tpu.memory_space<vmem>>
    tpu.wait_dma2 semaphore(%dma_wait3A_83 : memref<!tpu.dma_semaphore, #tpu.memory_space<semaphore_mem>>) src(%dma_wait3A_96 : memref<4x64x64xf32, #tpu.memory_space<vmem>>) dst(%dma_wait3A_91 : memref<4x64x64xf32, #tpu.memory_space<hbm>>)
    return
  }
}

</mosaic_0001>

<sc_bundles>
// kernel: _run.3.cloned.1.call-start
scs
__scs_entry_jumppad:
0x0: {  	(pc) =	sbr.rel $0x88, $3  }
0x1: {  	(tag) =	ssettag $0x0;
	lr =	simm.s32 $0x1  }
0x2: {  	[smem:$0x3F9F] =	sst lr;
	_ =	strace $0xD0000000  }
0x3: {  	_ = 	snop  }
0x4: {  	_ = 	snop  }
0x5: {  	_ = 	snop  }
0x6: {  	_ = 	snop  }
0x7: {  	_ = 	snop  }
__scs_overlays_trampoline_lowered:
0x8: {  	[smem:$0x3FAE] =	sst s0  }
0x9: {  	[smem:$0x3FAF] =	sst s1  }
0xa: {  	[smem:$0x3FB0] =	sst s2  }
0xb: {  	[smem:$0x3FB1] =	sst s3  }
0xc: {  	[smem:$0x3FB2] =	sst s4  }
0xd: {  	[smem:$0x3FB3] =	sst s5  }
0xe: {  	[smem:$0x3FB4] =	sst s6  }
0xf: {  	[smem:$0x3FB5] =	sst s7  }
0x10: {  	[smem:$0x3FB6] =	sst s8  }
0x11: {  	[smem:$0x3FB7] =	sst s9;
	s0 =	simm.s32 @!p0 $0x0  }
0x12: {  	s1 =	sld [smem:$0x3F9D];
	s0 =	simm.s32 @p0 $0x1  }
0x13: {  	[smem:$0x3FB8] =	sst s0;
	s0 =	simm.s32 @!p1 $0x0  }
0x14: {  	s2 =	sld [smem:$0x3F9C];
	s0 =	simm.s32 @p1 $0x1  }
0x15: {  	[smem:$0x3FB9] =	sst s0;
	s0 =	simm.s32 @!p2 $0x0  }
0x16: {  	s3 =	sld [smem:$0x3FDB];
	s0 =	simm.s32 @p2 $0x1  }
0x17: {  	s4 =	simm.s32 $0x1BF5;
	[smem:$0x3FBB] =	sst s0  }
0x18: {  	s0 =	sld [smem:$0x3F9E];
	_ =	swait.ge [sflag:s4], $0x0  }
0x19: {  	s7 =	sld [smem:$0x3F9F]  }
0x1a: {  	s8 =	sadd.s32 $0xFFFFE003, lr  }
0x1b: {  	s9 =	sadd.s32 $0xFFFFFEF7, lr;
	s5 =	simm.s32 $0xFFFFFFFF;
	p2 =	slt.u32 s8, $0xFFFFF086  }
0x1c: {  	p1 =	slt.u32 s9, $0xF7A;
	s5 =	simm.s32 @!p2 $0x0  }
0x1d: {  	s5 =	simm.s32 @p1 $0x1;
	p0 =	seq.s32 s7, s2  }
0x1e: {  	s7 =	smul.u32 @!p0 $0xF7A, s2;
	p2 =	seq.s32 @!p0 s5, $0x0  }
0x1f: {  	s9 =	smul.u32 $0xF7A, s1;
	s8 =	simm.s32 @!p0 $0x1BF5;
	p2 =	por !p2, p0  }
0x20: {  	[sflag:s8] =	ssyncset.s32 @!p0 $0xFFFFF086;
	s6 =	sadd.s32 @!p0 s3, s7;
	s7 =	simm.s32 @!p0 $0x108  }
0x21: {  	s3 =	sadd.s32 s3, s9;
	s6 =	sadd.s32 @!p0 $0x88, s6;
	s7 =	simm.s32 @p2 $0x1082  }
0x22: {  	[simem:s7], [sflag:s8] =	dma.local @!p0 [hbm:s6], $0xF7A  }
0x23: {  	s9 =	sor.u32 $0xD0000000, s2;
	s6 =	simm.s32 $0x108;
	_ =	swait.ge @!p0 [sflag:s8], $0x0  }
0x24: {  	s3 =	sadd.s32 $0x88, s3;
	s6 =	simm.s32 @!p1 $0x1082;
	[sflag:s4] =	ssyncset.s32 $0xFFFFF086  }
0x25: {  	[simem:s6], [sflag:s4] =	dma.local [hbm:s3], $0xF7A  }
0x26: {  	[smem:$0x3F9F] =	sst s1;
	(tag) =	ssettag s2;
	_ =	strace s9  }
0x27: {  	s1 =	sld [smem:$0x3FAF]  }
0x28: {  	s2 =	sld [smem:$0x3FB0]  }
0x29: {  	s4 =	sld [smem:$0x3FB2]  }
0x2a: {  	p0 =	seq.s32 s5, $0x0;
	s5 =	sld [smem:$0x3FB3]  }
0x2b: {  	s6 =	sld [smem:$0x3FB4]  }
0x2c: {  	s7 =	sld [smem:$0x3FB5]  }
0x2d: {  	s3 =	simm.s32 $0x108;
	s8 =	sld [smem:$0x3FB6]  }
0x2e: {  	s3 =	simm.s32 @!p0 $0x1082;
	s9 =	sld [smem:$0x3FB7]  }
0x2f: {  	lr =	sadd.s32 s0, s3;
	s0 =	sld [smem:$0x3FAE]  }
0x30: {  	s3 =	sld [smem:$0x3FB1]  }
0x31: {  	[smem:$0x3FBA] =	sst s10  }
0x32: {  	s10 =	sld [smem:$0x3FB8];
	_ =	sdelay $0x3  }
0x33: {  	p0 =	seq.s32 s10, $0x1;
	s10 =	sld [smem:$0x3FBA];
	_ =	sdelay $0x3  }
0x34: {  	[smem:$0x3FBA] =	sst s10  }
0x35: {  	s10 =	sld [smem:$0x3FB9];
	_ =	sdelay $0x3  }
0x36: {  	p1 =	seq.s32 s10, $0x1;
	s10 =	sld [smem:$0x3FBA];
	_ =	sdelay $0x3  }
0x37: {  	[smem:$0x3FBA] =	sst s10  }
0x38: {  	s10 =	sld [smem:$0x3FBB]  }
0x39: {  	_ = 	snop;
	(pc) =	sbr.ind lr, $3  }
0x3a: {  	_ = 	snop  }
0x3b: {  	_ = 	snop  }
0x3c: {  	p2 =	seq.s32 s10, $0x1;
	s10 =	sld [smem:$0x3FBA]  }
0x3d: {  	_ =	shalt  }
0x3e: {  	_ =	shalt  }
0x3f: {  	_ =	shalt  }
0x40: {  	_ =	shalt  }
0x41: {  	_ =	shalt  }
0x42: {  	_ =	shalt  }
0x43: {  	_ =	shalt  }
0x44: {  	_ =	shalt  }
0x45: {  	_ =	shalt  }
0x46: {  	_ =	shalt  }
0x47: {  	_ =	shalt  }
0x48: {  	_ =	shalt  }
0x49: {  	_ =	shalt  }
0x4a: {  	_ =	shalt  }
0x4b: {  	_ =	shalt  }
0x4c: {  	_ =	shalt  }
0x4d: {  	_ =	shalt  }
0x4e: {  	_ =	shalt  }
0x4f: {  	_ =	shalt  }
0x50: {  	_ =	shalt  }
0x51: {  	_ =	shalt  }
0x52: {  	_ =	shalt  }
0x53: {  	_ =	shalt  }
0x54: {  	_ =	shalt  }
0x55: {  	_ =	shalt  }
0x56: {  	_ =	shalt  }
0x57: {  	_ =	shalt  }
0x58: {  	_ =	shalt  }
0x59: {  	_ =	shalt  }
0x5a: {  	_ =	shalt  }
0x5b: {  	_ =	shalt  }
0x5c: {  	_ =	shalt  }
0x5d: {  	_ =	shalt  }
0x5e: {  	_ =	shalt  }
0x5f: {  	_ =	shalt  }
0x60: {  	_ =	shalt  }
0x61: {  	_ =	shalt  }
0x62: {  	_ =	shalt  }
0x63: {  	_ =	shalt  }
0x64: {  	_ =	shalt  }
0x65: {  	_ =	shalt  }
0x66: {  	_ =	shalt  }
0x67: {  	_ =	shalt  }
0x68: {  	_ =	shalt  }
0x69: {  	_ =	shalt  }
0x6a: {  	_ =	shalt  }
0x6b: {  	_ =	shalt  }
0x6c: {  	_ =	shalt  }
0x6d: {  	_ =	shalt  }
0x6e: {  	_ =	shalt  }
0x6f: {  	_ =	shalt  }
0x70: {  	_ =	shalt  }
0x71: {  	_ =	shalt  }
0x72: {  	_ =	shalt  }
0x73: {  	_ =	shalt  }
0x74: {  	_ =	shalt  }
0x75: {  	_ =	shalt  }
0x76: {  	_ =	shalt  }
0x77: {  	_ =	shalt  }
0x78: {  	_ =	shalt  }
0x79: {  	_ =	shalt  }
0x7a: {  	_ =	shalt  }
0x7b: {  	_ =	shalt  }
0x7c: {  	_ =	shalt  }
0x7d: {  	_ =	shalt  }
0x7e: {  	_ =	shalt  }
0x7f: {  	_ =	shalt  }
0x80: {  	_ =	shalt  }
0x81: {  	_ =	shalt  }
0x82: {  	_ =	shalt  }
0x83: {  	_ =	shalt  }
0x84: {  	_ =	shalt  }
0x85: {  	_ =	shalt  }
0x86: {  	_ =	shalt  }
0x87: {  	_ =	shalt  }
.Lfunc_end0:
.L_simem_size_0:
called_computation_lowered:
.L_overlay_start_0:
0x88: {  	s2 =	sld [smem:$0x3FD9]  }
0x89: {  	s3 =	sld [smem:$0x3FFE];
	_ =	sdelay $0x1  }
0x8a: {  	s1 =	srdreg.scid  }
0x8b: {  	s0 =	sand.u32 $0x1, s1  }
0x8c: {  	s17 =	sshll.u32 s0, $0xA;
	s2 =	sadd.s32 s3, s2  }
0x8d: {  	s2 =	sadd.s32 s2, s17  }
0x8e: {  	[smem:$0x3FC6] =	sst s2  }
0x8f: {  	_ = 	snop  }
0x90: {  	s2 =	sld [smem:$0x3FC8]  }
0x91: {  	s18 =	sld [smem:$0x3FD0];
	(tm) =	ssettm $0x1  }
0x92: {  	s4 =	sld [smem:$0x3FFB];
	_ =	sdelay $0x3  }
0x93: {  	_ =	strace s4  }
0x94: {  	s4 =	sld [smem:$0x3FFC];
	_ =	sdelay $0x3  }
0x95: {  	_ =	strace s4  }
0x96: {  	s4 =	sld [smem:$0x3FFD];
	_ =	sdelay $0x3  }
0x97: {  	_ =	strace s4  }
0x98: {  	_ =	strace $0x8FFFFFFF  }
0x99: {  	s19 =	sld [smem:$0x3FDB];
	_ =	sdelay $0x1  }
0x9a: {  	s5 =	simm.s32 $_scs_section_size  }
0x9b: {  	s6 =	simm.s32 $_size__tile_overlayer_lowered;
	s7 =	simm.s32 $_tile_overlayer_lowered  }
0x9c: {  	s22 =	simm.s32 $0x1BFF;
	s21 =	sshll.u32 s7, $0x1;
	s4 =	sadd.s32 s5, s19  }
0x9d: {  	s8 =	simm.s32 $0x0;
	s20 =	sshll.u32 s6, $0x1;
	s6 =	sadd.s32 s21, s4  }
0x9e: {  	[timem:s8], [sflag:s22] =	dma.local [hbm:s6], s20  }
0x9f: {  	_ =	swait.ge [sflag:s22], s20  }
0xa0: {  	s5 =	ssub.s32 $0x0, s20;
	[sflag:s22] =	ssyncset.done $0x0  }
0xa1: {  	[sflag:s22] =	ssyncadd.s32 s5;
	_ =	sdelay $0x1  }
0xa2: {  	s23 =	simm.s32 $0x1B8B  }
0xa3: {  	_ =	swait.ge [sflag:s23], $0x1  }
0xa4: {  	[sflag:s23] =	ssyncset.done $0x0  }
0xa5: {  	s25 =	simm.s32 $0x1B8E;
	s24 =	sld [smem:$0x3FFE];
	[sflag:s23] =	ssyncadd.s32 $0xFFFFFFFF  }
0xa6: {  	s26 =	simm.s32 $execute0_lowered;
	[smem:$0x3FD2] =	sst s25  }
0xa7: {  	s6 =	sshll.u32 s26, $0x1;
	_ =	strace $0x80000046;
	[dreg:$0x1] =	wrdreg $0xFFFFFFFF  }
0xa8: {  	s28 =	simm.s32 $_size_execute0_lowered;
	s4 =	sadd.s32 s4, s6;
	[dreg:$0x0] =	wrdreg $0x0  }
0xa9: {  	s6 =	sshll.u32 s28, $0x1;
	[dreg:$0x2] =	wrdreg s4  }
0xaa: {  	[dreg:$0x3] =	wrdreg s6  }
0xab: {  	[dreg:$0x4] =	wrdreg $0xC0  }
0xac: {  	_ =	task [dreg:s8], $0x5FFFF  }
0xad: {  	[dreg:$0x1] =	wrdreg $0xFFFFFFFF  }
0xae: {  	[dreg:$0x0] =	wrdreg $0x60  }
0xaf: {  	[dreg:$0x2] =	wrdreg s18  }
0xb0: {  	[dreg:$0x3] =	wrdreg s2  }
0xb1: {  	[dreg:$0x4] =	wrdreg s24  }
0xb2: {  	[dreg:$0x5] =	wrdreg $0x9  }
0xb3: {  	_ =	task.clear_ibuf [dreg:s8], $0x6FFFF;
	_ =	strace $0x90000046  }
0xb4: {  	s29 =	simm.s32 $0x9;
	_ =	strace $0x80000048  }
0xb5: {  	_ =	swait.ge [sflag:s29], $0x1  }
0xb6: {  	[sflag:s29] =	ssyncadd.s32 $0xFFFFFFFF  }
0xb7: {  	_ =	strace $0x90000048  }
0xb8: {  	_ =	sfence  }
0xb9: {  	s30 =	sld [smem:$0x0];
	_ =	sdelay $0x2  }
0xba: {  	s31 =	sshll.u32 s1, $0xD;
	s1 =	sshrl.u32 s1, $0x2  }
0xbb: {  	s3 =	sand.u32 $0x4000, s31;
	s1 =	sadd.s32 s1, s30  }
0xbc: {  	s0 =	sor.u32 s3, s0;
	s1 =	sshll.u32 s1, $0x11  }
0xbd: {  	s0 =	sor.u32 s1, s0  }
0xbe: {  	s0 =	sadd.s32 $0x8F2B, s0  }
0xbf: {  	[sflag:s0] =	ssyncadd.remote.s32 $0x1  }
0xc0: {  	_ =	sfence.sel $0xFFFF  }
0xc1: {  	[dreg:$0x0] =	wrdreg $0xFFFFFFFF;
	(pc) =	sbr.abs _section_cstart, $3  }
0xc2: {  	[dreg:$0x1] =	wrdreg $0xFFFFFFFF  }
0xc3: {  	_ =	task.clear_ibuf [dreg:s8], $0x2FFFF;
	_ =	strace $0x9FFFFFFF  }
0xc4: {  	(tm) =	ssettm $0x7FFFFFFF  }
0xc5: {  	_ =	shalt  }
tec
execute0_lowered:
.L_overlay_start_1:
0x0: {  	(tag) =	ssettag $0x1  }
0x1: {  	v11 =	vlaneseq.u32;
	v42 =	vimm.s32 $0xF0E0D0C  }
0x2: {  	v1 =	vmul.u32 $0x81, v11;
	v44 =	vunpack.c.0.s8.s32 v42;
	_ =	sdelay $0x1  }
0x3: {  	v5 =	vadd.s32 $0x812, v1;
	[tilespmem:$0x1FD60] =	vst v44  }
0x4: {  	v0 =	vimm.s32 $0x87654321;
	v2 =	vimm.s32 $0xFFEDCBA9;
	v39 =	vadd.s32 $0x1022, v1;
	[tilespmem:$0x1FCA0] =	vst v5  }
0x5: {  	v0 =	vunpack.c.l.s4.s8 v0;
	v2 =	vunpack.c.l.s4.s8 v2;
	v6 =	vadd.s32 $0x1023, v1;
	[tilespmem:$0x1FCB0] =	vst v39  }
0x6: {  	v3 =	vimm.s32 $0x98765432;
	v43 =	vadd.s32 $0x814, v1;
	[tilespmem:$0x1FD00] =	vst v6  }
0x7: {  	v0 =	vunpack.c.0.s8.s32 v0;
	v2 =	vunpack.c.0.s8.s32 v2;
	v7 =	vadd.s32 $0x1024, v1;
	[tilespmem:$0x1FD40] =	vst v43  }
0x8: {  	v4 =	vimm.s32 $0xFFFEDCBA;
	v3 =	vunpack.c.l.s4.s8 v3;
	v47 =	vadd.s32 $0x5, v1;
	[tilespmem:$0x1FD50] =	vst v7  }
0x9: {  	v4 =	vunpack.c.l.s4.s8 v4;
	[tilespmem:$0x1FD90] =	vst v47;
	v19 =	vcombine.low v0, v2;
	v0 =	vadd.s32 $0x1831, v1  }
0xa: {  	[tilespmem:$0x1FC80] =	vst v0;
	v0 =	vadd.s32 $0x2, v1  }
0xb: {  	v48 =	vadd.s32 $0x815, v1;
	[tilespmem:$0x1FC90] =	vst v0;
	v0 =	vunpack.c.0.s8.s32 v3;
	v3 =	vunpack.c.0.s8.s32 v4  }
0xc: {  	v49 =	vadd.s32 $0x1025, v1;
	[tilespmem:$0x1FDA0] =	vst v48  }
0xd: {  	v50 =	vadd.s32 $0x1835, v1;
	[tilespmem:$0x1FDB0] =	vst v49;
	v0 =	vcombine.low v0, v3  }
0xe: {  	[tilespmem:$0x1FDE0] =	vst v50  }
0xf: {  	v38 =	vimm.s32 $0xA9876543;
	[tilespmem:$0x1FCC0] =	vst v0;
	v0 =	vadd.s32 $0x1832, v1  }
0x10: {  	v4 =	vunpack.c.l.s4.s8 v38;
	[tilespmem:$0x1FCD0] =	vst v0;
	v0 =	vadd.s32 $0x3, v1  }
0x11: {  	[tilespmem:$0x1FCE0] =	vst v0;
	v0 =	vadd.s32 $0x813, v1  }
0x12: {  	v40 =	vimm.s32 $0xE0D0C0B;
	v51 =	vadd.s32 $0x6, v1;
	[tilespmem:$0x1FCF0] =	vst v0;
	v0 =	vunpack.c.0.s8.s32 v4  }
0x13: {  	vm0 =	vcmask $0x1F00;
	v52 =	vadd.s32 $0x816, v1;
	[tilespmem:$0x1FDF0] =	vst v51;
	v4 =	vunpack.c.0.s8.s32 v40  }
0x14: {  	vm1 =	vcmask $0x2F20;
	v55 =	vadd.s32 $0x1026, v1;
	[tilespmem:$0x1FE00] =	vst v52;
	v0 =	vnsel vm0, $0xF, v0  }
0x15: {  	v41 =	vimm.s32 $0xBA987654;
	[tilespmem:$0x1FE10] =	vst v55;
	v0 =	vsel vm1, v4, v0  }
0x16: {  	v5 =	vunpack.c.l.s4.s8 v41;
	[tilespmem:$0x1FD10] =	vst v0;
	v0 =	vadd.s32 $0x1833, v1  }
0x17: {  	v45 =	vimm.s32 $0xCBA98765;
	[tilespmem:$0x1FD20] =	vst v0;
	v0 =	vadd.s32 $0x4, v1  }
0x18: {  	v56 =	vadd.s32 $0x1836, v1;
	[tilespmem:$0x1FD30] =	vst v0;
	v0 =	vunpack.c.0.s8.s32 v5;
	v5 =	vunpack.c.l.s4.s8 v45  }
0x19: {  	v46 =	vimm.s32 $0xF0F0E0D;
	v57 =	vadd.s32 $0x7, v1;
	[tilespmem:$0x1FE30] =	vst v56  }
0x1a: {  	v58 =	vadd.s32 $0x817, v1;
	[tilespmem:$0x1FE40] =	vst v57;
	v0 =	vnsel vm0, $0xF, v0;
	v5 =	vunpack.c.0.s8.s32 v5  }
0x1b: {  	v6 =	vunpack.c.0.s8.s32 v46;
	[tilespmem:$0x1FE50] =	vst v58;
	v0 =	vsel vm1, v44, v0  }
0x1c: {  	[tilespmem:$0x1FD70] =	vst v0;
	v0 =	vadd.s32 $0x1834, v1;
	v5 =	vnsel vm0, $0xF, v5  }
0x1d: {  	v53 =	vimm.s32 $0xEDCBA987;
	[tilespmem:$0x1FD80] =	vst v0;
	v0 =	vimm.s32 $0xDCBA9876;
	v5 =	vsel vm1, v6, v5  }
0x1e: {  	v59 =	vadd.s32 $0x1027, v1;
	v0 =	vunpack.c.l.s4.s8 v0;
	[tilespmem:$0x1FDD0] =	vst v5;
	v5 =	vunpack.c.l.s4.s8 v53  }
0x1f: {  	v60 =	vadd.s32 $0x1837, v1;
	[tilespmem:$0x1FE60] =	vst v59  }
0x20: {  	v61 =	vadd.s32 $0x8, v1;
	[tilespmem:$0x1FE80] =	vst v60;
	v0 =	vunpack.c.0.s8.s32 v0;
	v5 =	vunpack.c.0.s8.s32 v5  }
0x21: {  	s1 =	srdreg.scid;
	s7 =	rddreg [dreg:$0x0];
	[tilespmem:$0x1FE90] =	vst v61  }
0x22: {  	s0 =	stileid.u32;
	s5 =	rddreg [dreg:$0x2];
	[tilespmem:$0x1FDC0] =	vst v6;
	vm1 =	vcmask $0x2320;
	v0 =	vnsel vm0, $0xF, v0;
	v5 =	vnsel vm0, $0xF, v5  }
0x23: {  	s2 =	rddreg [dreg:$0x3];
	s3 =	simm.s32 $0x0;
	s6 =	sand.u32 $0x1, s1;
	v0 =	vsel vm1, $0xE, v0;
	[tilespmem:$0x1FE70] =	vst v5  }
0x24: {  	[smem:$0x7FF] =	sst s3;
	s1 =	sor.u32 s6, s0;
	v62 =	vadd.s32 $0x818, v1;
	[tilespmem:$0x1FE20] =	vst v0  }
0x25: {  	v54 =	vimm.s32 $0xFEDCBA98;
	p0 =	seq.s32 s1, $0x0;
	s1 =	rddreg [dreg:$0x1];
	v63 =	vadd.s32 $0x1028, v1;
	_ =	strace $0x80000047;
	[tilespmem:$0x1FEA0] =	vst v62  }
0x26: {  	v13 =	vadd.s32 $0x810, v1;
	v0 =	vunpack.c.l.s4.s8 v54;
	[tilespmem:$0x1FEB0] =	vst v63  }
0x27: {  	[tilespmem:$0x1FFC0] =	vst v13  }
0x28: {  	v18 =	vadd.s32 $0x1021, v1;
	[tilespmem:$0x1FFD0] =	vst v19;
	v0 =	vunpack.c.0.s8.s32 v0  }
0x29: {  	v17 =	vadd.s32 $0x811, v1;
	[tilespmem:$0x1FFE0] =	vst v18  }
0x2a: {  	[tilespmem:$0x1FFF0] =	vst v17;
	v0 =	vnsel vm0, $0xF, v0  }
0x2b: {  	[tilespmem:$0x1FEC0] =	vst v0;
	v0 =	vadd.s32 $0x1838, v1  }
0x2c: {  	[tilespmem:$0x1FED0] =	vst v0;
	v0 =	vadd.s32 $0x9, v1  }
0x2d: {  	[tilespmem:$0x1FEE0] =	vst v0;
	v0 =	vadd.s32 $0x819, v1  }
0x2e: {  	[tilespmem:$0x1FEF0] =	vst v0;
	v0 =	vadd.s32 $0x1029, v1  }
0x2f: {  	[tilespmem:$0x1FF00] =	vst v0;
	v0 =	vnsel vm0, $0xF, v2  }
0x30: {  	p1 =	seq.s32 s6, $0x1;
	[tilespmem:$0x1FF10] =	vst v0;
	v0 =	vadd.s32 $0x1839, v1  }
0x31: {  	p0 =	por !p0, !p1;
	[tilespmem:$0x1FF20] =	vst v0;
	v0 =	vadd.s32 $0xA, v1  }
0x32: {  	s4 =	simm.s32 $0x1;
	p0 =	por !p0, !p0;
	[tilespmem:$0x1FF30] =	vst v0;
	v0 =	vadd.s32 $0x81A, v1  }
0x33: {  	s4 =	simm.s32 @!p0 $0x0;
	[tilespmem:$0x1FF40] =	vst v0;
	v0 =	vadd.s32 $0x102A, v1  }
0x34: {  	s13 =	simm.s32 $0x0;
	s10 =	ssub.s32 $0x2, s6;
	s8 =	ssub.s32 s0, s4;
	[tilespmem:$0x1FF50] =	vst v0;
	v0 =	vnsel vm0, $0xF, v3  }
0x35: {  	s12 =	sshll.u32 s6, $0xC;
	s31 =	sshrl.u32 s10, $0x1;
	s9 =	sshll.u32 s8, $0x13;
	[tilespmem:$0x1FF60] =	vst v0;
	v0 =	vadd.s32 $0x183A, v1  }
0x36: {  	s10 =	ssub.s32 s10, s31;
	s8 =	sshll.u32 s8, $0xD;
	s9 =	sand.u32 $0x1FF80000, s9;
	[tilespmem:$0x1FF70] =	vst v0;
	v0 =	vadd.s32 $0xB, v1  }
0x37: {  	s4 =	simm.s32 $0x1;
	s8 =	sand.u32 $0x1FFFE000, s8;
	s9 =	sadd.s32 s9, s5;
	[tilespmem:$0x1FF80] =	vst v0;
	v0 =	vadd.s32 $0x81B, v1  }
0x38: {  	s5 =	sshll.u32 s6, $0x8;
	s11 =	sadd.s32 s7, s8;
	s7 =	smax.u32 s10, $0x1;
	vm0 =	vcmask $0xF00;
	[tilespmem:$0x1FF90] =	vst v0;
	v0 =	vadd.s32 $0x102B, v1  }
0x39: {  	v12 =	vimm.s32 $0xF;
	v14 =	vadd.s32 $0x1020, v1;
	s8 =	simm.s32 $0x3;
	s10 =	simm.s32 $0x10000;
	s6 =	sadd.s32 $0x400, s9;
	[tilespmem:$0x1FFA0] =	vst v0;
	v0 =	vnsel vm0, $0xF, v4  }
0x3a: {  	v15 =	vadd.s32 $0x1830, v1;
	v16 =	vadd.s32 $0x1, v1;
	s9 =	sadd.s32 s12, s11;
	s11 =	simm.s32 $0x8000;
	s12 =	simm.s32 $0x2;
	vm1 =	vcmask $0x300;
	[tilespmem:$0x1FFB0] =	vst v0  }
.LBB2_1:
0x3b: {  	[tilespmem:s3], [sflag:$0x3] =	stream.linear.gather [hbm4b:s1+s3], $0x10000, $0x38;
	[tilespmem:$0x18000] =	vst v63  }
0x3c: {  	_ =	swait.ge [sflag:s8], $0x10000  }
0x3d: {  	[sflag:s8] =	ssyncset.done $0x0  }
0x3e: {  	[sflag:s8] =	ssyncadd.s32 $0xFFFF0000  }
0x3f: {  	[tilespmem:s10], [sflag:$0x3] =	stream.linear.gather [hbm4b:s9+s3], $0x8000, $0x38;
	[tilespmem:$0x18000] =	vst v63  }
0x40: {  	_ =	swait.ge [sflag:s8], $0x8000  }
0x41: {  	s14 =	simm.s32 $0x10018;
	[sflag:s8] =	ssyncset.done $0x0  }
0x42: {  	s15 =	simm.s32 $0x10230;
	s16 =	simm.s32 $0x0;
	[sflag:s8] =	ssyncadd.s32 $0xFFFF8000  }
.LBB2_2:
0x43: {  	p0 =	seq.s32 s16, $0x0  }
0x44: {  	s19 =	simm.s32 @!p0 $0x1  }
0x45: {  	_ =	swait.ge @!p0 [sflag:s19], $0x8000  }
0x46: {  	s17 =	sshll.u32 s16, $0x3;
	s20 =	smov.u32 s14;
	[sflag:s19] =	ssyncset.done @!p0 $0x0  }
0x47: {  	s18 =	sadd.s32 s5, s17;
	[sflag:s19] =	ssyncadd.s32 @!p0 $0xFFFF8000;
	s19 =	simm.s32 $0x0  }
.LBB2_3:
0x48: {  	s21 =	sshll.u32 s19, $0xD  }
0x49: {  	v2 =	vld [tilespmem:s20+$0xFFFFFFE8];
	v3 =	vor.u32 s21, v1  }
0x4a: {  	v4 =	vld [tilespmem:s20+$0xFFFFFFF8];
	v5 =	vor.u32 s21, v13  }
0x4b: {  	v6 =	vld [tilespmem:s20+$0x8];
	v7 =	vor.u32 s21, v14  }
0x4c: {  	v0 =	vld [tilespmem:s20+$0x18];
	v8 =	vor.u32 s21, v15;
	_ =	sdelay $0x1  }
0x4d: {  	[tilespmem:v3+s3+$0x0] =	vst.idx.msk $0xffff, v2  }
0x4e: {  	[tilespmem:v5+s3+$0x0] =	vst.idx.msk $0xffff, v4  }
0x4f: {  	[tilespmem:v7+s3+$0x0] =	vst.idx.msk $0xffff, v6  }
0x50: {  	[tilespmem:v8+s3+$0x0] =	vst.idx.msk $0xffff, v0  }
0x51: {  	v3 =	vld [tilespmem:s20+$0xFFFFFFE9]  }
0x52: {  	v5 =	vor.u32 s21, v16;
	_ =	sdelay $0x3  }
0x53: {  	v2 =	vmax.f32 v2, v3  }
0x54: {  	[tilespmem:v5+s3+$0x0] =	vst.idx.msk $0xffff, v2  }
0x55: {  	v3 =	vld [tilespmem:s20+$0xFFFFFFF9]  }
0x56: {  	v5 =	vor.u32 s21, v17;
	_ =	sdelay $0x2  }
0x57: {  	v7 =	vld [tilespmem:$0x1FC80]  }
0x58: {  	v3 =	vmax.f32 v4, v3  }
0x59: {  	[tilespmem:v5+s3+$0x0] =	vst.idx.msk $0xffff, v3  }
0x5a: {  	v4 =	vld [tilespmem:s20+$0x9]  }
0x5b: {  	v5 =	vor.u32 s21, v18  }
0x5c: {  	v7 =	vor.u32 s21, v7;
	_ =	sdelay $0x1  }
0x5d: {  	v8 =	vperm.xlane v0, v19  }
0x5e: {  	v4 =	vmax.f32 v6, v4  }
0x5f: {  	[tilespmem:v5+s3+$0x0] =	vst.idx.msk $0xffff, v4;
	v5 =	vmax.f32 v0, v8  }
0x60: {  	[tilespmem:v7+s3+$0x0] =	vst.idx.msk $0x7fff, v5;
	v7 =	vld [tilespmem:$0x1FC90];
	_ =	sdelay $0x3  }
0x61: {  	v6 =	vld [tilespmem:s20+$0xFFFFFFEA]  }
0x62: {  	v7 =	vor.u32 s21, v7;
	_ =	sdelay $0x3  }
0x63: {  	v2 =	vmax.f32 v2, v6  }
0x64: {  	[tilespmem:v7+s3+$0x0] =	vst.idx.msk $0xffff, v2;
	v7 =	vld [tilespmem:$0x1FCA0];
	_ =	sdelay $0x3  }
0x65: {  	v6 =	vld [tilespmem:s20+$0xFFFFFFFA]  }
0x66: {  	v7 =	vor.u32 s21, v7;
	_ =	sdelay $0x3  }
0x67: {  	v3 =	vmax.f32 v3, v6  }
0x68: {  	[tilespmem:v7+s3+$0x0] =	vst.idx.msk $0xffff, v3;
	v7 =	vld [tilespmem:$0x1FCB0];
	_ =	sdelay $0x2  }
0x69: {  	v8 =	vld [tilespmem:$0x1FCD0]  }
0x6a: {  	v6 =	vld [tilespmem:s20+$0xA]  }
0x6b: {  	v9 =	vld [tilespmem:$0x1FCC0];
	v7 =	vor.u32 s21, v7;
	_ =	sdelay $0x2  }
0x6c: {  	v8 =	vor.u32 s21, v8  }
0x6d: {  	v4 =	vmax.f32 v4, v6  }
0x6e: {  	v9 =	vperm.xlane v0, v9;
	[tilespmem:v7+s3+$0x0] =	vst.idx.msk $0xffff, v4;
	v7 =	vld [tilespmem:$0x1FCE0];
	_ =	sdelay $0x1  }
0x6f: {  	v5 =	vmax.f32 v5, v9  }
0x70: {  	[tilespmem:v8+s3+$0x0] =	vst.idx.msk $0x3fff, v5  }
0x71: {  	v6 =	vld [tilespmem:s20+$0xFFFFFFEB]  }
0x72: {  	v7 =	vor.u32 s21, v7;
	_ =	sdelay $0x3  }
0x73: {  	v2 =	vmax.f32 v2, v6  }
0x74: {  	[tilespmem:v7+s3+$0x0] =	vst.idx.msk $0xffff, v2;
	v7 =	vld [tilespmem:$0x1FCF0];
	_ =	sdelay $0x3  }
0x75: {  	v6 =	vld [tilespmem:s20+$0xFFFFFFFB]  }
0x76: {  	v7 =	vor.u32 s21, v7;
	_ =	sdelay $0x3  }
0x77: {  	v3 =	vmax.f32 v3, v6  }
0x78: {  	[tilespmem:v7+s3+$0x0] =	vst.idx.msk $0xffff, v3;
	v7 =	vld [tilespmem:$0x1FD00];
	_ =	sdelay $0x2  }
0x79: {  	v8 =	vld [tilespmem:$0x1FD20]  }
0x7a: {  	v6 =	vld [tilespmem:s20+$0xB]  }
0x7b: {  	v9 =	vld [tilespmem:$0x1FD10];
	v7 =	vor.u32 s21, v7;
	_ =	sdelay $0x2  }
0x7c: {  	v8 =	vor.u32 s21, v8  }
0x7d: {  	v4 =	vmax.f32 v4, v6  }
0x7e: {  	v9 =	vperm.xlane v0, v9;
	[tilespmem:v7+s3+$0x0] =	vst.idx.msk $0xffff, v4;
	v7 =	vld [tilespmem:$0x1FD30];
	_ =	sdelay $0x1  }
0x7f: {  	v5 =	vmax.f32 v5, v9  }
0x80: {  	[tilespmem:v8+s3+$0x0] =	vst.idx.msk $0x1fff, v5  }
0x81: {  	v6 =	vld [tilespmem:s20+$0xFFFFFFEC]  }
0x82: {  	v7 =	vor.u32 s21, v7;
	_ =	sdelay $0x3  }
0x83: {  	v2 =	vmax.f32 v2, v6  }
0x84: {  	[tilespmem:v7+s3+$0x0] =	vst.idx.msk $0xffff, v2;
	v7 =	vld [tilespmem:$0x1FD40];
	_ =	sdelay $0x3  }
0x85: {  	v6 =	vld [tilespmem:s20+$0xFFFFFFFC]  }
0x86: {  	v7 =	vor.u32 s21, v7;
	_ =	sdelay $0x3  }
0x87: {  	v3 =	vmax.f32 v3, v6  }
0x88: {  	[tilespmem:v7+s3+$0x0] =	vst.idx.msk $0xffff, v3;
	v7 =	vld [tilespmem:$0x1FD50];
	_ =	sdelay $0x2  }
0x89: {  	v8 =	vld [tilespmem:$0x1FD80]  }
0x8a: {  	v6 =	vld [tilespmem:s20+$0xC]  }
0x8b: {  	v9 =	vld [tilespmem:$0x1FD70];
	v7 =	vor.u32 s21, v7;
	_ =	sdelay $0x2  }
0x8c: {  	v8 =	vor.u32 s21, v8  }
0x8d: {  	v4 =	vmax.f32 v4, v6  }
0x8e: {  	v9 =	vperm.xlane v0, v9;
	[tilespmem:v7+s3+$0x0] =	vst.idx.msk $0xffff, v4;
	v7 =	vld [tilespmem:$0x1FD90];
	_ =	sdelay $0x1  }
0x8f: {  	v5 =	vmax.f32 v5, v9  }
0x90: {  	[tilespmem:v8+s3+$0x0] =	vst.idx.msk $0xfff, v5  }
0x91: {  	v6 =	vld [tilespmem:s20+$0xFFFFFFED]  }
0x92: {  	v7 =	vor.u32 s21, v7;
	_ =	sdelay $0x3  }
0x93: {  	v2 =	vmax.f32 v2, v6  }
0x94: {  	[tilespmem:v7+s3+$0x0] =	vst.idx.msk $0xffff, v2;
	v7 =	vld [tilespmem:$0x1FDA0];
	_ =	sdelay $0x3  }
0x95: {  	v6 =	vld [tilespmem:s20+$0xFFFFFFFD]  }
0x96: {  	v7 =	vor.u32 s21, v7;
	_ =	sdelay $0x3  }
0x97: {  	v3 =	vmax.f32 v3, v6  }
0x98: {  	[tilespmem:v7+s3+$0x0] =	vst.idx.msk $0xffff, v3;
	v7 =	vld [tilespmem:$0x1FDB0];
	_ =	sdelay $0x2  }
0x99: {  	v8 =	vld [tilespmem:$0x1FDE0]  }
0x9a: {  	v6 =	vld [tilespmem:s20+$0xD]  }
0x9b: {  	v9 =	vld [tilespmem:$0x1FDD0];
	v7 =	vor.u32 s21, v7;
	_ =	sdelay $0x2  }
0x9c: {  	v8 =	vor.u32 s21, v8  }
0x9d: {  	v4 =	vmax.f32 v4, v6  }
0x9e: {  	v9 =	vperm.xlane v0, v9;
	[tilespmem:v7+s3+$0x0] =	vst.idx.msk $0xffff, v4;
	v7 =	vld [tilespmem:$0x1FDF0];
	_ =	sdelay $0x1  }
0x9f: {  	v5 =	vmax.f32 v5, v9  }
0xa0: {  	[tilespmem:v8+s3+$0x0] =	vst.idx.msk $0x7ff, v5  }
0xa1: {  	v6 =	vld [tilespmem:s20+$0xFFFFFFEE]  }
0xa2: {  	v7 =	vor.u32 s21, v7;
	_ =	sdelay $0x3  }
0xa3: {  	v2 =	vmax.f32 v2, v6  }
0xa4: {  	[tilespmem:v7+s3+$0x0] =	vst.idx.msk $0xffff, v2;
	v7 =	vld [tilespmem:$0x1FE00];
	_ =	sdelay $0x3  }
0xa5: {  	v6 =	vld [tilespmem:s20+$0xFFFFFFFE]  }
0xa6: {  	v7 =	vor.u32 s21, v7;
	_ =	sdelay $0x3  }
0xa7: {  	v3 =	vmax.f32 v3, v6  }
0xa8: {  	[tilespmem:v7+s3+$0x0] =	vst.idx.msk $0xffff, v3;
	v7 =	vld [tilespmem:$0x1FE10];
	_ =	sdelay $0x2  }
0xa9: {  	v8 =	vld [tilespmem:$0x1FE30]  }
0xaa: {  	v6 =	vld [tilespmem:s20+$0xE]  }
0xab: {  	v9 =	vld [tilespmem:$0x1FE20];
	v7 =	vor.u32 s21, v7;
	_ =	sdelay $0x2  }
0xac: {  	v8 =	vor.u32 s21, v8  }
0xad: {  	v4 =	vmax.f32 v4, v6  }
0xae: {  	v9 =	vperm.xlane v0, v9;
	[tilespmem:v7+s3+$0x0] =	vst.idx.msk $0xffff, v4;
	v7 =	vld [tilespmem:$0x1FE40];
	_ =	sdelay $0x1  }
0xaf: {  	v5 =	vmax.f32 v5, v9  }
0xb0: {  	[tilespmem:v8+s3+$0x0] =	vst.idx.msk $0x3ff, v5  }
0xb1: {  	v6 =	vld [tilespmem:s20+$0xFFFFFFEF]  }
0xb2: {  	v7 =	vor.u32 s21, v7;
	_ =	sdelay $0x3  }
0xb3: {  	v2 =	vmax.f32 v2, v6  }
0xb4: {  	[tilespmem:v7+s3+$0x0] =	vst.idx.msk $0xffff, v2;
	v7 =	vld [tilespmem:$0x1FE50];
	_ =	sdelay $0x3  }
0xb5: {  	v6 =	vld [tilespmem:s20+$0xFFFFFFFF]  }
0xb6: {  	v7 =	vor.u32 s21, v7;
	_ =	sdelay $0x3  }
0xb7: {  	v3 =	vmax.f32 v3, v6  }
0xb8: {  	[tilespmem:v7+s3+$0x0] =	vst.idx.msk $0xffff, v3;
	v7 =	vld [tilespmem:$0x1FE60];
	_ =	sdelay $0x2  }
0xb9: {  	v8 =	vld [tilespmem:$0x1FE80]  }
0xba: {  	v6 =	vld [tilespmem:s20+$0xF]  }
0xbb: {  	v9 =	vld [tilespmem:$0x1FE70];
	v7 =	vor.u32 s21, v7;
	_ =	sdelay $0x2  }
0xbc: {  	v8 =	vor.u32 s21, v8  }
0xbd: {  	v4 =	vmax.f32 v4, v6  }
0xbe: {  	v9 =	vperm.xlane v0, v9;
	[tilespmem:v7+s3+$0x0] =	vst.idx.msk $0xffff, v4;
	v7 =	vld [tilespmem:$0x1FE90];
	_ =	sdelay $0x1  }
0xbf: {  	v5 =	vmax.f32 v5, v9  }
0xc0: {  	[tilespmem:v8+s3+$0x0] =	vst.idx.msk $0x1ff, v5  }
0xc1: {  	v6 =	vld [tilespmem:s20+$0xFFFFFFF0]  }
0xc2: {  	v7 =	vor.u32 s21, v7;
	_ =	sdelay $0x3  }
0xc3: {  	v2 =	vmax.f32 v2, v6  }
0xc4: {  	[tilespmem:v7+s3+$0x0] =	vst.idx.msk $0xffff, v2;
	v7 =	vld [tilespmem:$0x1FEA0];
	_ =	sdelay $0x3  }
0xc5: {  	v6 =	vld [tilespmem:s20+$0x0]  }
0xc6: {  	v7 =	vor.u32 s21, v7;
	_ =	sdelay $0x3  }
0xc7: {  	v3 =	vmax.f32 v3, v6  }
0xc8: {  	[tilespmem:v7+s3+$0x0] =	vst.idx.msk $0xffff, v3;
	v7 =	vld [tilespmem:$0x1FEB0];
	_ =	sdelay $0x2  }
0xc9: {  	v8 =	vld [tilespmem:$0x1FED0]  }
0xca: {  	v6 =	vld [tilespmem:s20+$0x10]  }
0xcb: {  	v9 =	vld [tilespmem:$0x1FEC0];
	v7 =	vor.u32 s21, v7;
	_ =	sdelay $0x2  }
0xcc: {  	v8 =	vor.u32 s21, v8  }
0xcd: {  	v4 =	vmax.f32 v4, v6  }
0xce: {  	v9 =	vperm.xlane v0, v9;
	[tilespmem:v7+s3+$0x0] =	vst.idx.msk $0xffff, v4;
	v7 =	vld [tilespmem:$0x1FEE0];
	_ =	sdelay $0x1  }
0xcf: {  	v5 =	vmax.f32 v5, v9  }
0xd0: {  	[tilespmem:v8+s3+$0x0] =	vst.idx.msk $0xff, v5  }
0xd1: {  	v6 =	vld [tilespmem:s20+$0xFFFFFFF1]  }
0xd2: {  	v7 =	vor.u32 s21, v7;
	_ =	sdelay $0x3  }
0xd3: {  	v2 =	vmax.f32 v2, v6  }
0xd4: {  	[tilespmem:v7+s3+$0x0] =	vst.idx.msk $0xffff, v2;
	v7 =	vld [tilespmem:$0x1FEF0];
	_ =	sdelay $0x3  }
0xd5: {  	v6 =	vld [tilespmem:s20+$0x1]  }
0xd6: {  	v7 =	vor.u32 s21, v7;
	_ =	sdelay $0x3  }
0xd7: {  	v3 =	vmax.f32 v3, v6  }
0xd8: {  	[tilespmem:v7+s3+$0x0] =	vst.idx.msk $0xffff, v3;
	v7 =	vld [tilespmem:$0x1FF00];
	_ =	sdelay $0x2  }
0xd9: {  	v8 =	vld [tilespmem:$0x1FF20]  }
0xda: {  	v6 =	vld [tilespmem:s20+$0x11]  }
0xdb: {  	v9 =	vld [tilespmem:$0x1FF10];
	v7 =	vor.u32 s21, v7;
	_ =	sdelay $0x2  }
0xdc: {  	v8 =	vor.u32 s21, v8  }
0xdd: {  	v4 =	vmax.f32 v4, v6  }
0xde: {  	v9 =	vperm.xlane v0, v9;
	[tilespmem:v7+s3+$0x0] =	vst.idx.msk $0xffff, v4;
	v7 =	vld [tilespmem:$0x1FF30];
	_ =	sdelay $0x1  }
0xdf: {  	v5 =	vmax.f32 v5, v9  }
0xe0: {  	[tilespmem:v8+s3+$0x0] =	vst.idx.msk $0x7f, v5  }
0xe1: {  	v6 =	vld [tilespmem:s20+$0xFFFFFFF2]  }
0xe2: {  	v7 =	vor.u32 s21, v7;
	_ =	sdelay $0x3  }
0xe3: {  	v2 =	vmax.f32 v2, v6  }
0xe4: {  	[tilespmem:v7+s3+$0x0] =	vst.idx.msk $0xffff, v2;
	v7 =	vld [tilespmem:$0x1FF40];
	_ =	sdelay $0x3  }
0xe5: {  	v6 =	vld [tilespmem:s20+$0x2]  }
0xe6: {  	v7 =	vor.u32 s21, v7;
	_ =	sdelay $0x3  }
0xe7: {  	v3 =	vmax.f32 v3, v6  }
0xe8: {  	[tilespmem:v7+s3+$0x0] =	vst.idx.msk $0xffff, v3;
	v7 =	vld [tilespmem:$0x1FF50];
	_ =	sdelay $0x2  }
0xe9: {  	v8 =	vld [tilespmem:$0x1FF70]  }
0xea: {  	v6 =	vld [tilespmem:s20+$0x12]  }
0xeb: {  	v9 =	vld [tilespmem:$0x1FF60];
	v7 =	vor.u32 s21, v7;
	_ =	sdelay $0x2  }
0xec: {  	v8 =	vor.u32 s21, v8  }
0xed: {  	v4 =	vmax.f32 v4, v6  }
0xee: {  	v9 =	vperm.xlane v0, v9;
	[tilespmem:v7+s3+$0x0] =	vst.idx.msk $0xffff, v4;
	v7 =	vld [tilespmem:$0x1FF80];
	_ =	sdelay $0x1  }
0xef: {  	v5 =	vmax.f32 v5, v9  }
0xf0: {  	[tilespmem:v8+s3+$0x0] =	vst.idx.msk $0x3f, v5  }
0xf1: {  	v6 =	vld [tilespmem:s20+$0xFFFFFFF3]  }
0xf2: {  	v7 =	vor.u32 s21, v7;
	_ =	sdelay $0x3  }
0xf3: {  	v2 =	vmax.f32 v2, v6  }
0xf4: {  	[tilespmem:v7+s3+$0x0] =	vst.idx.msk $0xffff, v2;
	v7 =	vld [tilespmem:$0x1FF90];
	_ =	sdelay $0x3  }
0xf5: {  	v6 =	vld [tilespmem:s20+$0x3]  }
0xf6: {  	v7 =	vor.u32 s21, v7;
	_ =	sdelay $0x3  }
0xf7: {  	v3 =	vmax.f32 v3, v6  }
0xf8: {  	[tilespmem:v7+s3+$0x0] =	vst.idx.msk $0xffff, v3;
	v7 =	vld [tilespmem:$0x1FFA0];
	_ =	sdelay $0x2  }
0xf9: {  	v9 =	vld [tilespmem:$0x1FFB0]  }
0xfa: {  	v6 =	vld [tilespmem:s20+$0x13]  }
0xfb: {  	v8 =	vadd.s32 $0x183B, v1;
	v7 =	vor.u32 s21, v7  }
0xfc: {  	[tilespmem:$0x1FB00] =	vst v8;
	v8 =	vor.u32 s21, v8;
	_ =	sdelay $0x1  }
0xfd: {  	v9 =	vperm.xlane v0, v9  }
0xfe: {  	v4 =	vmax.f32 v4, v6  }
0xff: {  	v5 =	vmax.f32 v5, v9;
	[tilespmem:v7+s3+$0x0] =	vst.idx.msk $0xffff, v4  }
0x100: {  	[tilespmem:v8+s3+$0x0] =	vst.idx.msk $0x1f, v5  }
0x101: {  	v7 =	vadd.s32 $0xC, v1;
	v6 =	vld [tilespmem:s20+$0xFFFFFFF4]  }
0x102: {  	[tilespmem:$0x1FB10] =	vst v7;
	v7 =	vor.u32 s21, v7;
	_ =	sdelay $0x3  }
0x103: {  	v2 =	vmax.f32 v2, v6  }
0x104: {  	[tilespmem:v7+s3+$0x0] =	vst.idx.msk $0xffff, v2  }
0x105: {  	v7 =	vadd.s32 $0x81C, v1;
	v6 =	vld [tilespmem:s20+$0x4]  }
0x106: {  	[tilespmem:$0x1FB20] =	vst v7;
	v7 =	vor.u32 s21, v7;
	_ =	sdelay $0x3  }
0x107: {  	v9 =	vld [tilespmem:$0x1FD60];
	v3 =	vmax.f32 v3, v6  }
0x108: {  	[tilespmem:v7+s3+$0x0] =	vst.idx.msk $0xffff, v3  }
0x109: {  	v7 =	vadd.s32 $0x102C, v1;
	v6 =	vld [tilespmem:s20+$0x14]  }
0x10a: {  	v8 =	vadd.s32 $0x183C, v1;
	[tilespmem:$0x1FB30] =	vst v7;
	v7 =	vor.u32 s21, v7  }
0x10b: {  	[tilespmem:$0x1FB40] =	vst v8;
	v8 =	vor.u32 s21, v8  }
0x10c: {  	v9 =	vnsel vm0, $0xF, v9  }
0x10d: {  	[tilespmem:$0x1FB50] =	vst v9;
	v9 =	vperm.xlane v0, v9  }
0x10e: {  	v4 =	vmax.f32 v4, v6  }
0x10f: {  	v5 =	vmax.f32 v5, v9;
	[tilespmem:v7+s3+$0x0] =	vst.idx.msk $0xffff, v4  }
0x110: {  	[tilespmem:v8+s3+$0x0] =	vst.idx.msk $0xf, v5  }
0x111: {  	v7 =	vadd.s32 $0xD, v1;
	v6 =	vld [tilespmem:s20+$0xFFFFFFF5]  }
0x112: {  	[tilespmem:$0x1FB60] =	vst v7;
	v7 =	vor.u32 s21, v7;
	_ =	sdelay $0x3  }
0x113: {  	v2 =	vmax.f32 v2, v6  }
0x114: {  	[tilespmem:v7+s3+$0x0] =	vst.idx.msk $0xffff, v2  }
0x115: {  	v7 =	vadd.s32 $0x81D, v1;
	v6 =	vld [tilespmem:s20+$0x5]  }
0x116: {  	[tilespmem:$0x1FB70] =	vst v7;
	v7 =	vor.u32 s21, v7;
	_ =	sdelay $0x3  }
0x117: {  	v9 =	vld [tilespmem:$0x1FDC0];
	v3 =	vmax.f32 v3, v6  }
0x118: {  	[tilespmem:v7+s3+$0x0] =	vst.idx.msk $0xffff, v3  }
0x119: {  	v7 =	vadd.s32 $0x102D, v1;
	v6 =	vld [tilespmem:s20+$0x15]  }
0x11a: {  	v8 =	vadd.s32 $0x183D, v1;
	[tilespmem:$0x1FB80] =	vst v7;
	v7 =	vor.u32 s21, v7  }
0x11b: {  	[tilespmem:$0x1FB90] =	vst v8;
	v8 =	vor.u32 s21, v8  }
0x11c: {  	v9 =	vnsel vm0, $0xF, v9  }
0x11d: {  	[tilespmem:$0x1FBA0] =	vst v9;
	v9 =	vperm.xlane v0, v9  }
0x11e: {  	v4 =	vmax.f32 v4, v6  }
0x11f: {  	v5 =	vmax.f32 v5, v9;
	[tilespmem:v7+s3+$0x0] =	vst.idx.msk $0xffff, v4  }
0x120: {  	[tilespmem:v8+s3+$0x0] =	vst.idx.msk $0x7, v5  }
0x121: {  	v7 =	vadd.s32 $0xE, v1;
	v6 =	vld [tilespmem:s20+$0xFFFFFFF6]  }
0x122: {  	[tilespmem:$0x1FBB0] =	vst v7;
	v7 =	vor.u32 s21, v7;
	_ =	sdelay $0x3  }
0x123: {  	v2 =	vmax.f32 v2, v6  }
0x124: {  	[tilespmem:v7+s3+$0x0] =	vst.idx.msk $0xffff, v2  }
0x125: {  	v7 =	vadd.s32 $0x81E, v1;
	v6 =	vld [tilespmem:s20+$0x6]  }
0x126: {  	[tilespmem:$0x1FBC0] =	vst v7;
	v7 =	vor.u32 s21, v7;
	_ =	sdelay $0x3  }
0x127: {  	v3 =	vmax.f32 v3, v6  }
0x128: {  	[tilespmem:v7+s3+$0x0] =	vst.idx.msk $0xffff, v3  }
0x129: {  	v7 =	vadd.s32 $0x102E, v1;
	v6 =	vld [tilespmem:s20+$0x16]  }
0x12a: {  	v8 =	vadd.s32 $0x183E, v1;
	[tilespmem:$0x1FBD0] =	vst v7;
	v7 =	vor.u32 s21, v7  }
0x12b: {  	[tilespmem:$0x1FBE0] =	vst v8;
	v8 =	vor.u32 s21, v8  }
0x12c: {  	v9 =	vsel vm1, $0xE, v12  }
0x12d: {  	v12 =	vperm.xlane v0, v9  }
0x12e: {  	v4 =	vmax.f32 v4, v6  }
0x12f: {  	v5 =	vmax.f32 v5, v12;
	[tilespmem:v7+s3+$0x0] =	vst.idx.msk $0xffff, v4  }
0x130: {  	[tilespmem:v8+s3+$0x0] =	vst.idx.msk $0x3, v5  }
0x131: {  	v7 =	vadd.s32 $0xF, v1;
	v6 =	vld [tilespmem:s20+$0xFFFFFFF7]  }
0x132: {  	[tilespmem:$0x1FC00] =	vst v7;
	v7 =	vor.u32 s21, v7;
	_ =	sdelay $0x3  }
0x133: {  	v2 =	vmax.f32 v2, v6  }
0x134: {  	[tilespmem:v7+s3+$0x0] =	vst.idx.msk $0xffff, v2  }
0x135: {  	v6 =	vadd.s32 $0x81F, v1;
	v2 =	vld [tilespmem:s20+$0x7]  }
0x136: {  	[tilespmem:$0x1FC10] =	vst v6;
	v6 =	vor.u32 s21, v6;
	_ =	sdelay $0x3  }
0x137: {  	v2 =	vmax.f32 v3, v2  }
0x138: {  	[tilespmem:v6+s3+$0x0] =	vst.idx.msk $0xffff, v2  }
0x139: {  	[tilespmem:$0x1FBF0] =	vst v9;
	v6 =	vadd.s32 $0x102F, v1;
	v2 =	vmul.u32 $0x102, v11;
	v3 =	vld [tilespmem:s20+$0x17]  }
0x13a: {  	v7 =	vadd.s32 $0x183F, v1;
	[tilespmem:$0x1FC20] =	vst v6;
	v6 =	vor.u32 s21, v6  }
0x13b: {  	[tilespmem:$0x1FC30] =	vst v7;
	v7 =	vor.u32 s21, v7;
	v8 =	vadd.s32 $0xF, v2  }
0x13c: {  	v12 =	vimm.s32 $0xF;
	v9 =	vadd.s32 $0x90, v2;
	[tilespmem:$0x1FC40] =	vst v8;
	v8 =	vor.u32 s21, v8  }
0x13d: {  	v0 =	vperm.xlane v0, v12;
	[tilespmem:$0x1FC50] =	vst v9;
	v19 =	vor.u32 s21, v9;
	v9 =	vadd.s32 $0x111, v2  }
0x13e: {  	v3 =	vmax.f32 v4, v3;
	v4 =	vor.u32 s21, v9  }
0x13f: {  	v0 =	vmax.f32 v5, v0;
	[tilespmem:v6+s3+$0x0] =	vst.idx.msk $0xffff, v3  }
0x140: {  	[tilespmem:v7+s3+$0x0] =	vst.idx.msk $0x1, v0  }
0x141: {  	v0 =	vld.idx.msk [tilespmem:v8+s3+$0x0], $0xffff  }
0x142: {  	v3 =	vld.idx.msk [tilespmem:v19+s3+$0x0], $0xffff  }
0x143: {  	v5 =	vadd.s32 $0x11, v2;
	v4 =	vld.idx.msk [tilespmem:v4+s3+$0x0], $0xffff  }
0x144: {  	v20 =	vadd.s32 $0x102F, v2;
	[tilespmem:$0x1FC70] =	vst v5;
	v5 =	vor.u32 s21, v5  }
0x145: {  	v21 =	vadd.s32 $0x10B0, v2;
	v6 =	vor.u32 s21, v20  }
0x146: {  	v23 =	vadd.s32 $0x1131, v2;
	v7 =	vor.u32 s21, v21  }
0x147: {  	v0 =	vmax.f32 v0, v3;
	v3 =	vadd.s32 s21, v23  }
0x148: {  	v0 =	vmax.f32 v0, v4  }
0x149: {  	[tilespmem:v5+s3+$0x0] =	vst.idx.msk $0xffff, v0  }
0x14a: {  	v4 =	vld.idx.msk [tilespmem:v6+s3+$0x0], $0xff  }
0x14b: {  	v5 =	vld.idx.msk [tilespmem:v7+s3+$0x0], $0xff  }
0x14c: {  	v24 =	vadd.s32 $0x1031, v2;
	v3 =	vld.idx.msk [tilespmem:v3+s3+$0x0], $0xff  }
0x14d: {  	v25 =	vadd.s32 $0x113, v2;
	v6 =	vor.u32 s21, v24  }
0x14e: {  	v7 =	vor.u32 s21, v25;
	_ =	sdelay $0x1  }
0x14f: {  	v4 =	vmax.f32 v4, v5  }
0x150: {  	v3 =	vmax.f32 v4, v3  }
0x151: {  	[tilespmem:v6+s3+$0x0] =	vst.idx.msk $0xff, v3  }
0x152: {  	v26 =	vadd.s32 $0x13, v2;
	v4 =	vld.idx.msk [tilespmem:v7+s3+$0x0], $0xffff  }
0x153: {  	v27 =	vadd.s32 $0x1133, v2;
	v5 =	vor.u32 s21, v26  }
0x154: {  	v6 =	vadd.s32 s21, v27;
	_ =	sdelay $0x2  }
0x155: {  	v0 =	vmax.f32 v0, v4  }
0x156: {  	[tilespmem:v5+s3+$0x0] =	vst.idx.msk $0xffff, v0  }
0x157: {  	v29 =	vadd.s32 $0x1033, v2;
	v4 =	vld.idx.msk [tilespmem:v6+s3+$0x0], $0x7f  }
0x158: {  	v30 =	vadd.s32 $0x115, v2;
	v5 =	vor.u32 s21, v29  }
0x159: {  	v6 =	vor.u32 s21, v30;
	_ =	sdelay $0x2  }
0x15a: {  	v3 =	vmax.f32 v3, v4  }
0x15b: {  	[tilespmem:v5+s3+$0x0] =	vst.idx.msk $0x7f, v3  }
0x15c: {  	v31 =	vadd.s32 $0x15, v2;
	v4 =	vld.idx.msk [tilespmem:v6+s3+$0x0], $0xffff  }
0x15d: {  	v32 =	vadd.s32 $0x1135, v2;
	v5 =	vor.u32 s21, v31  }
0x15e: {  	v6 =	vadd.s32 s21, v32;
	_ =	sdelay $0x2  }
0x15f: {  	v0 =	vmax.f32 v0, v4  }
0x160: {  	[tilespmem:v5+s3+$0x0] =	vst.idx.msk $0xffff, v0  }
0x161: {  	v33 =	vadd.s32 $0x1035, v2;
	v4 =	vld.idx.msk [tilespmem:v6+s3+$0x0], $0x3f  }
0x162: {  	v34 =	vadd.s32 $0x117, v2;
	v5 =	vor.u32 s21, v33  }
0x163: {  	v6 =	vor.u32 s21, v34;
	_ =	sdelay $0x2  }
0x164: {  	v3 =	vmax.f32 v3, v4  }
0x165: {  	[tilespmem:v5+s3+$0x0] =	vst.idx.msk $0x3f, v3  }
0x166: {  	v35 =	vadd.s32 $0x17, v2;
	v4 =	vld.idx.msk [tilespmem:v6+s3+$0x0], $0xffff  }
0x167: {  	v36 =	vadd.s32 $0x1137, v2;
	v5 =	vor.u32 s21, v35  }
0x168: {  	v6 =	vadd.s32 s21, v36;
	_ =	sdelay $0x2  }
0x169: {  	v0 =	vmax.f32 v0, v4  }
0x16a: {  	[tilespmem:v5+s3+$0x0] =	vst.idx.msk $0xffff, v0  }
0x16b: {  	v37 =	vadd.s32 $0x1037, v2;
	v4 =	vld.idx.msk [tilespmem:v6+s3+$0x0], $0x1f  }
0x16c: {  	v38 =	vadd.s32 $0x119, v2;
	v5 =	vor.u32 s21, v37  }
0x16d: {  	v6 =	vor.u32 s21, v38;
	_ =	sdelay $0x2  }
0x16e: {  	v3 =	vmax.f32 v3, v4  }
0x16f: {  	[tilespmem:v5+s3+$0x0] =	vst.idx.msk $0x1f, v3  }
0x170: {  	v39 =	vadd.s32 $0x19, v2;
	v4 =	vld.idx.msk [tilespmem:v6+s3+$0x0], $0xffff  }
0x171: {  	v40 =	vadd.s32 $0x1139, v2;
	v5 =	vor.u32 s21, v39  }
0x172: {  	v6 =	vadd.s32 s21, v40;
	_ =	sdelay $0x2  }
0x173: {  	v0 =	vmax.f32 v0, v4  }
0x174: {  	[tilespmem:v5+s3+$0x0] =	vst.idx.msk $0xffff, v0  }
0x175: {  	v41 =	vadd.s32 $0x1039, v2;
	v4 =	vld.idx.msk [tilespmem:v6+s3+$0x0], $0xf  }
0x176: {  	v42 =	vadd.s32 $0x11B, v2;
	v5 =	vor.u32 s21, v41  }
0x177: {  	v6 =	vor.u32 s21, v42;
	_ =	sdelay $0x2  }
0x178: {  	v3 =	vmax.f32 v3, v4  }
0x179: {  	[tilespmem:v5+s3+$0x0] =	vst.idx.msk $0xf, v3  }
0x17a: {  	v43 =	vadd.s32 $0x1B, v2;
	v4 =	vld.idx.msk [tilespmem:v6+s3+$0x0], $0xffff  }
0x17b: {  	v44 =	vadd.s32 $0x113B, v2;
	v5 =	vor.u32 s21, v43  }
0x17c: {  	v6 =	vadd.s32 s21, v44;
	_ =	sdelay $0x2  }
0x17d: {  	v0 =	vmax.f32 v0, v4  }
0x17e: {  	[tilespmem:v5+s3+$0x0] =	vst.idx.msk $0xffff, v0  }
0x17f: {  	v45 =	vadd.s32 $0x103B, v2;
	v4 =	vld.idx.msk [tilespmem:v6+s3+$0x0], $0x7  }
0x180: {  	v46 =	vadd.s32 $0x11D, v2;
	v5 =	vor.u32 s21, v45  }
0x181: {  	v6 =	vor.u32 s21, v46;
	_ =	sdelay $0x2  }
0x182: {  	v3 =	vmax.f32 v3, v4  }
0x183: {  	[tilespmem:v5+s3+$0x0] =	vst.idx.msk $0x7, v3  }
0x184: {  	v47 =	vadd.s32 $0x1D, v2;
	v4 =	vld.idx.msk [tilespmem:v6+s3+$0x0], $0xffff  }
0x185: {  	v48 =	vadd.s32 $0x113D, v2;
	v5 =	vor.u32 s21, v47  }
0x186: {  	v6 =	vadd.s32 s21, v48;
	_ =	sdelay $0x2  }
0x187: {  	v0 =	vmax.f32 v0, v4  }
0x188: {  	[tilespmem:v5+s3+$0x0] =	vst.idx.msk $0xffff, v0  }
0x189: {  	v49 =	vadd.s32 $0x103D, v2;
	v4 =	vld.idx.msk [tilespmem:v6+s3+$0x0], $0x3  }
0x18a: {  	v50 =	vadd.s32 $0x11F, v2;
	v5 =	vor.u32 s21, v49  }
0x18b: {  	v6 =	vor.u32 s21, v50;
	_ =	sdelay $0x2  }
0x18c: {  	v3 =	vmax.f32 v3, v4  }
0x18d: {  	[tilespmem:v5+s3+$0x0] =	vst.idx.msk $0x3, v3  }
0x18e: {  	v51 =	vadd.s32 $0x1F, v2;
	v4 =	vld.idx.msk [tilespmem:v6+s3+$0x0], $0xffff  }
0x18f: {  	v52 =	vadd.s32 $0x113F, v2;
	v5 =	vor.u32 s21, v51  }
0x190: {  	v6 =	vadd.s32 s21, v52;
	_ =	sdelay $0x2  }
0x191: {  	v0 =	vmax.f32 v0, v4  }
0x192: {  	v7 =	vmul.u32 $0x204, v11;
	[tilespmem:v5+s3+$0x0] =	vst.idx.msk $0xffff, v0  }
0x193: {  	v53 =	vadd.s32 $0x103F, v2;
	v0 =	vld.idx.msk [tilespmem:v6+s3+$0x0], $0x1  }
0x194: {  	v2 =	vor.u32 s21, v53;
	v54 =	vadd.s32 $0x1F, v7  }
0x195: {  	v55 =	vadd.s32 $0x121, v7;
	v4 =	vor.u32 s21, v54  }
0x196: {  	v56 =	vadd.s32 $0x223, v7;
	v5 =	vor.u32 s21, v55  }
0x197: {  	v6 =	vadd.s32 s21, v56  }
0x198: {  	v0 =	vmax.f32 v3, v0  }
0x199: {  	[tilespmem:v2+s3+$0x0] =	vst.idx.msk $0x1, v0  }
0x19a: {  	v0 =	vld.idx.msk [tilespmem:v4+s3+$0x0], $0xff  }
0x19b: {  	v2 =	vld.idx.msk [tilespmem:v5+s3+$0x0], $0xff  }
0x19c: {  	v57 =	vadd.s32 $0x23, v7;
	v3 =	vld.idx.msk [tilespmem:v6+s3+$0x0], $0xff  }
0x19d: {  	v58 =	vadd.s32 $0x227, v7;
	v4 =	vor.u32 s21, v57  }
0x19e: {  	v5 =	vadd.s32 s21, v58;
	_ =	sdelay $0x1  }
0x19f: {  	v0 =	vmax.f32 v0, v2  }
0x1a0: {  	v0 =	vmax.f32 v0, v3  }
0x1a1: {  	[tilespmem:v4+s3+$0x0] =	vst.idx.msk $0xff, v0  }
0x1a2: {  	v59 =	vadd.s32 $0x27, v7;
	v2 =	vld.idx.msk [tilespmem:v5+s3+$0x0], $0x7f  }
0x1a3: {  	v60 =	vadd.s32 $0x22B, v7;
	v3 =	vor.u32 s21, v59  }
0x1a4: {  	v4 =	vadd.s32 s21, v60;
	_ =	sdelay $0x2  }
0x1a5: {  	v0 =	vmax.f32 v0, v2  }
0x1a6: {  	[tilespmem:v3+s3+$0x0] =	vst.idx.msk $0x7f, v0  }
0x1a7: {  	v62 =	vadd.s32 $0x2B, v7;
	v2 =	vld.idx.msk [tilespmem:v4+s3+$0x0], $0x3f  }
0x1a8: {  	v63 =	vadd.s32 $0x22F, v7;
	v3 =	vor.u32 s21, v62  }
0x1a9: {  	v4 =	vadd.s32 s21, v63;
	_ =	sdelay $0x2  }
0x1aa: {  	v2 =	vmax.f32 v0, v2  }
0x1ab: {  	[tilespmem:v3+s3+$0x0] =	vst.idx.msk $0x3f, v2  }
0x1ac: {  	v0 =	vadd.s32 $0x2F, v7;
	v3 =	vld.idx.msk [tilespmem:v4+s3+$0x0], $0x1f  }
0x1ad: {  	v22 =	vadd.s32 $0x233, v7;
	v4 =	vor.u32 s21, v0  }
0x1ae: {  	v5 =	vadd.s32 s21, v22;
	_ =	sdelay $0x2  }
0x1af: {  	v2 =	vmax.f32 v2, v3  }
0x1b0: {  	[tilespmem:v4+s3+$0x0] =	vst.idx.msk $0x1f, v2  }
0x1b1: {  	v28 =	vadd.s32 $0x33, v7;
	v3 =	vld.idx.msk [tilespmem:v5+s3+$0x0], $0xf  }
0x1b2: {  	v61 =	vadd.s32 $0x237, v7;
	v4 =	vor.u32 s21, v28  }
0x1b3: {  	v5 =	vadd.s32 s21, v61;
	_ =	sdelay $0x2  }
0x1b4: {  	v6 =	vmax.f32 v2, v3  }
0x1b5: {  	[tilespmem:v4+s3+$0x0] =	vst.idx.msk $0xf, v6  }
0x1b6: {  	v2 =	vadd.s32 $0x37, v7;
	v4 =	vld.idx.msk [tilespmem:v5+s3+$0x0], $0x7  }
0x1b7: {  	v3 =	vadd.s32 $0x23B, v7;
	v5 =	vor.u32 s21, v2  }
0x1b8: {  	v8 =	vadd.s32 s21, v3;
	_ =	sdelay $0x2  }
0x1b9: {  	v6 =	vmax.f32 v6, v4  }
0x1ba: {  	[tilespmem:v5+s3+$0x0] =	vst.idx.msk $0x7, v6  }
0x1bb: {  	v4 =	vadd.s32 $0x3B, v7;
	v8 =	vld.idx.msk [tilespmem:v8+s3+$0x0], $0x3  }
0x1bc: {  	[tilespmem:$0x1FC60] =	vst v9;
	v9 =	vor.u32 s21, v4;
	v5 =	vadd.s32 $0x23F, v7  }
0x1bd: {  	v10 =	vadd.s32 s21, v5;
	_ =	sdelay $0x2  }
0x1be: {  	v8 =	vmax.f32 v6, v8  }
0x1bf: {  	[tilespmem:v9+s3+$0x0] =	vst.idx.msk $0x3, v8  }
0x1c0: {  	v6 =	vadd.s32 $0x3F, v7;
	v9 =	vld.idx.msk [tilespmem:v10+s3+$0x0], $0x1  }
0x1c1: {  	p1 =	sne.s32 s19, $0x3;
	v7 =	vor.u32 s21, v6  }
.Ltmp0:
0x1c2: {  	_ = 	snop;
	(pc) =	sbr.rel @p1 .LBB2_3-.Ltmp0, $3  }
0x1c3: {  	_ =	sdelay $0x1  }
0x1c4: {  	v8 =	vmax.f32 v8, v9  }
0x1c5: {  	s19 =	sadd.s32 $0x1, s19;
	s20 =	sadd.s32 $0x80, s20;
	v19 =	vld [tilespmem:$0x1FFD0];
	[tilespmem:v7+s3+$0x0] =	vst.idx.msk $0x1, v8  }
0x1c6: {  	s18 =	sshll.u32 s18, $0xA  }
0x1c7: {  	s18 =	sadd.s32 s18, s6  }
0x1c8: {  	[hbm4b:s18+s3] =	stream.linear.scatter [tilespmem:s3], [sflag:$0x1], $0x8000, $0x38;
	[tilespmem:$0x18000] =	vst v63  }
0x1c9: {  	s18 =	simm.s32 @!p0 $0x2  }
0x1ca: {  	_ =	swait.ge @!p0 [sflag:s18], $0x8000  }
0x1cb: {  	s17 =	sadd.s32 s17, s5;
	s19 =	smov.u32 s15;
	[sflag:s18] =	ssyncset.done @!p0 $0x0  }
0x1cc: {  	s17 =	sadd.s32 $0x4, s17;
	[sflag:s18] =	ssyncadd.s32 @!p0 $0xFFFF8000;
	s18 =	simm.s32 $0x0  }
.LBB2_5:
0x1cd: {  	s20 =	sshll.u32 s18, $0xD  }
0x1ce: {  	v7 =	vmov s20  }
0x1cf: {  	v7 =	vadd.s32 $0x8000, v7  }
0x1d0: {  	v7 =	vbroadcast v7, $0x0;
	_ =	sdelay $0x1  }
0x1d1: {  	v9 =	vld [tilespmem:s19+$0xFFFFFFD0];
	v10 =	vor.u32 v1, v7  }
0x1d2: {  	v11 =	vld [tilespmem:s19+$0xFFFFFFE0];
	v12 =	vor.u32 v13, v7  }
0x1d3: {  	v17 =	vmov v14;
	v13 =	vld [tilespmem:s19+$0xFFFFFFF0];
	v14 =	vor.u32 v14, v7  }
0x1d4: {  	v8 =	vld [tilespmem:s19+$0x0];
	v18 =	vmov v15;
	v15 =	vor.u32 v15, v7;
	_ =	sdelay $0x1  }
0x1d5: {  	[tilespmem:v10+s3+$0x0] =	vst.idx.msk $0xffff, v9  }
0x1d6: {  	[tilespmem:v12+s3+$0x0] =	vst.idx.msk $0xffff, v11  }
0x1d7: {  	[tilespmem:v14+s3+$0x0] =	vst.idx.msk $0xffff, v13  }
0x1d8: {  	[tilespmem:v15+s3+$0x0] =	vst.idx.msk $0xffff, v8  }
0x1d9: {  	v10 =	vld [tilespmem:s19+$0xFFFFFFD1]  }
0x1da: {  	v12 =	vor.u32 v16, v7;
	_ =	sdelay $0x3  }
0x1db: {  	v9 =	vmax.f32 v9, v10  }
0x1dc: {  	[tilespmem:v12+s3+$0x0] =	vst.idx.msk $0xffff, v9;
	v12 =	vld [tilespmem:$0x1FFF0];
	_ =	sdelay $0x3  }
0x1dd: {  	v10 =	vld [tilespmem:s19+$0xFFFFFFE1]  }
0x1de: {  	v12 =	vor.u32 v12, v7;
	_ =	sdelay $0x3  }
0x1df: {  	v10 =	vmax.f32 v11, v10  }
0x1e0: {  	[tilespmem:v12+s3+$0x0] =	vst.idx.msk $0xffff, v10;
	v12 =	vld [tilespmem:$0x1FFE0]  }
0x1e1: {  	v14 =	vld [tilespmem:$0x1FC80];
	_ =	sdelay $0x2  }
0x1e2: {  	v11 =	vld [tilespmem:s19+$0xFFFFFFF1]  }
0x1e3: {  	v12 =	vor.u32 v12, v7  }
0x1e4: {  	v14 =	vor.u32 v14, v7;
	_ =	sdelay $0x1  }
0x1e5: {  	v15 =	vperm.xlane v8, v19  }
0x1e6: {  	v11 =	vmax.f32 v13, v11  }
0x1e7: {  	[tilespmem:v12+s3+$0x0] =	vst.idx.msk $0xffff, v11;
	v12 =	vmax.f32 v8, v15  }
0x1e8: {  	[tilespmem:v14+s3+$0x0] =	vst.idx.msk $0x7fff, v12;
	v14 =	vld [tilespmem:$0x1FC90];
	_ =	sdelay $0x3  }
0x1e9: {  	v13 =	vld [tilespmem:s19+$0xFFFFFFD2]  }
0x1ea: {  	v14 =	vor.u32 v14, v7;
	_ =	sdelay $0x3  }
0x1eb: {  	v9 =	vmax.f32 v9, v13  }
0x1ec: {  	[tilespmem:v14+s3+$0x0] =	vst.idx.msk $0xffff, v9;
	v14 =	vld [tilespmem:$0x1FCA0];
	_ =	sdelay $0x3  }
0x1ed: {  	v13 =	vld [tilespmem:s19+$0xFFFFFFE2]  }
0x1ee: {  	v14 =	vor.u32 v14, v7;
	_ =	sdelay $0x3  }
0x1ef: {  	v10 =	vmax.f32 v10, v13  }
0x1f0: {  	[tilespmem:v14+s3+$0x0] =	vst.idx.msk $0xffff, v10;
	v14 =	vld [tilespmem:$0x1FCB0];
	_ =	sdelay $0x2  }
0x1f1: {  	v15 =	vld [tilespmem:$0x1FCD0]  }
0x1f2: {  	v13 =	vld [tilespmem:s19+$0xFFFFFFF2]  }
0x1f3: {  	v19 =	vmov v16;
	v16 =	vld [tilespmem:$0x1FCC0];
	v14 =	vor.u32 v14, v7;
	_ =	sdelay $0x2  }
0x1f4: {  	v15 =	vor.u32 v15, v7  }
0x1f5: {  	v11 =	vmax.f32 v11, v13  }
0x1f6: {  	v16 =	vperm.xlane v8, v16;
	[tilespmem:v14+s3+$0x0] =	vst.idx.msk $0xffff, v11;
	v14 =	vld [tilespmem:$0x1FCE0];
	_ =	sdelay $0x1  }
0x1f7: {  	v12 =	vmax.f32 v12, v16  }
0x1f8: {  	[tilespmem:v15+s3+$0x0] =	vst.idx.msk $0x3fff, v12  }
0x1f9: {  	v13 =	vld [tilespmem:s19+$0xFFFFFFD3]  }
0x1fa: {  	v14 =	vor.u32 v14, v7;
	_ =	sdelay $0x3  }
0x1fb: {  	v9 =	vmax.f32 v9, v13  }
0x1fc: {  	[tilespmem:v14+s3+$0x0] =	vst.idx.msk $0xffff, v9;
	v14 =	vld [tilespmem:$0x1FCF0];
	_ =	sdelay $0x3  }
0x1fd: {  	v13 =	vld [tilespmem:s19+$0xFFFFFFE3]  }
0x1fe: {  	v14 =	vor.u32 v14, v7;
	_ =	sdelay $0x3  }
0x1ff: {  	v10 =	vmax.f32 v10, v13  }
0x200: {  	[tilespmem:v14+s3+$0x0] =	vst.idx.msk $0xffff, v10;
	v14 =	vld [tilespmem:$0x1FD00];
	_ =	sdelay $0x2  }
0x201: {  	v15 =	vld [tilespmem:$0x1FD20]  }
0x202: {  	v13 =	vld [tilespmem:s19+$0xFFFFFFF3]  }
0x203: {  	v16 =	vld [tilespmem:$0x1FD10];
	v14 =	vor.u32 v14, v7;
	_ =	sdelay $0x2  }
0x204: {  	v15 =	vor.u32 v15, v7  }
0x205: {  	v11 =	vmax.f32 v11, v13  }
0x206: {  	v16 =	vperm.xlane v8, v16;
	[tilespmem:v14+s3+$0x0] =	vst.idx.msk $0xffff, v11;
	v14 =	vld [tilespmem:$0x1FD30];
	_ =	sdelay $0x1  }
0x207: {  	v12 =	vmax.f32 v12, v16  }
0x208: {  	[tilespmem:v15+s3+$0x0] =	vst.idx.msk $0x1fff, v12  }
0x209: {  	v13 =	vld [tilespmem:s19+$0xFFFFFFD4]  }
0x20a: {  	v14 =	vor.u32 v14, v7;
	_ =	sdelay $0x3  }
0x20b: {  	v9 =	vmax.f32 v9, v13  }
0x20c: {  	[tilespmem:v14+s3+$0x0] =	vst.idx.msk $0xffff, v9;
	v14 =	vld [tilespmem:$0x1FD40];
	_ =	sdelay $0x3  }
0x20d: {  	v13 =	vld [tilespmem:s19+$0xFFFFFFE4]  }
0x20e: {  	v14 =	vor.u32 v14, v7;
	_ =	sdelay $0x3  }
0x20f: {  	v10 =	vmax.f32 v10, v13  }
0x210: {  	[tilespmem:v14+s3+$0x0] =	vst.idx.msk $0xffff, v10;
	v14 =	vld [tilespmem:$0x1FD50];
	_ =	sdelay $0x2  }
0x211: {  	v15 =	vld [tilespmem:$0x1FD80]  }
0x212: {  	v13 =	vld [tilespmem:s19+$0xFFFFFFF4]  }
0x213: {  	v16 =	vld [tilespmem:$0x1FD70];
	v14 =	vor.u32 v14, v7;
	_ =	sdelay $0x2  }
0x214: {  	v15 =	vor.u32 v15, v7  }
0x215: {  	v11 =	vmax.f32 v11, v13  }
0x216: {  	v16 =	vperm.xlane v8, v16;
	[tilespmem:v14+s3+$0x0] =	vst.idx.msk $0xffff, v11;
	v14 =	vld [tilespmem:$0x1FD90];
	_ =	sdelay $0x1  }
0x217: {  	v12 =	vmax.f32 v12, v16  }
0x218: {  	[tilespmem:v15+s3+$0x0] =	vst.idx.msk $0xfff, v12  }
0x219: {  	v13 =	vld [tilespmem:s19+$0xFFFFFFD5]  }
0x21a: {  	v14 =	vor.u32 v14, v7;
	_ =	sdelay $0x3  }
0x21b: {  	v9 =	vmax.f32 v9, v13  }
0x21c: {  	[tilespmem:v14+s3+$0x0] =	vst.idx.msk $0xffff, v9;
	v14 =	vld [tilespmem:$0x1FDA0];
	_ =	sdelay $0x3  }
0x21d: {  	v13 =	vld [tilespmem:s19+$0xFFFFFFE5]  }
0x21e: {  	v14 =	vor.u32 v14, v7;
	_ =	sdelay $0x3  }
0x21f: {  	v10 =	vmax.f32 v10, v13  }
0x220: {  	[tilespmem:v14+s3+$0x0] =	vst.idx.msk $0xffff, v10;
	v14 =	vld [tilespmem:$0x1FDB0];
	_ =	sdelay $0x2  }
0x221: {  	v15 =	vld [tilespmem:$0x1FDE0]  }
0x222: {  	v13 =	vld [tilespmem:s19+$0xFFFFFFF5]  }
0x223: {  	v16 =	vld [tilespmem:$0x1FDD0];
	v14 =	vor.u32 v14, v7;
	_ =	sdelay $0x2  }
0x224: {  	v15 =	vor.u32 v15, v7  }
0x225: {  	v11 =	vmax.f32 v11, v13  }
0x226: {  	v16 =	vperm.xlane v8, v16;
	[tilespmem:v14+s3+$0x0] =	vst.idx.msk $0xffff, v11;
	v14 =	vld [tilespmem:$0x1FDF0];
	_ =	sdelay $0x1  }
0x227: {  	v12 =	vmax.f32 v12, v16  }
0x228: {  	[tilespmem:v15+s3+$0x0] =	vst.idx.msk $0x7ff, v12  }
0x229: {  	v13 =	vld [tilespmem:s19+$0xFFFFFFD6]  }
0x22a: {  	v14 =	vor.u32 v14, v7;
	_ =	sdelay $0x3  }
0x22b: {  	v9 =	vmax.f32 v9, v13  }
0x22c: {  	[tilespmem:v14+s3+$0x0] =	vst.idx.msk $0xffff, v9;
	v14 =	vld [tilespmem:$0x1FE00];
	_ =	sdelay $0x3  }
0x22d: {  	v13 =	vld [tilespmem:s19+$0xFFFFFFE6]  }
0x22e: {  	v14 =	vor.u32 v14, v7;
	_ =	sdelay $0x3  }
0x22f: {  	v10 =	vmax.f32 v10, v13  }
0x230: {  	[tilespmem:v14+s3+$0x0] =	vst.idx.msk $0xffff, v10;
	v14 =	vld [tilespmem:$0x1FE10];
	_ =	sdelay $0x2  }
0x231: {  	v15 =	vld [tilespmem:$0x1FE30]  }
0x232: {  	v13 =	vld [tilespmem:s19+$0xFFFFFFF6]  }
0x233: {  	v16 =	vld [tilespmem:$0x1FE20];
	v14 =	vor.u32 v14, v7;
	_ =	sdelay $0x2  }
0x234: {  	v15 =	vor.u32 v15, v7  }
0x235: {  	v11 =	vmax.f32 v11, v13  }
0x236: {  	v16 =	vperm.xlane v8, v16;
	[tilespmem:v14+s3+$0x0] =	vst.idx.msk $0xffff, v11;
	v14 =	vld [tilespmem:$0x1FE40];
	_ =	sdelay $0x1  }
0x237: {  	v12 =	vmax.f32 v12, v16  }
0x238: {  	[tilespmem:v15+s3+$0x0] =	vst.idx.msk $0x3ff, v12  }
0x239: {  	v13 =	vld [tilespmem:s19+$0xFFFFFFD7]  }
0x23a: {  	v14 =	vor.u32 v14, v7;
	_ =	sdelay $0x3  }
0x23b: {  	v9 =	vmax.f32 v9, v13  }
0x23c: {  	[tilespmem:v14+s3+$0x0] =	vst.idx.msk $0xffff, v9;
	v14 =	vld [tilespmem:$0x1FE50];
	_ =	sdelay $0x3  }
0x23d: {  	v13 =	vld [tilespmem:s19+$0xFFFFFFE7]  }
0x23e: {  	v14 =	vor.u32 v14, v7;
	_ =	sdelay $0x3  }
0x23f: {  	v10 =	vmax.f32 v10, v13  }
0x240: {  	[tilespmem:v14+s3+$0x0] =	vst.idx.msk $0xffff, v10;
	v14 =	vld [tilespmem:$0x1FE60];
	_ =	sdelay $0x2  }
0x241: {  	v15 =	vld [tilespmem:$0x1FE80]  }
0x242: {  	v13 =	vld [tilespmem:s19+$0xFFFFFFF7]  }
0x243: {  	v16 =	vld [tilespmem:$0x1FE70];
	v14 =	vor.u32 v14, v7;
	_ =	sdelay $0x2  }
0x244: {  	v15 =	vor.u32 v15, v7  }
0x245: {  	v11 =	vmax.f32 v11, v13  }
0x246: {  	v16 =	vperm.xlane v8, v16;
	[tilespmem:v14+s3+$0x0] =	vst.idx.msk $0xffff, v11;
	v14 =	vld [tilespmem:$0x1FE90];
	_ =	sdelay $0x1  }
0x247: {  	v12 =	vmax.f32 v12, v16  }
0x248: {  	[tilespmem:v15+s3+$0x0] =	vst.idx.msk $0x1ff, v12  }
0x249: {  	v13 =	vld [tilespmem:s19+$0xFFFFFFD8]  }
0x24a: {  	v14 =	vor.u32 v14, v7;
	_ =	sdelay $0x3  }
0x24b: {  	v9 =	vmax.f32 v9, v13  }
0x24c: {  	[tilespmem:v14+s3+$0x0] =	vst.idx.msk $0xffff, v9;
	v14 =	vld [tilespmem:$0x1FEA0];
	_ =	sdelay $0x3  }
0x24d: {  	v13 =	vld [tilespmem:s19+$0xFFFFFFE8]  }
0x24e: {  	v14 =	vor.u32 v14, v7;
	_ =	sdelay $0x3  }
0x24f: {  	v10 =	vmax.f32 v10, v13  }
0x250: {  	[tilespmem:v14+s3+$0x0] =	vst.idx.msk $0xffff, v10;
	v14 =	vld [tilespmem:$0x1FEB0];
	_ =	sdelay $0x2  }
0x251: {  	v15 =	vld [tilespmem:$0x1FED0]  }
0x252: {  	v13 =	vld [tilespmem:s19+$0xFFFFFFF8]  }
0x253: {  	v16 =	vld [tilespmem:$0x1FEC0];
	v14 =	vor.u32 v14, v7;
	_ =	sdelay $0x2  }
0x254: {  	v15 =	vor.u32 v15, v7  }
0x255: {  	v11 =	vmax.f32 v11, v13  }
0x256: {  	v16 =	vperm.xlane v8, v16;
	[tilespmem:v14+s3+$0x0] =	vst.idx.msk $0xffff, v11;
	v14 =	vld [tilespmem:$0x1FEE0];
	_ =	sdelay $0x1  }
0x257: {  	v12 =	vmax.f32 v12, v16  }
0x258: {  	[tilespmem:v15+s3+$0x0] =	vst.idx.msk $0xff, v12  }
0x259: {  	v13 =	vld [tilespmem:s19+$0xFFFFFFD9]  }
0x25a: {  	v14 =	vor.u32 v14, v7;
	_ =	sdelay $0x3  }
0x25b: {  	v9 =	vmax.f32 v9, v13  }
0x25c: {  	[tilespmem:v14+s3+$0x0] =	vst.idx.msk $0xffff, v9;
	v14 =	vld [tilespmem:$0x1FEF0];
	_ =	sdelay $0x3  }
0x25d: {  	v13 =	vld [tilespmem:s19+$0xFFFFFFE9]  }
0x25e: {  	v14 =	vor.u32 v14, v7;
	_ =	sdelay $0x3  }
0x25f: {  	v10 =	vmax.f32 v10, v13  }
0x260: {  	[tilespmem:v14+s3+$0x0] =	vst.idx.msk $0xffff, v10;
	v14 =	vld [tilespmem:$0x1FF00];
	_ =	sdelay $0x2  }
0x261: {  	v15 =	vld [tilespmem:$0x1FF20]  }
0x262: {  	v13 =	vld [tilespmem:s19+$0xFFFFFFF9]  }
0x263: {  	v16 =	vld [tilespmem:$0x1FF10];
	v14 =	vor.u32 v14, v7;
	_ =	sdelay $0x2  }
0x264: {  	v15 =	vor.u32 v15, v7  }
0x265: {  	v11 =	vmax.f32 v11, v13  }
0x266: {  	v16 =	vperm.xlane v8, v16;
	[tilespmem:v14+s3+$0x0] =	vst.idx.msk $0xffff, v11;
	v14 =	vld [tilespmem:$0x1FF30];
	_ =	sdelay $0x1  }
0x267: {  	v12 =	vmax.f32 v12, v16  }
0x268: {  	[tilespmem:v15+s3+$0x0] =	vst.idx.msk $0x7f, v12  }
0x269: {  	v13 =	vld [tilespmem:s19+$0xFFFFFFDA]  }
0x26a: {  	v14 =	vor.u32 v14, v7;
	_ =	sdelay $0x3  }
0x26b: {  	v9 =	vmax.f32 v9, v13  }
0x26c: {  	[tilespmem:v14+s3+$0x0] =	vst.idx.msk $0xffff, v9;
	v14 =	vld [tilespmem:$0x1FF40];
	_ =	sdelay $0x3  }
0x26d: {  	v13 =	vld [tilespmem:s19+$0xFFFFFFEA]  }
0x26e: {  	v14 =	vor.u32 v14, v7;
	_ =	sdelay $0x3  }
0x26f: {  	v10 =	vmax.f32 v10, v13  }
0x270: {  	[tilespmem:v14+s3+$0x0] =	vst.idx.msk $0xffff, v10;
	v14 =	vld [tilespmem:$0x1FF50];
	_ =	sdelay $0x2  }
0x271: {  	v15 =	vld [tilespmem:$0x1FF70]  }
0x272: {  	v13 =	vld [tilespmem:s19+$0xFFFFFFFA]  }
0x273: {  	v16 =	vld [tilespmem:$0x1FF60];
	v14 =	vor.u32 v14, v7;
	_ =	sdelay $0x2  }
0x274: {  	v15 =	vor.u32 v15, v7  }
0x275: {  	v11 =	vmax.f32 v11, v13  }
0x276: {  	v16 =	vperm.xlane v8, v16;
	[tilespmem:v14+s3+$0x0] =	vst.idx.msk $0xffff, v11;
	v14 =	vld [tilespmem:$0x1FF80];
	_ =	sdelay $0x1  }
0x277: {  	v12 =	vmax.f32 v12, v16  }
0x278: {  	[tilespmem:v15+s3+$0x0] =	vst.idx.msk $0x3f, v12  }
0x279: {  	v13 =	vld [tilespmem:s19+$0xFFFFFFDB]  }
0x27a: {  	v14 =	vor.u32 v14, v7;
	_ =	sdelay $0x3  }
0x27b: {  	v9 =	vmax.f32 v9, v13  }
0x27c: {  	[tilespmem:v14+s3+$0x0] =	vst.idx.msk $0xffff, v9;
	v14 =	vld [tilespmem:$0x1FF90];
	_ =	sdelay $0x3  }
0x27d: {  	v13 =	vld [tilespmem:s19+$0xFFFFFFEB]  }
0x27e: {  	v14 =	vor.u32 v14, v7;
	_ =	sdelay $0x3  }
0x27f: {  	v10 =	vmax.f32 v10, v13  }
0x280: {  	[tilespmem:v14+s3+$0x0] =	vst.idx.msk $0xffff, v10;
	v14 =	vld [tilespmem:$0x1FFA0];
	_ =	sdelay $0x2  }
0x281: {  	v15 =	vld [tilespmem:$0x1FB00]  }
0x282: {  	v13 =	vld [tilespmem:s19+$0xFFFFFFFB]  }
0x283: {  	v16 =	vld [tilespmem:$0x1FFB0];
	v14 =	vor.u32 v14, v7;
	_ =	sdelay $0x2  }
0x284: {  	v15 =	vor.u32 v15, v7  }
0x285: {  	v11 =	vmax.f32 v11, v13  }
0x286: {  	v16 =	vperm.xlane v8, v16;
	[tilespmem:v14+s3+$0x0] =	vst.idx.msk $0xffff, v11;
	v14 =	vld [tilespmem:$0x1FB10];
	_ =	sdelay $0x1  }
0x287: {  	v12 =	vmax.f32 v12, v16  }
0x288: {  	[tilespmem:v15+s3+$0x0] =	vst.idx.msk $0x1f, v12  }
0x289: {  	v13 =	vld [tilespmem:s19+$0xFFFFFFDC]  }
0x28a: {  	v14 =	vor.u32 v14, v7;
	_ =	sdelay $0x3  }
0x28b: {  	v9 =	vmax.f32 v9, v13  }
0x28c: {  	[tilespmem:v14+s3+$0x0] =	vst.idx.msk $0xffff, v9;
	v14 =	vld [tilespmem:$0x1FB20];
	_ =	sdelay $0x3  }
0x28d: {  	v13 =	vld [tilespmem:s19+$0xFFFFFFEC]  }
0x28e: {  	v14 =	vor.u32 v14, v7;
	_ =	sdelay $0x3  }
0x28f: {  	v10 =	vmax.f32 v10, v13  }
0x290: {  	[tilespmem:v14+s3+$0x0] =	vst.idx.msk $0xffff, v10;
	v14 =	vld [tilespmem:$0x1FB30];
	_ =	sdelay $0x2  }
0x291: {  	v15 =	vld [tilespmem:$0x1FB40]  }
0x292: {  	v13 =	vld [tilespmem:s19+$0xFFFFFFFC]  }
0x293: {  	v16 =	vld [tilespmem:$0x1FB50];
	v14 =	vor.u32 v14, v7;
	_ =	sdelay $0x2  }
0x294: {  	v15 =	vor.u32 v15, v7  }
0x295: {  	v11 =	vmax.f32 v11, v13  }
0x296: {  	v16 =	vperm.xlane v8, v16;
	[tilespmem:v14+s3+$0x0] =	vst.idx.msk $0xffff, v11;
	v14 =	vld [tilespmem:$0x1FB60];
	_ =	sdelay $0x1  }
0x297: {  	v12 =	vmax.f32 v12, v16  }
0x298: {  	[tilespmem:v15+s3+$0x0] =	vst.idx.msk $0xf, v12  }
0x299: {  	v13 =	vld [tilespmem:s19+$0xFFFFFFDD]  }
0x29a: {  	v14 =	vor.u32 v14, v7;
	_ =	sdelay $0x3  }
0x29b: {  	v9 =	vmax.f32 v9, v13  }
0x29c: {  	[tilespmem:v14+s3+$0x0] =	vst.idx.msk $0xffff, v9;
	v14 =	vld [tilespmem:$0x1FB70];
	_ =	sdelay $0x3  }
0x29d: {  	v13 =	vld [tilespmem:s19+$0xFFFFFFED]  }
0x29e: {  	v14 =	vor.u32 v14, v7;
	_ =	sdelay $0x3  }
0x29f: {  	v10 =	vmax.f32 v10, v13  }
0x2a0: {  	[tilespmem:v14+s3+$0x0] =	vst.idx.msk $0xffff, v10;
	v14 =	vld [tilespmem:$0x1FB80];
	_ =	sdelay $0x2  }
0x2a1: {  	v15 =	vld [tilespmem:$0x1FB90]  }
0x2a2: {  	v13 =	vld [tilespmem:s19+$0xFFFFFFFD]  }
0x2a3: {  	v16 =	vld [tilespmem:$0x1FBA0];
	v14 =	vor.u32 v14, v7;
	_ =	sdelay $0x2  }
0x2a4: {  	v15 =	vor.u32 v15, v7  }
0x2a5: {  	v11 =	vmax.f32 v11, v13  }
0x2a6: {  	v16 =	vperm.xlane v8, v16;
	[tilespmem:v14+s3+$0x0] =	vst.idx.msk $0xffff, v11;
	v14 =	vld [tilespmem:$0x1FBB0];
	_ =	sdelay $0x1  }
0x2a7: {  	v12 =	vmax.f32 v12, v16  }
0x2a8: {  	[tilespmem:v15+s3+$0x0] =	vst.idx.msk $0x7, v12  }
0x2a9: {  	v13 =	vld [tilespmem:s19+$0xFFFFFFDE]  }
0x2aa: {  	v14 =	vor.u32 v14, v7;
	_ =	sdelay $0x3  }
0x2ab: {  	v9 =	vmax.f32 v9, v13  }
0x2ac: {  	[tilespmem:v14+s3+$0x0] =	vst.idx.msk $0xffff, v9;
	v14 =	vld [tilespmem:$0x1FBC0];
	_ =	sdelay $0x3  }
0x2ad: {  	v13 =	vld [tilespmem:s19+$0xFFFFFFEE]  }
0x2ae: {  	v14 =	vor.u32 v14, v7;
	_ =	sdelay $0x3  }
0x2af: {  	v10 =	vmax.f32 v10, v13  }
0x2b0: {  	[tilespmem:v14+s3+$0x0] =	vst.idx.msk $0xffff, v10;
	v14 =	vld [tilespmem:$0x1FBD0]  }
0x2b1: {  	v15 =	vld [tilespmem:$0x1FBE0];
	_ =	sdelay $0x1  }
0x2b2: {  	v16 =	vld [tilespmem:$0x1FBF0]  }
0x2b3: {  	v13 =	vld [tilespmem:s19+$0xFFFFFFFE]  }
0x2b4: {  	v14 =	vor.u32 v14, v7  }
0x2b5: {  	v15 =	vor.u32 v15, v7;
	_ =	sdelay $0x1  }
0x2b6: {  	v16 =	vperm.xlane v8, v16  }
0x2b7: {  	v11 =	vmax.f32 v11, v13  }
0x2b8: {  	v12 =	vmax.f32 v12, v16;
	[tilespmem:v14+s3+$0x0] =	vst.idx.msk $0xffff, v11;
	v14 =	vld [tilespmem:$0x1FC00]  }
0x2b9: {  	[tilespmem:v15+s3+$0x0] =	vst.idx.msk $0x3, v12  }
0x2ba: {  	v13 =	vld [tilespmem:s19+$0xFFFFFFDF];
	_ =	sdelay $0x2  }
0x2bb: {  	v14 =	vor.u32 v14, v7;
	_ =	sdelay $0x1  }
0x2bc: {  	v9 =	vmax.f32 v9, v13;
	v13 =	vld [tilespmem:$0x1FC10];
	_ =	sdelay $0x2  }
0x2bd: {  	[tilespmem:v14+s3+$0x0] =	vst.idx.msk $0xffff, v9  }
0x2be: {  	v9 =	vld [tilespmem:s19+$0xFFFFFFEF]  }
0x2bf: {  	v13 =	vor.u32 v13, v7;
	_ =	sdelay $0x3  }
0x2c0: {  	v9 =	vmax.f32 v10, v9  }
0x2c1: {  	[tilespmem:v13+s3+$0x0] =	vst.idx.msk $0xffff, v9  }
0x2c2: {  	v9 =	vld [tilespmem:s19+$0xFFFFFFFF];
	_ =	sdelay $0x2  }
0x2c3: {  	v10 =	vld [tilespmem:$0x1FC20]  }
0x2c4: {  	v13 =	vld [tilespmem:$0x1FC30]  }
0x2c5: {  	v9 =	vmax.f32 v11, v9;
	v11 =	vld [tilespmem:$0x1FC60];
	_ =	sdelay $0x2  }
0x2c6: {  	v15 =	vimm.s32 $0xF;
	v14 =	vld [tilespmem:$0x1FC40];
	v10 =	vor.u32 v10, v7  }
0x2c7: {  	v8 =	vperm.xlane v8, v15;
	v15 =	vld [tilespmem:$0x1FC50];
	v13 =	vor.u32 v13, v7  }
0x2c8: {  	v11 =	vor.u32 v11, v7;
	_ =	sdelay $0x2  }
0x2c9: {  	v8 =	vmax.f32 v12, v8;
	v14 =	vor.u32 v14, v7;
	[tilespmem:v10+s3+$0x0] =	vst.idx.msk $0xffff, v9  }
0x2ca: {  	v15 =	vor.u32 v15, v7;
	[tilespmem:v13+s3+$0x0] =	vst.idx.msk $0x1, v8  }
0x2cb: {  	v10 =	vld.idx.msk [tilespmem:v11+s3+$0x0], $0xffff  }
0x2cc: {  	v11 =	vld [tilespmem:$0x1FC70];
	_ =	sdelay $0x1  }
0x2cd: {  	v8 =	vld.idx.msk [tilespmem:v14+s3+$0x0], $0xffff  }
0x2ce: {  	v9 =	vld.idx.msk [tilespmem:v15+s3+$0x0], $0xffff;
	_ =	sdelay $0x1  }
0x2cf: {  	v11 =	vor.u32 v11, v7  }
0x2d0: {  	v12 =	vor.u32 v20, v7  }
0x2d1: {  	v13 =	vor.u32 v21, v7  }
0x2d2: {  	v8 =	vmax.f32 v8, v9;
	v9 =	vadd.s32 v23, v7  }
0x2d3: {  	v8 =	vmax.f32 v8, v10  }
0x2d4: {  	[tilespmem:v11+s3+$0x0] =	vst.idx.msk $0xffff, v8  }
0x2d5: {  	v10 =	vld.idx.msk [tilespmem:v12+s3+$0x0], $0xff  }
0x2d6: {  	v11 =	vld.idx.msk [tilespmem:v13+s3+$0x0], $0xff  }
0x2d7: {  	v9 =	vld.idx.msk [tilespmem:v9+s3+$0x0], $0xff  }
0x2d8: {  	v12 =	vor.u32 v24, v7  }
0x2d9: {  	v13 =	vor.u32 v25, v7;
	_ =	sdelay $0x1  }
0x2da: {  	v10 =	vmax.f32 v10, v11  }
0x2db: {  	v9 =	vmax.f32 v10, v9  }
0x2dc: {  	[tilespmem:v12+s3+$0x0] =	vst.idx.msk $0xff, v9  }
0x2dd: {  	v10 =	vld.idx.msk [tilespmem:v13+s3+$0x0], $0xffff  }
0x2de: {  	v11 =	vor.u32 v26, v7  }
0x2df: {  	v12 =	vadd.s32 v27, v7;
	_ =	sdelay $0x2  }
0x2e0: {  	v8 =	vmax.f32 v8, v10  }
0x2e1: {  	[tilespmem:v11+s3+$0x0] =	vst.idx.msk $0xffff, v8  }
0x2e2: {  	v10 =	vld.idx.msk [tilespmem:v12+s3+$0x0], $0x7f  }
0x2e3: {  	v11 =	vor.u32 v29, v7  }
0x2e4: {  	v12 =	vor.u32 v30, v7;
	_ =	sdelay $0x2  }
0x2e5: {  	v9 =	vmax.f32 v9, v10  }
0x2e6: {  	[tilespmem:v11+s3+$0x0] =	vst.idx.msk $0x7f, v9  }
0x2e7: {  	v10 =	vld.idx.msk [tilespmem:v12+s3+$0x0], $0xffff  }
0x2e8: {  	v11 =	vor.u32 v31, v7  }
0x2e9: {  	v12 =	vadd.s32 v32, v7;
	_ =	sdelay $0x2  }
0x2ea: {  	v8 =	vmax.f32 v8, v10  }
0x2eb: {  	[tilespmem:v11+s3+$0x0] =	vst.idx.msk $0xffff, v8  }
0x2ec: {  	v10 =	vld.idx.msk [tilespmem:v12+s3+$0x0], $0x3f  }
0x2ed: {  	v11 =	vor.u32 v33, v7  }
0x2ee: {  	v12 =	vor.u32 v34, v7;
	_ =	sdelay $0x2  }
0x2ef: {  	v9 =	vmax.f32 v9, v10  }
0x2f0: {  	[tilespmem:v11+s3+$0x0] =	vst.idx.msk $0x3f, v9  }
0x2f1: {  	v10 =	vld.idx.msk [tilespmem:v12+s3+$0x0], $0xffff  }
0x2f2: {  	v11 =	vor.u32 v35, v7  }
0x2f3: {  	v12 =	vadd.s32 v36, v7;
	_ =	sdelay $0x2  }
0x2f4: {  	v8 =	vmax.f32 v8, v10  }
0x2f5: {  	[tilespmem:v11+s3+$0x0] =	vst.idx.msk $0xffff, v8  }
0x2f6: {  	v10 =	vld.idx.msk [tilespmem:v12+s3+$0x0], $0x1f  }
0x2f7: {  	v11 =	vor.u32 v37, v7  }
0x2f8: {  	v12 =	vor.u32 v38, v7;
	_ =	sdelay $0x2  }
0x2f9: {  	v9 =	vmax.f32 v9, v10  }
0x2fa: {  	[tilespmem:v11+s3+$0x0] =	vst.idx.msk $0x1f, v9  }
0x2fb: {  	v10 =	vld.idx.msk [tilespmem:v12+s3+$0x0], $0xffff  }
0x2fc: {  	v11 =	vor.u32 v39, v7  }
0x2fd: {  	v12 =	vadd.s32 v40, v7;
	_ =	sdelay $0x2  }
0x2fe: {  	v8 =	vmax.f32 v8, v10  }
0x2ff: {  	[tilespmem:v11+s3+$0x0] =	vst.idx.msk $0xffff, v8  }
0x300: {  	v10 =	vld.idx.msk [tilespmem:v12+s3+$0x0], $0xf  }
0x301: {  	v11 =	vor.u32 v41, v7  }
0x302: {  	v12 =	vor.u32 v42, v7;
	_ =	sdelay $0x2  }
0x303: {  	v9 =	vmax.f32 v9, v10  }
0x304: {  	[tilespmem:v11+s3+$0x0] =	vst.idx.msk $0xf, v9  }
0x305: {  	v10 =	vld.idx.msk [tilespmem:v12+s3+$0x0], $0xffff  }
0x306: {  	v11 =	vor.u32 v43, v7  }
0x307: {  	v12 =	vadd.s32 v44, v7;
	_ =	sdelay $0x2  }
0x308: {  	v8 =	vmax.f32 v8, v10  }
0x309: {  	[tilespmem:v11+s3+$0x0] =	vst.idx.msk $0xffff, v8  }
0x30a: {  	v10 =	vld.idx.msk [tilespmem:v12+s3+$0x0], $0x7  }
0x30b: {  	v11 =	vor.u32 v45, v7  }
0x30c: {  	v12 =	vor.u32 v46, v7;
	_ =	sdelay $0x2  }
0x30d: {  	v9 =	vmax.f32 v9, v10  }
0x30e: {  	[tilespmem:v11+s3+$0x0] =	vst.idx.msk $0x7, v9  }
0x30f: {  	v10 =	vld.idx.msk [tilespmem:v12+s3+$0x0], $0xffff  }
0x310: {  	v11 =	vor.u32 v47, v7  }
0x311: {  	v12 =	vadd.s32 v48, v7;
	_ =	sdelay $0x2  }
0x312: {  	v8 =	vmax.f32 v8, v10  }
0x313: {  	[tilespmem:v11+s3+$0x0] =	vst.idx.msk $0xffff, v8  }
0x314: {  	v10 =	vld.idx.msk [tilespmem:v12+s3+$0x0], $0x3  }
0x315: {  	v11 =	vor.u32 v49, v7  }
0x316: {  	v12 =	vor.u32 v50, v7;
	_ =	sdelay $0x2  }
0x317: {  	v9 =	vmax.f32 v9, v10  }
0x318: {  	[tilespmem:v11+s3+$0x0] =	vst.idx.msk $0x3, v9  }
0x319: {  	v10 =	vld.idx.msk [tilespmem:v12+s3+$0x0], $0xffff  }
0x31a: {  	v11 =	vor.u32 v51, v7  }
0x31b: {  	v12 =	vadd.s32 v52, v7;
	_ =	sdelay $0x2  }
0x31c: {  	v8 =	vmax.f32 v8, v10  }
0x31d: {  	[tilespmem:v11+s3+$0x0] =	vst.idx.msk $0xffff, v8  }
0x31e: {  	v8 =	vld.idx.msk [tilespmem:v12+s3+$0x0], $0x1  }
0x31f: {  	v10 =	vor.u32 v53, v7  }
0x320: {  	v11 =	vor.u32 v54, v7  }
0x321: {  	v12 =	vor.u32 v55, v7  }
0x322: {  	v13 =	vadd.s32 v56, v7  }
0x323: {  	v8 =	vmax.f32 v9, v8  }
0x324: {  	[tilespmem:v10+s3+$0x0] =	vst.idx.msk $0x1, v8  }
0x325: {  	v8 =	vld.idx.msk [tilespmem:v11+s3+$0x0], $0xff  }
0x326: {  	v9 =	vld.idx.msk [tilespmem:v12+s3+$0x0], $0xff  }
0x327: {  	v10 =	vld.idx.msk [tilespmem:v13+s3+$0x0], $0xff  }
0x328: {  	v11 =	vor.u32 v57, v7  }
0x329: {  	v12 =	vadd.s32 v58, v7;
	_ =	sdelay $0x1  }
0x32a: {  	v8 =	vmax.f32 v8, v9  }
0x32b: {  	v8 =	vmax.f32 v8, v10  }
0x32c: {  	[tilespmem:v11+s3+$0x0] =	vst.idx.msk $0xff, v8  }
0x32d: {  	v9 =	vld.idx.msk [tilespmem:v12+s3+$0x0], $0x7f  }
0x32e: {  	v10 =	vor.u32 v59, v7  }
0x32f: {  	v11 =	vadd.s32 v60, v7;
	_ =	sdelay $0x2  }
0x330: {  	v8 =	vmax.f32 v8, v9  }
0x331: {  	[tilespmem:v10+s3+$0x0] =	vst.idx.msk $0x7f, v8  }
0x332: {  	v9 =	vld.idx.msk [tilespmem:v11+s3+$0x0], $0x3f  }
0x333: {  	v10 =	vor.u32 v62, v7  }
0x334: {  	v11 =	vadd.s32 v63, v7;
	_ =	sdelay $0x2  }
0x335: {  	v8 =	vmax.f32 v8, v9  }
0x336: {  	[tilespmem:v10+s3+$0x0] =	vst.idx.msk $0x3f, v8  }
0x337: {  	v9 =	vld.idx.msk [tilespmem:v11+s3+$0x0], $0x1f  }
0x338: {  	v10 =	vor.u32 v0, v7  }
0x339: {  	v11 =	vadd.s32 v22, v7;
	_ =	sdelay $0x2  }
0x33a: {  	v8 =	vmax.f32 v8, v9  }
0x33b: {  	[tilespmem:v10+s3+$0x0] =	vst.idx.msk $0x1f, v8  }
0x33c: {  	v9 =	vld.idx.msk [tilespmem:v11+s3+$0x0], $0xf  }
0x33d: {  	v10 =	vor.u32 v28, v7  }
0x33e: {  	v11 =	vadd.s32 v61, v7;
	_ =	sdelay $0x2  }
0x33f: {  	v8 =	vmax.f32 v8, v9  }
0x340: {  	[tilespmem:v10+s3+$0x0] =	vst.idx.msk $0xf, v8  }
0x341: {  	v9 =	vld.idx.msk [tilespmem:v11+s3+$0x0], $0x7  }
0x342: {  	v10 =	vor.u32 v2, v7  }
0x343: {  	v11 =	vadd.s32 v3, v7;
	_ =	sdelay $0x2  }
0x344: {  	v8 =	vmax.f32 v8, v9  }
0x345: {  	[tilespmem:v10+s3+$0x0] =	vst.idx.msk $0x7, v8  }
0x346: {  	v9 =	vld.idx.msk [tilespmem:v11+s3+$0x0], $0x3  }
0x347: {  	v10 =	vor.u32 v4, v7  }
0x348: {  	v11 =	vadd.s32 v5, v7;
	_ =	sdelay $0x2  }
0x349: {  	v8 =	vmax.f32 v8, v9  }
0x34a: {  	[tilespmem:v10+s3+$0x0] =	vst.idx.msk $0x3, v8  }
0x34b: {  	v9 =	vld.idx.msk [tilespmem:v11+s3+$0x0], $0x1  }
0x34c: {  	p0 =	sne.s32 s18, $0x3;
	v7 =	vor.u32 v6, v7  }
.Ltmp1:
0x34d: {  	_ = 	snop;
	(pc) =	sbr.rel @p0 .LBB2_5-.Ltmp1, $4  }
0x34e: {  	_ = 	snop  }
0x34f: {  	v13 =	vld [tilespmem:$0x1FFC0]  }
0x350: {  	v8 =	vmax.f32 v8, v9  }
0x351: {  	s18 =	sadd.s32 $0x1, s18;
	v16 =	vmov v19;
	v19 =	vld [tilespmem:$0x1FFD0];
	s19 =	sadd.s32 $0x80, s19;
	v14 =	vmov v17;
	v15 =	vmov v18;
	[tilespmem:v7+s3+$0x0] =	vst.idx.msk $0x1, v8  }
0x352: {  	s16 =	sadd.s32 $0x1, s16  }
0x353: {  	p0 =	sne.s32 s16, $0x20  }
.Ltmp2:
0x354: {  	_ = 	snop;
	(pc) =	sbr.rel @p0 .LBB2_2-.Ltmp2, $4  }
0x355: {  	_ = 	snop  }
0x356: {  	s17 =	sshll.u32 s17, $0xA  }
0x357: {  	s14 =	sadd.s32 $0x400, s14;
	s15 =	sadd.s32 $0x400, s15;
	v17 =	vld [tilespmem:$0x1FFF0];
	s17 =	sadd.s32 s17, s6  }
0x358: {  	v11 =	vlaneseq.u32;
	v18 =	vld [tilespmem:$0x1FFE0];
	v12 =	vimm.s32 $0xF;
	[hbm4b:s17+s3] =	stream.linear.scatter [tilespmem:s11], [sflag:$0x2], $0x8000, $0x38  }
0x359: {  	s13 =	sadd.s32 $0x1, s13  }
0x35a: {  	_ =	swait.ge [sflag:s4], $0x8000;
	p0 =	sne.s32 s13, s7  }
.Ltmp3:
0x35b: {  	[sflag:s4] =	ssyncset.done $0x0;
	(pc) =	sbr.rel @p0 .LBB2_1-.Ltmp3, $4  }
0x35c: {  	[sflag:s4] =	ssyncadd.s32 $0xFFFF8000  }
0x35d: {  	_ =	swait.ge [sflag:s12], $0x8000  }
0x35e: {  	[sflag:s12] =	ssyncset.done $0x0  }
0x35f: {  	[sflag:s12] =	ssyncadd.s32 $0xFFFF8000  }
0x360: {  	_ =	sfence.sel $0x180000  }
0x361: {  	[bflag:$0x0] =	sbarrier.arrive $0xFFFF  }
0x362: {  	p0 =	sne.s32 s0, $0x0;
	_ =	strace $0x90000047  }
0x363: {  	s0 =	sadd.s32 @!p0 $0x100000, s2;
	[bflag:$0x2] =	sbarrier.arrive $0xFFFF  }
0x364: {  	[sflag:s0] =	ssyncadd.tile.s32 @!p0 $0x1;
	_ =	shalt  }
.Lfunc_end2:
_tile_overlayer_lowered:
.L_overlay_start_2:
0x365: {  	(tag) =	ssettag $0x2  }
0x366: {  	s0 =	rddreg [dreg:$0x0];
	s2 =	stileid.u32  }
0x367: {  	s1 =	rddreg [dreg:$0x1];
	p0 =	sne.s32 s2, $0x0  }
0x368: {  	s3 =	rddreg [dreg:$0x2];
	[bflag:$0x3] =	sbarrier.arrive $0xFFFF;
	s2 =	simm.s32 @!p0 $0x1C03  }
0x369: {  	[timem:s3], [sflag:s2] =	dma.local @!p0 [hbm:s0], s1  }
0x36a: {  	s0 =	simm.s32 @!p0 $0x3  }
0x36b: {  	_ =	swait.ge @!p0 [sflag:s0], s1  }
0x36c: {  	s1 =	ssub.s32 @!p0 $0x0, s1;
	[sflag:s0] =	ssyncset.done @!p0 $0x0  }
0x36d: {  	[sflag:s0] =	ssyncadd.s32 @!p0 s1  }
0x36e: {  	[bflag:$0x3] =	sbarrier.arrive $0xFFFF  }
0x36f: {  	_ =	shalt  }

</sc_bundles>
